<compile_context>
chip_gen: v7x
topology: tpu7x:2x2x1
jax: 0.10.2.dev20260603
libtpu: 0.0.44.dev20260713+nightly
codegen_flags: <defaults>
</compile_context>

<pallas_src>
import functools

import jax
import jax.numpy as jnp
from jax import lax
from jax.experimental import pallas as pl
from jax.experimental.pallas import tpu as pltpu
from jax.experimental.pallas import tpu_sc as plsc


def _swap(v, k):
    idx = jax.lax.iota(jnp.int32, 16) ^ k
    dnums = lax.GatherDimensionNumbers(
        offset_dims=(), collapsed_slice_dims=(0,), start_index_map=(0,))
    return lax.gather(v, idx[:, None], dnums, slice_sizes=(1,),
                      mode=lax.GatherScatterMode.PROMISE_IN_BOUNDS)


def kernel(activation):
    B, C, H, W = activation.shape
    n_images = B * C
    mesh = plsc.VectorSubcoreMesh(core_axis_name="c", subcore_axis_name="s")
    info = plsc.get_sparse_core_info()
    nw = info.num_cores * info.num_subcores
    per_w = n_images // nw
    nchunk = W // 16

    @functools.partial(
        pl.kernel,
        mesh=mesh,
        out_type=jax.ShapeDtypeStruct((B, C, H, W), jnp.float32),
        scratch_types=[pltpu.VMEM((H, W), jnp.float32)],
    )
    def run(act, out, buf):
        wid = lax.axis_index("s") * info.num_cores + lax.axis_index("c")

        def do_relu(_):
            def row(r, carry):
                for c in range(nchunk):
                    sl = pl.ds(c * 16, 16)
                    v = buf[r, sl]
                    buf[r, sl] = jnp.where(v >= 0, v, 0.0)
                return carry
            lax.fori_loop(0, H, row, 0)
            return 0

        def do_b2(_):
            def row(r, carry):
                for c in range(nchunk):
                    sl = pl.ds(c * 16, 16)
                    v0 = buf[2 * r, sl]
                    v1 = buf[2 * r + 1, sl]
                    s = v0 + v1
                    s = s + _swap(s, 1)
                    m = s >= 0
                    buf[2 * r, sl] = jnp.where(m, v0, 0.0)
                    buf[2 * r + 1, sl] = jnp.where(m, v1, 0.0)
                return carry
            lax.fori_loop(0, H // 2, row, 0)
            return 0

        def do_b4(_):
            def row(r, carry):
                for c in range(nchunk):
                    sl = pl.ds(c * 16, 16)
                    v0 = buf[4 * r, sl]
                    v1 = buf[4 * r + 1, sl]
                    v2 = buf[4 * r + 2, sl]
                    v3 = buf[4 * r + 3, sl]
                    s = (v0 + v1) + (v2 + v3)
                    s = s + _swap(s, 1)
                    s = s + _swap(s, 2)
                    m = s >= 0
                    buf[4 * r, sl] = jnp.where(m, v0, 0.0)
                    buf[4 * r + 1, sl] = jnp.where(m, v1, 0.0)
                    buf[4 * r + 2, sl] = jnp.where(m, v2, 0.0)
                    buf[4 * r + 3, sl] = jnp.where(m, v3, 0.0)
                return carry
            lax.fori_loop(0, H // 4, row, 0)
            return 0

        def image(i, carry):
            n = wid * per_w + i
            b = n // C
            ch = n % C
            g = ch // 48

            @pl.when(g == 3)
            def _():
                pltpu.sync_copy(act.at[b, ch], out.at[b, ch])

            @pl.when(g != 3)
            def _():
                pltpu.sync_copy(act.at[b, ch], buf)
                lax.switch(g, [do_relu, do_b2, do_b4], 0)
                pltpu.sync_copy(buf, out.at[b, ch])

            return carry

        lax.fori_loop(0, per_w, image, 0)

    return run(activation)

# --- scband reference (transcript-rebuilt; emitter-appended) ---
"""Pipeline reference for scband-secure-optimized-block-re-lu-49624052137992 (READ-ONLY COPY).

The authoritative reference and input builder live on the scoring server;
editing this copy changes nothing except your own understanding.
"""

import jax, jax.numpy as jnp
import numpy as np

BLOCK_SIZES = np.array([[1, 1]] * 48 + [[2, 2]] * 48 + [[4, 4]] * 48 + [[0, 1]] * 48)


def setup_inputs(seed: int = 0) -> dict:
    key = jax.random.key(seed)
    activation = jax.random.normal(key, (4, 192, 224, 224), dtype=jnp.float32)
    return {"activation": activation}


def _space_to_depth(x, bh, bw):
    B, C, H, W = x.shape
    x = x.reshape(B, C, H // bh, bh, W // bw, bw)
    x = x.transpose(0, 1, 2, 4, 3, 5)
    return x.reshape(B, C, H // bh, W // bw, bh * bw)


def _depth_to_space(x, bh, bw):
    B, C, Hb, Wb, _ = x.shape
    x = x.reshape(B, C, Hb, Wb, bh, bw)
    x = x.transpose(0, 1, 2, 4, 3, 5)
    return x.reshape(B, C, Hb * bh, Wb * bw)


def _pad(x, bh, bw):
    B, C, H, W = x.shape
    ph = (-H) % bh
    pw = (-W) % bw
    return jnp.pad(x, ((0, 0), (0, 0), (0, ph), (0, pw))), H, W


def reference(activation):
    bs = BLOCK_SIZES
    if np.all(bs == np.array([0, 1])):
        return activation
    is_identity = np.array([0 in b for b in bs])
    active = [b for b in np.unique(bs, axis=0) if 0 not in b]

    reshaped_inputs = []
    mean_tensors = []
    channel_idxs = []
    orig_shapes = []
    crop_hw = []
    for b in active:
        bh, bw = int(b[0]), int(b[1])
        idx = np.where(np.all(bs == b, axis=1))[0]
        cur = activation[:, idx]
        padded, H, W = _pad(cur, bh, bw)
        r = _space_to_depth(padded, bh, bw)
        mean = jnp.sum(r, axis=-1)
        channel_idxs.append(idx)
        reshaped_inputs.append(r)
        orig_shapes.append(mean.shape)
        mean_tensors.append(mean.reshape(-1))
        crop_hw.append((H, W))

    cumsum = [0] + list(np.cumsum([int(m.shape[0]) for m in mean_tensors]))
    mean_cat = jnp.concatenate(mean_tensors, axis=0)
    sign_cat = (mean_cat >= 0).astype(activation.dtype)

    relu_map = jnp.ones_like(activation)
    for i, b in enumerate(active):
        bh, bw = int(b[0]), int(b[1])
        sign = sign_cat[int(cumsum[i]):int(cumsum[i + 1])].reshape(orig_shapes[i])
        repeats = reshaped_inputs[i].shape[-1]
        rep = jnp.repeat(sign[..., None], repeats, axis=-1)
        H, W = crop_hw[i]
        dmap = _depth_to_space(rep, bh, bw)[:, :, :H, :W]
        relu_map = relu_map.at[:, channel_idxs[i]].set(dmap)

    nonid = np.where(~is_identity)[0]
    out = activation.at[:, nonid].set(relu_map[:, nonid] * activation[:, nonid])
    return out

if __name__ == "__main__":
    import jax
    _d = setup_inputs()
    print(jax.jit(kernel)(*tuple(_d.values())))

</pallas_src>

<mosaic_0001>
#map = affine_map<(d0, d1) -> (0, 0, 0, 0)>
module attributes {stable_mosaic.version = 14 : i64} {
  func.func @run(%arg0: i32, %arg1: i32, %arg2: memref<4x192x224x224xf32, #tpu.memory_space<hbm>>, %arg3: memref<4x192x224x224xf32, #tpu.memory_space<hbm>>, %arg4: memref<224x224xf32, #tpu.memory_space<vmem>>) attributes {dimension_semantics = [#tpu.dimension_semantics<core_parallel>, #tpu.dimension_semantics<subcore_parallel>], iteration_bounds = array<i64: 2, 16>, scalar_prefetch = 0 : i64, scratch_operands = 1 : i64, tpu.core_type = #tpu.core_type<sc_vector_subcore>, window_params = [{transform_indices = #map}, {transform_indices = #map}]} {
    %mul3A = arith.constant 2 : i32
    %mul3A_0 = arith.muli %arg1, %mul3A : i32
    %add3A = arith.addi %mul3A_0, %arg0 : i32
    %scan3A = arith.constant 0 : i32
    %scan3A_1 = arith.constant 0 : i32
    %scan3A_2 = arith.constant 24 : i32
    %scan3A_3 = arith.addi %scan3A_1, %scan3A_2 : i32
    %scan3A_4 = arith.constant 1 : i32
    scf.for %scan3A_6 = %scan3A_1 to %scan3A_3 step %scan3A_4  : i32 {
      %mul3A_7 = arith.constant 24 : i32
      %mul3A_8 = arith.muli %add3A, %mul3A_7 : i32
      %add3A_9 = arith.addi %mul3A_8, %scan3A_6 : i32
      %jit3A = arith.constant 192 : i32
      %div3A = arith.divsi %add3A_9, %jit3A : i32
      %sign3A = arith.constant 0 : i32
      %sign3A_10 = arith.cmpi sgt, %add3A_9, %sign3A : i32
      %sign3A_11 = arith.extui %sign3A_10 : i1 to i32
      %sign3A_12 = arith.constant 0 : i32
      %sign3A_13 = arith.cmpi slt, %add3A_9, %sign3A_12 : i32
      %sign3A_14 = arith.extui %sign3A_13 : i1 to i32
      %sign3A_15 = arith.subi %sign3A_11, %sign3A_14 : i32
      %sign3A_16 = arith.constant 0 : i32
      %sign3A_17 = arith.cmpi sgt, %jit3A, %sign3A_16 : i32
      %sign3A_18 = arith.extui %sign3A_17 : i1 to i32
      %sign3A_19 = arith.constant 0 : i32
      %sign3A_20 = arith.cmpi slt, %jit3A, %sign3A_19 : i32
      %sign3A_21 = arith.extui %sign3A_20 : i1 to i32
      %sign3A_22 = arith.subi %sign3A_18, %sign3A_21 : i32
      %ne3A = arith.cmpi ne, %sign3A_15, %sign3A_22 : i32
      %rem3A = arith.remsi %add3A_9, %jit3A : i32
      %ne3A_23 = arith.constant 0 : i32
      %ne3A_24 = arith.cmpi ne, %rem3A, %ne3A_23 : i32
      %and3A = arith.andi %ne3A, %ne3A_24 : i1
      %sub3A = arith.constant 1 : i32
      %sub3A_25 = arith.subi %div3A, %sub3A : i32
      %select_n3A = arith.select %and3A, %sub3A_25, %div3A : i32
      %jit3A_26 = arith.constant 192 : i32
      %eq3A = arith.constant 0 : i32
      %eq3A_27 = arith.cmpi eq, %jit3A_26, %eq3A : i32
      %jit3A_28 = arith.constant 1 : i32
      %select_n3A_29 = arith.select %eq3A_27, %jit3A_28, %jit3A_26 : i32
      %rem3A_30 = arith.remsi %add3A_9, %select_n3A_29 : i32
      %ne3A_31 = arith.constant 0 : i32
      %ne3A_32 = arith.cmpi ne, %rem3A_30, %ne3A_31 : i32
      %lt3A = arith.constant 0 : i32
      %lt3A_33 = arith.cmpi slt, %rem3A_30, %lt3A : i32
      %lt3A_34 = arith.constant 0 : i32
      %lt3A_35 = arith.cmpi slt, %select_n3A_29, %lt3A_34 : i32
      %ne3A_36 = arith.xori %lt3A_33, %lt3A_35 : i1
      %and3A_37 = arith.andi %ne3A_36, %ne3A_32 : i1
      %add3A_38 = arith.addi %rem3A_30, %select_n3A_29 : i32
      %select_n3A_39 = arith.select %and3A_37, %add3A_38, %rem3A_30 : i32
      %jit3A_40 = arith.constant 48 : i32
      %div3A_41 = arith.divsi %select_n3A_39, %jit3A_40 : i32
      %sign3A_42 = arith.constant 0 : i32
      %sign3A_43 = arith.cmpi sgt, %select_n3A_39, %sign3A_42 : i32
      %sign3A_44 = arith.extui %sign3A_43 : i1 to i32
      %sign3A_45 = arith.constant 0 : i32
      %sign3A_46 = arith.cmpi slt, %select_n3A_39, %sign3A_45 : i32
      %sign3A_47 = arith.extui %sign3A_46 : i1 to i32
      %sign3A_48 = arith.subi %sign3A_44, %sign3A_47 : i32
      %sign3A_49 = arith.constant 0 : i32
      %sign3A_50 = arith.cmpi sgt, %jit3A_40, %sign3A_49 : i32
      %sign3A_51 = arith.extui %sign3A_50 : i1 to i32
      %sign3A_52 = arith.constant 0 : i32
      %sign3A_53 = arith.cmpi slt, %jit3A_40, %sign3A_52 : i32
      %sign3A_54 = arith.extui %sign3A_53 : i1 to i32
      %sign3A_55 = arith.subi %sign3A_51, %sign3A_54 : i32
      %ne3A_56 = arith.cmpi ne, %sign3A_48, %sign3A_55 : i32
      %rem3A_57 = arith.remsi %select_n3A_39, %jit3A_40 : i32
      %ne3A_58 = arith.constant 0 : i32
      %ne3A_59 = arith.cmpi ne, %rem3A_57, %ne3A_58 : i32
      %and3A_60 = arith.andi %ne3A_56, %ne3A_59 : i1
      %sub3A_61 = arith.constant 1 : i32
      %sub3A_62 = arith.subi %div3A_41, %sub3A_61 : i32
      %select_n3A_63 = arith.select %and3A_60, %sub3A_62, %div3A_41 : i32
      %eq3A_64 = arith.constant 3 : i32
      %eq3A_65 = arith.cmpi eq, %select_n3A_63, %eq3A_64 : i32
      %convert_element_type3A = arith.extui %eq3A_65 : i1 to i32
      %cond3A = arith.constant 0 : i32
      %cond3A_66 = arith.cmpi ne, %convert_element_type3A, %cond3A : i32
      scf.if %cond3A_66 {
        "tpu.region"() ({
          %run_scoped3A = tpu.sem_alloc : memref<!tpu.dma_semaphore, #tpu.memory_space<semaphore_mem>>
          %dma_start3A = arith.constant 0 : i32
          %dma_start3A_72 = arith.constant 0 : i32
          %dma_start3A_73 = tpu.memref_slice %arg3[%select_n3A, %select_n3A_39, %dma_start3A, %dma_start3A_72] : memref<4x192x224x224xf32, #tpu.memory_space<hbm>> -> memref<1x1x224x224xf32, #tpu.memory_space<hbm>>
          %dma_start3A_74 = tpu.memref_squeeze %dma_start3A_73 : memref<1x1x224x224xf32, #tpu.memory_space<hbm>> -> memref<224x224xf32, #tpu.memory_space<hbm>>
          %dma_start3A_75 = arith.constant 0 : i32
          %dma_start3A_76 = arith.constant 0 : i32
          %dma_start3A_77 = tpu.memref_slice %arg2[%select_n3A, %select_n3A_39, %dma_start3A_75, %dma_start3A_76] : memref<4x192x224x224xf32, #tpu.memory_space<hbm>> -> memref<1x1x224x224xf32, #tpu.memory_space<hbm>>
          %dma_start3A_78 = tpu.memref_squeeze %dma_start3A_77 : memref<1x1x224x224xf32, #tpu.memory_space<hbm>> -> memref<224x224xf32, #tpu.memory_space<hbm>>
          tpu.enqueue_dma source(%dma_start3A_78 : memref<224x224xf32, #tpu.memory_space<hbm>>) target(%dma_start3A_74 : memref<224x224xf32, #tpu.memory_space<hbm>>) target_semaphore(%run_scoped3A : memref<!tpu.dma_semaphore, #tpu.memory_space<semaphore_mem>>)
          %dma_wait3A = arith.constant 0 : i32
          %dma_wait3A_79 = arith.constant 0 : i32
          %dma_wait3A_80 = tpu.memref_slice %arg3[%select_n3A, %select_n3A_39, %dma_wait3A, %dma_wait3A_79] : memref<4x192x224x224xf32, #tpu.memory_space<hbm>> -> memref<1x1x224x224xf32, #tpu.memory_space<hbm>>
          %dma_wait3A_81 = tpu.memref_squeeze %dma_wait3A_80 : memref<1x1x224x224xf32, #tpu.memory_space<hbm>> -> memref<224x224xf32, #tpu.memory_space<hbm>>
          %dma_wait3A_82 = arith.constant 0 : i32
          %dma_wait3A_83 = arith.constant 0 : i32
          %dma_wait3A_84 = tpu.memref_slice %arg2[%select_n3A, %select_n3A_39, %dma_wait3A_82, %dma_wait3A_83] : memref<4x192x224x224xf32, #tpu.memory_space<hbm>> -> memref<1x1x224x224xf32, #tpu.memory_space<hbm>>
          %dma_wait3A_85 = tpu.memref_squeeze %dma_wait3A_84 : memref<1x1x224x224xf32, #tpu.memory_space<hbm>> -> memref<224x224xf32, #tpu.memory_space<hbm>>
          tpu.wait_dma2 semaphore(%run_scoped3A : memref<!tpu.dma_semaphore, #tpu.memory_space<semaphore_mem>>) src(%dma_wait3A_85 : memref<224x224xf32, #tpu.memory_space<hbm>>) dst(%dma_wait3A_81 : memref<224x224xf32, #tpu.memory_space<hbm>>)
          tpu.yield
        }) : () -> ()
      } else {
      }
      %ne3A_67 = arith.constant 3 : i32
      %ne3A_68 = arith.cmpi ne, %select_n3A_63, %ne3A_67 : i32
      %convert_element_type3A_69 = arith.extui %ne3A_68 : i1 to i32
      %cond3A_70 = arith.constant 0 : i32
      %cond3A_71 = arith.cmpi ne, %convert_element_type3A_69, %cond3A_70 : i32
      scf.if %cond3A_71 {
        "tpu.region"() ({
          %run_scoped3A = tpu.sem_alloc : memref<!tpu.dma_semaphore, #tpu.memory_space<semaphore_mem>>
          %dma_start3A = arith.constant 0 : i32
          %dma_start3A_79 = arith.constant 0 : i32
          %dma_start3A_80 = tpu.memref_slice %arg2[%select_n3A, %select_n3A_39, %dma_start3A, %dma_start3A_79] : memref<4x192x224x224xf32, #tpu.memory_space<hbm>> -> memref<1x1x224x224xf32, #tpu.memory_space<hbm>>
          %dma_start3A_81 = tpu.memref_squeeze %dma_start3A_80 : memref<1x1x224x224xf32, #tpu.memory_space<hbm>> -> memref<224x224xf32, #tpu.memory_space<hbm>>
          %dma_start3A_82 = arith.constant 0 : i32
          %dma_start3A_83 = arith.constant 0 : i32
          %dma_start3A_84 = tpu.memref_slice %arg2[%select_n3A, %select_n3A_39, %dma_start3A_82, %dma_start3A_83] : memref<4x192x224x224xf32, #tpu.memory_space<hbm>> -> memref<1x1x224x224xf32, #tpu.memory_space<hbm>>
          %dma_start3A_85 = tpu.memref_squeeze %dma_start3A_84 : memref<1x1x224x224xf32, #tpu.memory_space<hbm>> -> memref<224x224xf32, #tpu.memory_space<hbm>>
          tpu.enqueue_dma source(%dma_start3A_85 : memref<224x224xf32, #tpu.memory_space<hbm>>) target(%arg4 : memref<224x224xf32, #tpu.memory_space<vmem>>) target_semaphore(%run_scoped3A : memref<!tpu.dma_semaphore, #tpu.memory_space<semaphore_mem>>)
          %dma_wait3A = arith.constant 0 : i32
          %dma_wait3A_86 = arith.constant 0 : i32
          %dma_wait3A_87 = tpu.memref_slice %arg2[%select_n3A, %select_n3A_39, %dma_wait3A, %dma_wait3A_86] : memref<4x192x224x224xf32, #tpu.memory_space<hbm>> -> memref<1x1x224x224xf32, #tpu.memory_space<hbm>>
          %dma_wait3A_88 = tpu.memref_squeeze %dma_wait3A_87 : memref<1x1x224x224xf32, #tpu.memory_space<hbm>> -> memref<224x224xf32, #tpu.memory_space<hbm>>
          %dma_wait3A_89 = arith.constant 0 : i32
          %dma_wait3A_90 = arith.constant 0 : i32
          %dma_wait3A_91 = tpu.memref_slice %arg2[%select_n3A, %select_n3A_39, %dma_wait3A_89, %dma_wait3A_90] : memref<4x192x224x224xf32, #tpu.memory_space<hbm>> -> memref<1x1x224x224xf32, #tpu.memory_space<hbm>>
          %dma_wait3A_92 = tpu.memref_squeeze %dma_wait3A_91 : memref<1x1x224x224xf32, #tpu.memory_space<hbm>> -> memref<224x224xf32, #tpu.memory_space<hbm>>
          tpu.wait_dma2 semaphore(%run_scoped3A : memref<!tpu.dma_semaphore, #tpu.memory_space<semaphore_mem>>) src(%dma_wait3A_92 : memref<224x224xf32, #tpu.memory_space<hbm>>) dst(%arg4 : memref<224x224xf32, #tpu.memory_space<vmem>>)
          tpu.yield
        }) : () -> ()
        %clamp3A = arith.constant 0 : i32
        %clamp3A_72 = arith.constant 2 : i32
        %clamp3A_73 = arith.maxsi %select_n3A_63, %clamp3A : i32
        %clamp3A_74 = arith.minsi %clamp3A_73, %clamp3A_72 : i32
        %cond3A_75 = arith.constant 0 : i32
        %cond3A_76 = arith.constant 0 : i32
        %cond3A_77 = arith.cmpi ne, %clamp3A_74, %cond3A_76 : i32
        %cond3A_78 = scf.if %cond3A_77 -> (i32) {
          %cond3A_79 = arith.constant 1 : i32
          %cond3A_80 = arith.subi %clamp3A_74, %cond3A_79 : i32
          %cond3A_81 = arith.constant 0 : i32
          %cond3A_82 = arith.cmpi ne, %cond3A_80, %cond3A_81 : i32
          %cond3A_83 = scf.if %cond3A_82 -> (i32) {
            %scan3A_84 = arith.constant 0 : i32
            %scan3A_85 = arith.constant 0 : i32
            %scan3A_86 = arith.constant 56 : i32
            %scan3A_87 = arith.addi %scan3A_85, %scan3A_86 : i32
            %scan3A_88 = arith.constant 1 : i32
            scf.for %scan3A_91 = %scan3A_85 to %scan3A_87 step %scan3A_88  : i32 {
              %mul3A_92 = arith.constant 4 : i32
              %mul3A_93 = arith.muli %mul3A_92, %scan3A_91 : i32
              %get3A = arith.index_cast %mul3A_93 : i32 to index
              %get3A_94 = arith.constant 0 : index
              %get3A_95 = tpu.vector_load %arg4[%get3A, %get3A_94] {strides = array<i32>} : memref<224x224xf32, #tpu.memory_space<vmem>>, vector<1x16xf32>,
              %get3A_96 = vector.shape_cast %get3A_95 : vector<1x16xf32> to vector<16xf32>
              %mul3A_97 = arith.constant 4 : i32
              %mul3A_98 = arith.muli %mul3A_97, %scan3A_91 : i32
              %add3A_99 = arith.constant 1 : i32
              %add3A_100 = arith.addi %mul3A_98, %add3A_99 : i32
              %get3A_101 = arith.index_cast %add3A_100 : i32 to index
              %get3A_102 = arith.constant 0 : index
              %get3A_103 = tpu.vector_load %arg4[%get3A_101, %get3A_102] {strides = array<i32>} : memref<224x224xf32, #tpu.memory_space<vmem>>, vector<1x16xf32>,
              %get3A_104 = vector.shape_cast %get3A_103 : vector<1x16xf32> to vector<16xf32>
              %mul3A_105 = arith.constant 4 : i32
              %mul3A_106 = arith.muli %mul3A_105, %scan3A_91 : i32
              %add3A_107 = arith.constant 2 : i32
              %add3A_108 = arith.addi %mul3A_106, %add3A_107 : i32
              %get3A_109 = arith.index_cast %add3A_108 : i32 to index
              %get3A_110 = arith.constant 0 : index
              %get3A_111 = tpu.vector_load %arg4[%get3A_109, %get3A_110] {strides = array<i32>} : memref<224x224xf32, #tpu.memory_space<vmem>>, vector<1x16xf32>,
              %get3A_112 = vector.shape_cast %get3A_111 : vector<1x16xf32> to vector<16xf32>
              %mul3A_113 = arith.constant 4 : i32
              %mul3A_114 = arith.muli %mul3A_113, %scan3A_91 : i32
              %add3A_115 = arith.constant 3 : i32
              %add3A_116 = arith.addi %mul3A_114, %add3A_115 : i32
              %get3A_117 = arith.index_cast %add3A_116 : i32 to index
              %get3A_118 = arith.constant 0 : index
              %get3A_119 = tpu.vector_load %arg4[%get3A_117, %get3A_118] {strides = array<i32>} : memref<224x224xf32, #tpu.memory_space<vmem>>, vector<1x16xf32>,
              %get3A_120 = vector.shape_cast %get3A_119 : vector<1x16xf32> to vector<16xf32>
              %add3A_121 = arith.addf %get3A_96, %get3A_104 : vector<16xf32>
              %add3A_122 = arith.addf %get3A_112, %get3A_120 : vector<16xf32>
              %add3A_123 = arith.addf %add3A_121, %add3A_122 : vector<16xf32>
              %iota3A = tpu.iota {dimensions = array<i32: 0>} : vector<16xi32>
              %xor3A = arith.constant 1 : i32
              %xor3A_124 = vector.broadcast %xor3A : i32 to vector<16xi32>
              %xor3A_125 = arith.xori %iota3A, %xor3A_124 : vector<16xi32>
              %broadcast_in_dim3A = vector.shape_cast %xor3A_125 : vector<16xi32> to vector<16x1xi32>
              %gather3A = vector.shape_cast %broadcast_in_dim3A : vector<16x1xi32> to vector<16xi32>
              %gather3A_126 = tpu.dynamic_gather %add3A_123[%gather3A] in [0] : vector<16xf32>, vector<16xi32> -> vector<16xf32>
              %add3A_127 = arith.addf %add3A_123, %gather3A_126 : vector<16xf32>
              %iota3A_128 = tpu.iota {dimensions = array<i32: 0>} : vector<16xi32>
              %xor3A_129 = arith.constant 2 : i32
              %xor3A_130 = vector.broadcast %xor3A_129 : i32 to vector<16xi32>
              %xor3A_131 = arith.xori %iota3A_128, %xor3A_130 : vector<16xi32>
              %broadcast_in_dim3A_132 = vector.shape_cast %xor3A_131 : vector<16xi32> to vector<16x1xi32>
              %gather3A_133 = vector.shape_cast %broadcast_in_dim3A_132 : vector<16x1xi32> to vector<16xi32>
              %gather3A_134 = tpu.dynamic_gather %add3A_127[%gather3A_133] in [0] : vector<16xf32>, vector<16xi32> -> vector<16xf32>
              %add3A_135 = arith.addf %add3A_127, %gather3A_134 : vector<16xf32>
              %ge3A = arith.constant 0.000000e+00 : f32
              %ge3A_136 = vector.broadcast %ge3A : f32 to vector<16xf32>
              %ge3A_137 = arith.cmpf oge, %add3A_135, %ge3A_136 : vector<16xf32>
              %jit3A_138 = arith.constant 0.000000e+00 : f32
              %broadcast_in_dim3A_139 = vector.broadcast %jit3A_138 : f32 to vector<16xf32>
              %select_n3A_140 = arith.select %ge3A_137, %get3A_96, %broadcast_in_dim3A_139 : vector<16xi1>, vector<16xf32>
              %mul3A_141 = arith.constant 4 : i32
              %mul3A_142 = arith.muli %mul3A_141, %scan3A_91 : i32
              %swap3A = arith.index_cast %mul3A_142 : i32 to index
              %swap3A_143 = arith.constant 0 : index
              %swap3A_144 = tpu.vector_load %arg4[%swap3A, %swap3A_143] {strides = array<i32>} : memref<224x224xf32, #tpu.memory_space<vmem>>, vector<1x16xf32>,
              %swap3A_145 = vector.shape_cast %swap3A_144 : vector<1x16xf32> to vector<16xf32>
              %swap3A_146 = vector.shape_cast %select_n3A_140 : vector<16xf32> to vector<1x16xf32>
              tpu.vector_store %arg4[%swap3A, %swap3A_143], %swap3A_146 {strides = array<i32>} : memref<224x224xf32, #tpu.memory_space<vmem>>, vector<1x16xf32>,
              %jit3A_147 = arith.constant 0.000000e+00 : f32
              %broadcast_in_dim3A_148 = vector.broadcast %jit3A_147 : f32 to vector<16xf32>
              %select_n3A_149 = arith.select %ge3A_137, %get3A_104, %broadcast_in_dim3A_148 : vector<16xi1>, vector<16xf32>
              %mul3A_150 = arith.constant 4 : i32
              %mul3A_151 = arith.muli %mul3A_150, %scan3A_91 : i32
              %add3A_152 = arith.constant 1 : i32
              %add3A_153 = arith.addi %mul3A_151, %add3A_152 : i32
              %swap3A_154 = arith.index_cast %add3A_153 : i32 to index
              %swap3A_155 = arith.constant 0 : index
              %swap3A_156 = tpu.vector_load %arg4[%swap3A_154, %swap3A_155] {strides = array<i32>} : memref<224x224xf32, #tpu.memory_space<vmem>>, vector<1x16xf32>,
              %swap3A_157 = vector.shape_cast %swap3A_156 : vector<1x16xf32> to vector<16xf32>
              %swap3A_158 = vector.shape_cast %select_n3A_149 : vector<16xf32> to vector<1x16xf32>
              tpu.vector_store %arg4[%swap3A_154, %swap3A_155], %swap3A_158 {strides = array<i32>} : memref<224x224xf32, #tpu.memory_space<vmem>>, vector<1x16xf32>,
              %jit3A_159 = arith.constant 0.000000e+00 : f32
              %broadcast_in_dim3A_160 = vector.broadcast %jit3A_159 : f32 to vector<16xf32>
              %select_n3A_161 = arith.select %ge3A_137, %get3A_112, %broadcast_in_dim3A_160 : vector<16xi1>, vector<16xf32>
              %mul3A_162 = arith.constant 4 : i32
              %mul3A_163 = arith.muli %mul3A_162, %scan3A_91 : i32
              %add3A_164 = arith.constant 2 : i32
              %add3A_165 = arith.addi %mul3A_163, %add3A_164 : i32
              %swap3A_166 = arith.index_cast %add3A_165 : i32 to index
              %swap3A_167 = arith.constant 0 : index
              %swap3A_168 = tpu.vector_load %arg4[%swap3A_166, %swap3A_167] {strides = array<i32>} : memref<224x224xf32, #tpu.memory_space<vmem>>, vector<1x16xf32>,
              %swap3A_169 = vector.shape_cast %swap3A_168 : vector<1x16xf32> to vector<16xf32>
              %swap3A_170 = vector.shape_cast %select_n3A_161 : vector<16xf32> to vector<1x16xf32>
              tpu.vector_store %arg4[%swap3A_166, %swap3A_167], %swap3A_170 {strides = array<i32>} : memref<224x224xf32, #tpu.memory_space<vmem>>, vector<1x16xf32>,
              %jit3A_171 = arith.constant 0.000000e+00 : f32
              %broadcast_in_dim3A_172 = vector.broadcast %jit3A_171 : f32 to vector<16xf32>
              %select_n3A_173 = arith.select %ge3A_137, %get3A_120, %broadcast_in_dim3A_172 : vector<16xi1>, vector<16xf32>
              %mul3A_174 = arith.constant 4 : i32
              %mul3A_175 = arith.muli %mul3A_174, %scan3A_91 : i32
              %add3A_176 = arith.constant 3 : i32
              %add3A_177 = arith.addi %mul3A_175, %add3A_176 : i32
              %swap3A_178 = arith.index_cast %add3A_177 : i32 to index
              %swap3A_179 = arith.constant 0 : index
              %swap3A_180 = tpu.vector_load %arg4[%swap3A_178, %swap3A_179] {strides = array<i32>} : memref<224x224xf32, #tpu.memory_space<vmem>>, vector<1x16xf32>,
              %swap3A_181 = vector.shape_cast %swap3A_180 : vector<1x16xf32> to vector<16xf32>
              %swap3A_182 = vector.shape_cast %select_n3A_173 : vector<16xf32> to vector<1x16xf32>
              tpu.vector_store %arg4[%swap3A_178, %swap3A_179], %swap3A_182 {strides = array<i32>} : memref<224x224xf32, #tpu.memory_space<vmem>>, vector<1x16xf32>,
              %mul3A_183 = arith.constant 4 : i32
              %mul3A_184 = arith.muli %mul3A_183, %scan3A_91 : i32
              %get3A_185 = arith.index_cast %mul3A_184 : i32 to index
              %get3A_186 = arith.constant 16 : index
              %get3A_187 = tpu.vector_load %arg4[%get3A_185, %get3A_186] {strides = array<i32>} : memref<224x224xf32, #tpu.memory_space<vmem>>, vector<1x16xf32>,
              %get3A_188 = vector.shape_cast %get3A_187 : vector<1x16xf32> to vector<16xf32>
              %mul3A_189 = arith.constant 4 : i32
              %mul3A_190 = arith.muli %mul3A_189, %scan3A_91 : i32
              %add3A_191 = arith.constant 1 : i32
              %add3A_192 = arith.addi %mul3A_190, %add3A_191 : i32
              %get3A_193 = arith.index_cast %add3A_192 : i32 to index
              %get3A_194 = arith.constant 16 : index
              %get3A_195 = tpu.vector_load %arg4[%get3A_193, %get3A_194] {strides = array<i32>} : memref<224x224xf32, #tpu.memory_space<vmem>>, vector<1x16xf32>,
              %get3A_196 = vector.shape_cast %get3A_195 : vector<1x16xf32> to vector<16xf32>
              %mul3A_197 = arith.constant 4 : i32
              %mul3A_198 = arith.muli %mul3A_197, %scan3A_91 : i32
              %add3A_199 = arith.constant 2 : i32
              %add3A_200 = arith.addi %mul3A_198, %add3A_199 : i32
              %get3A_201 = arith.index_cast %add3A_200 : i32 to index
              %get3A_202 = arith.constant 16 : index
              %get3A_203 = tpu.vector_load %arg4[%get3A_201, %get3A_202] {strides = array<i32>} : memref<224x224xf32, #tpu.memory_space<vmem>>, vector<1x16xf32>,
              %get3A_204 = vector.shape_cast %get3A_203 : vector<1x16xf32> to vector<16xf32>
              %mul3A_205 = arith.constant 4 : i32
              %mul3A_206 = arith.muli %mul3A_205, %scan3A_91 : i32
              %add3A_207 = arith.constant 3 : i32
              %add3A_208 = arith.addi %mul3A_206, %add3A_207 : i32
              %get3A_209 = arith.index_cast %add3A_208 : i32 to index
              %get3A_210 = arith.constant 16 : index
              %get3A_211 = tpu.vector_load %arg4[%get3A_209, %get3A_210] {strides = array<i32>} : memref<224x224xf32, #tpu.memory_space<vmem>>, vector<1x16xf32>,
              %get3A_212 = vector.shape_cast %get3A_211 : vector<1x16xf32> to vector<16xf32>
              %add3A_213 = arith.addf %get3A_188, %get3A_196 : vector<16xf32>
              %add3A_214 = arith.addf %get3A_204, %get3A_212 : vector<16xf32>
              %add3A_215 = arith.addf %add3A_213, %add3A_214 : vector<16xf32>
              %iota3A_216 = tpu.iota {dimensions = array<i32: 0>} : vector<16xi32>
              %xor3A_217 = arith.constant 1 : i32
              %xor3A_218 = vector.broadcast %xor3A_217 : i32 to vector<16xi32>
              %xor3A_219 = arith.xori %iota3A_216, %xor3A_218 : vector<16xi32>
              %broadcast_in_dim3A_220 = vector.shape_cast %xor3A_219 : vector<16xi32> to vector<16x1xi32>
              %gather3A_221 = vector.shape_cast %broadcast_in_dim3A_220 : vector<16x1xi32> to vector<16xi32>
              %gather3A_222 = tpu.dynamic_gather %add3A_215[%gather3A_221] in [0] : vector<16xf32>, vector<16xi32> -> vector<16xf32>
              %add3A_223 = arith.addf %add3A_215, %gather3A_222 : vector<16xf32>
              %iota3A_224 = tpu.iota {dimensions = array<i32: 0>} : vector<16xi32>
              %xor3A_225 = arith.constant 2 : i32
              %xor3A_226 = vector.broadcast %xor3A_225 : i32 to vector<16xi32>
              %xor3A_227 = arith.xori %iota3A_224, %xor3A_226 : vector<16xi32>
              %broadcast_in_dim3A_228 = vector.shape_cast %xor3A_227 : vector<16xi32> to vector<16x1xi32>
              %gather3A_229 = vector.shape_cast %broadcast_in_dim3A_228 : vector<16x1xi32> to vector<16xi32>
              %gather3A_230 = tpu.dynamic_gather %add3A_223[%gather3A_229] in [0] : vector<16xf32>, vector<16xi32> -> vector<16xf32>
              %add3A_231 = arith.addf %add3A_223, %gather3A_230 : vector<16xf32>
              %ge3A_232 = arith.constant 0.000000e+00 : f32
              %ge3A_233 = vector.broadcast %ge3A_232 : f32 to vector<16xf32>
              %ge3A_234 = arith.cmpf oge, %add3A_231, %ge3A_233 : vector<16xf32>
              %jit3A_235 = arith.constant 0.000000e+00 : f32
              %broadcast_in_dim3A_236 = vector.broadcast %jit3A_235 : f32 to vector<16xf32>
              %select_n3A_237 = arith.select %ge3A_234, %get3A_188, %broadcast_in_dim3A_236 : vector<16xi1>, vector<16xf32>
              %mul3A_238 = arith.constant 4 : i32
              %mul3A_239 = arith.muli %mul3A_238, %scan3A_91 : i32
              %swap3A_240 = arith.index_cast %mul3A_239 : i32 to index
              %swap3A_241 = arith.constant 16 : index
              %swap3A_242 = tpu.vector_load %arg4[%swap3A_240, %swap3A_241] {strides = array<i32>} : memref<224x224xf32, #tpu.memory_space<vmem>>, vector<1x16xf32>,
              %swap3A_243 = vector.shape_cast %swap3A_242 : vector<1x16xf32> to vector<16xf32>
              %swap3A_244 = vector.shape_cast %select_n3A_237 : vector<16xf32> to vector<1x16xf32>
              tpu.vector_store %arg4[%swap3A_240, %swap3A_241], %swap3A_244 {strides = array<i32>} : memref<224x224xf32, #tpu.memory_space<vmem>>, vector<1x16xf32>,
              %jit3A_245 = arith.constant 0.000000e+00 : f32
              %broadcast_in_dim3A_246 = vector.broadcast %jit3A_245 : f32 to vector<16xf32>
              %select_n3A_247 = arith.select %ge3A_234, %get3A_196, %broadcast_in_dim3A_246 : vector<16xi1>, vector<16xf32>
              %mul3A_248 = arith.constant 4 : i32
              %mul3A_249 = arith.muli %mul3A_248, %scan3A_91 : i32
              %add3A_250 = arith.constant 1 : i32
              %add3A_251 = arith.addi %mul3A_249, %add3A_250 : i32
              %swap3A_252 = arith.index_cast %add3A_251 : i32 to index
              %swap3A_253 = arith.constant 16 : index
              %swap3A_254 = tpu.vector_load %arg4[%swap3A_252, %swap3A_253] {strides = array<i32>} : memref<224x224xf32, #tpu.memory_space<vmem>>, vector<1x16xf32>,
              %swap3A_255 = vector.shape_cast %swap3A_254 : vector<1x16xf32> to vector<16xf32>
              %swap3A_256 = vector.shape_cast %select_n3A_247 : vector<16xf32> to vector<1x16xf32>
              tpu.vector_store %arg4[%swap3A_252, %swap3A_253], %swap3A_256 {strides = array<i32>} : memref<224x224xf32, #tpu.memory_space<vmem>>, vector<1x16xf32>,
              %jit3A_257 = arith.constant 0.000000e+00 : f32
              %broadcast_in_dim3A_258 = vector.broadcast %jit3A_257 : f32 to vector<16xf32>
              %select_n3A_259 = arith.select %ge3A_234, %get3A_204, %broadcast_in_dim3A_258 : vector<16xi1>, vector<16xf32>
              %mul3A_260 = arith.constant 4 : i32
              %mul3A_261 = arith.muli %mul3A_260, %scan3A_91 : i32
              %add3A_262 = arith.constant 2 : i32
              %add3A_263 = arith.addi %mul3A_261, %add3A_262 : i32
              %swap3A_264 = arith.index_cast %add3A_263 : i32 to index
              %swap3A_265 = arith.constant 16 : index
              %swap3A_266 = tpu.vector_load %arg4[%swap3A_264, %swap3A_265] {strides = array<i32>} : memref<224x224xf32, #tpu.memory_space<vmem>>, vector<1x16xf32>,
              %swap3A_267 = vector.shape_cast %swap3A_266 : vector<1x16xf32> to vector<16xf32>
              %swap3A_268 = vector.shape_cast %select_n3A_259 : vector<16xf32> to vector<1x16xf32>
              tpu.vector_store %arg4[%swap3A_264, %swap3A_265], %swap3A_268 {strides = array<i32>} : memref<224x224xf32, #tpu.memory_space<vmem>>, vector<1x16xf32>,
              %jit3A_269 = arith.constant 0.000000e+00 : f32
              %broadcast_in_dim3A_270 = vector.broadcast %jit3A_269 : f32 to vector<16xf32>
              %select_n3A_271 = arith.select %ge3A_234, %get3A_212, %broadcast_in_dim3A_270 : vector<16xi1>, vector<16xf32>
              %mul3A_272 = arith.constant 4 : i32
              %mul3A_273 = arith.muli %mul3A_272, %scan3A_91 : i32
              %add3A_274 = arith.constant 3 : i32
              %add3A_275 = arith.addi %mul3A_273, %add3A_274 : i32
              %swap3A_276 = arith.index_cast %add3A_275 : i32 to index
              %swap3A_277 = arith.constant 16 : index
              %swap3A_278 = tpu.vector_load %arg4[%swap3A_276, %swap3A_277] {strides = array<i32>} : memref<224x224xf32, #tpu.memory_space<vmem>>, vector<1x16xf32>,
              %swap3A_279 = vector.shape_cast %swap3A_278 : vector<1x16xf32> to vector<16xf32>
              %swap3A_280 = vector.shape_cast %select_n3A_271 : vector<16xf32> to vector<1x16xf32>
              tpu.vector_store %arg4[%swap3A_276, %swap3A_277], %swap3A_280 {strides = array<i32>} : memref<224x224xf32, #tpu.memory_space<vmem>>, vector<1x16xf32>,
              %mul3A_281 = arith.constant 4 : i32
              %mul3A_282 = arith.muli %mul3A_281, %scan3A_91 : i32
              %get3A_283 = arith.index_cast %mul3A_282 : i32 to index
              %get3A_284 = arith.constant 32 : index
              %get3A_285 = tpu.vector_load %arg4[%get3A_283, %get3A_284] {strides = array<i32>} : memref<224x224xf32, #tpu.memory_space<vmem>>, vector<1x16xf32>,
              %get3A_286 = vector.shape_cast %get3A_285 : vector<1x16xf32> to vector<16xf32>
              %mul3A_287 = arith.constant 4 : i32
              %mul3A_288 = arith.muli %mul3A_287, %scan3A_91 : i32
              %add3A_289 = arith.constant 1 : i32
              %add3A_290 = arith.addi %mul3A_288, %add3A_289 : i32
              %get3A_291 = arith.index_cast %add3A_290 : i32 to index
              %get3A_292 = arith.constant 32 : index
              %get3A_293 = tpu.vector_load %arg4[%get3A_291, %get3A_292] {strides = array<i32>} : memref<224x224xf32, #tpu.memory_space<vmem>>, vector<1x16xf32>,
              %get3A_294 = vector.shape_cast %get3A_293 : vector<1x16xf32> to vector<16xf32>
              %mul3A_295 = arith.constant 4 : i32
              %mul3A_296 = arith.muli %mul3A_295, %scan3A_91 : i32
              %add3A_297 = arith.constant 2 : i32
              %add3A_298 = arith.addi %mul3A_296, %add3A_297 : i32
              %get3A_299 = arith.index_cast %add3A_298 : i32 to index
              %get3A_300 = arith.constant 32 : index
              %get3A_301 = tpu.vector_load %arg4[%get3A_299, %get3A_300] {strides = array<i32>} : memref<224x224xf32, #tpu.memory_space<vmem>>, vector<1x16xf32>,
              %get3A_302 = vector.shape_cast %get3A_301 : vector<1x16xf32> to vector<16xf32>
              %mul3A_303 = arith.constant 4 : i32
              %mul3A_304 = arith.muli %mul3A_303, %scan3A_91 : i32
              %add3A_305 = arith.constant 3 : i32
              %add3A_306 = arith.addi %mul3A_304, %add3A_305 : i32
              %get3A_307 = arith.index_cast %add3A_306 : i32 to index
              %get3A_308 = arith.constant 32 : index
              %get3A_309 = tpu.vector_load %arg4[%get3A_307, %get3A_308] {strides = array<i32>} : memref<224x224xf32, #tpu.memory_space<vmem>>, vector<1x16xf32>,
              %get3A_310 = vector.shape_cast %get3A_309 : vector<1x16xf32> to vector<16xf32>
              %add3A_311 = arith.addf %get3A_286, %get3A_294 : vector<16xf32>
              %add3A_312 = arith.addf %get3A_302, %get3A_310 : vector<16xf32>
              %add3A_313 = arith.addf %add3A_311, %add3A_312 : vector<16xf32>
              %iota3A_314 = tpu.iota {dimensions = array<i32: 0>} : vector<16xi32>
              %xor3A_315 = arith.constant 1 : i32
              %xor3A_316 = vector.broadcast %xor3A_315 : i32 to vector<16xi32>
              %xor3A_317 = arith.xori %iota3A_314, %xor3A_316 : vector<16xi32>
              %broadcast_in_dim3A_318 = vector.shape_cast %xor3A_317 : vector<16xi32> to vector<16x1xi32>
              %gather3A_319 = vector.shape_cast %broadcast_in_dim3A_318 : vector<16x1xi32> to vector<16xi32>
              %gather3A_320 = tpu.dynamic_gather %add3A_313[%gather3A_319] in [0] : vector<16xf32>, vector<16xi32> -> vector<16xf32>
              %add3A_321 = arith.addf %add3A_313, %gather3A_320 : vector<16xf32>
              %iota3A_322 = tpu.iota {dimensions = array<i32: 0>} : vector<16xi32>
              %xor3A_323 = arith.constant 2 : i32
              %xor3A_324 = vector.broadcast %xor3A_323 : i32 to vector<16xi32>
              %xor3A_325 = arith.xori %iota3A_322, %xor3A_324 : vector<16xi32>
              %broadcast_in_dim3A_326 = vector.shape_cast %xor3A_325 : vector<16xi32> to vector<16x1xi32>
              %gather3A_327 = vector.shape_cast %broadcast_in_dim3A_326 : vector<16x1xi32> to vector<16xi32>
              %gather3A_328 = tpu.dynamic_gather %add3A_321[%gather3A_327] in [0] : vector<16xf32>, vector<16xi32> -> vector<16xf32>
              %add3A_329 = arith.addf %add3A_321, %gather3A_328 : vector<16xf32>
              %ge3A_330 = arith.constant 0.000000e+00 : f32
              %ge3A_331 = vector.broadcast %ge3A_330 : f32 to vector<16xf32>
              %ge3A_332 = arith.cmpf oge, %add3A_329, %ge3A_331 : vector<16xf32>
              %jit3A_333 = arith.constant 0.000000e+00 : f32
              %broadcast_in_dim3A_334 = vector.broadcast %jit3A_333 : f32 to vector<16xf32>
              %select_n3A_335 = arith.select %ge3A_332, %get3A_286, %broadcast_in_dim3A_334 : vector<16xi1>, vector<16xf32>
              %mul3A_336 = arith.constant 4 : i32
              %mul3A_337 = arith.muli %mul3A_336, %scan3A_91 : i32
              %swap3A_338 = arith.index_cast %mul3A_337 : i32 to index
              %swap3A_339 = arith.constant 32 : index
              %swap3A_340 = tpu.vector_load %arg4[%swap3A_338, %swap3A_339] {strides = array<i32>} : memref<224x224xf32, #tpu.memory_space<vmem>>, vector<1x16xf32>,
              %swap3A_341 = vector.shape_cast %swap3A_340 : vector<1x16xf32> to vector<16xf32>
              %swap3A_342 = vector.shape_cast %select_n3A_335 : vector<16xf32> to vector<1x16xf32>
              tpu.vector_store %arg4[%swap3A_338, %swap3A_339], %swap3A_342 {strides = array<i32>} : memref<224x224xf32, #tpu.memory_space<vmem>>, vector<1x16xf32>,
              %jit3A_343 = arith.constant 0.000000e+00 : f32
              %broadcast_in_dim3A_344 = vector.broadcast %jit3A_343 : f32 to vector<16xf32>
              %select_n3A_345 = arith.select %ge3A_332, %get3A_294, %broadcast_in_dim3A_344 : vector<16xi1>, vector<16xf32>
              %mul3A_346 = arith.constant 4 : i32
              %mul3A_347 = arith.muli %mul3A_346, %scan3A_91 : i32
              %add3A_348 = arith.constant 1 : i32
              %add3A_349 = arith.addi %mul3A_347, %add3A_348 : i32
              %swap3A_350 = arith.index_cast %add3A_349 : i32 to index
              %swap3A_351 = arith.constant 32 : index
              %swap3A_352 = tpu.vector_load %arg4[%swap3A_350, %swap3A_351] {strides = array<i32>} : memref<224x224xf32, #tpu.memory_space<vmem>>, vector<1x16xf32>,
              %swap3A_353 = vector.shape_cast %swap3A_352 : vector<1x16xf32> to vector<16xf32>
              %swap3A_354 = vector.shape_cast %select_n3A_345 : vector<16xf32> to vector<1x16xf32>
              tpu.vector_store %arg4[%swap3A_350, %swap3A_351], %swap3A_354 {strides = array<i32>} : memref<224x224xf32, #tpu.memory_space<vmem>>, vector<1x16xf32>,
              %jit3A_355 = arith.constant 0.000000e+00 : f32
              %broadcast_in_dim3A_356 = vector.broadcast %jit3A_355 : f32 to vector<16xf32>
              %select_n3A_357 = arith.select %ge3A_332, %get3A_302, %broadcast_in_dim3A_356 : vector<16xi1>, vector<16xf32>
              %mul3A_358 = arith.constant 4 : i32
              %mul3A_359 = arith.muli %mul3A_358, %scan3A_91 : i32
              %add3A_360 = arith.constant 2 : i32
              %add3A_361 = arith.addi %mul3A_359, %add3A_360 : i32
              %swap3A_362 = arith.index_cast %add3A_361 : i32 to index
              %swap3A_363 = arith.constant 32 : index
              %swap3A_364 = tpu.vector_load %arg4[%swap3A_362, %swap3A_363] {strides = array<i32>} : memref<224x224xf32, #tpu.memory_space<vmem>>, vector<1x16xf32>,
              %swap3A_365 = vector.shape_cast %swap3A_364 : vector<1x16xf32> to vector<16xf32>
              %swap3A_366 = vector.shape_cast %select_n3A_357 : vector<16xf32> to vector<1x16xf32>
              tpu.vector_store %arg4[%swap3A_362, %swap3A_363], %swap3A_366 {strides = array<i32>} : memref<224x224xf32, #tpu.memory_space<vmem>>, vector<1x16xf32>,
              %jit3A_367 = arith.constant 0.000000e+00 : f32
              %broadcast_in_dim3A_368 = vector.broadcast %jit3A_367 : f32 to vector<16xf32>
              %select_n3A_369 = arith.select %ge3A_332, %get3A_310, %broadcast_in_dim3A_368 : vector<16xi1>, vector<16xf32>
              %mul3A_370 = arith.constant 4 : i32
              %mul3A_371 = arith.muli %mul3A_370, %scan3A_91 : i32
              %add3A_372 = arith.constant 3 : i32
              %add3A_373 = arith.addi %mul3A_371, %add3A_372 : i32
              %swap3A_374 = arith.index_cast %add3A_373 : i32 to index
              %swap3A_375 = arith.constant 32 : index
              %swap3A_376 = tpu.vector_load %arg4[%swap3A_374, %swap3A_375] {strides = array<i32>} : memref<224x224xf32, #tpu.memory_space<vmem>>, vector<1x16xf32>,
              %swap3A_377 = vector.shape_cast %swap3A_376 : vector<1x16xf32> to vector<16xf32>
              %swap3A_378 = vector.shape_cast %select_n3A_369 : vector<16xf32> to vector<1x16xf32>
              tpu.vector_store %arg4[%swap3A_374, %swap3A_375], %swap3A_378 {strides = array<i32>} : memref<224x224xf32, #tpu.memory_space<vmem>>, vector<1x16xf32>,
              %mul3A_379 = arith.constant 4 : i32
              %mul3A_380 = arith.muli %mul3A_379, %scan3A_91 : i32
              %get3A_381 = arith.index_cast %mul3A_380 : i32 to index
              %get3A_382 = arith.constant 48 : index
              %get3A_383 = tpu.vector_load %arg4[%get3A_381, %get3A_382] {strides = array<i32>} : memref<224x224xf32, #tpu.memory_space<vmem>>, vector<1x16xf32>,
              %get3A_384 = vector.shape_cast %get3A_383 : vector<1x16xf32> to vector<16xf32>
              %mul3A_385 = arith.constant 4 : i32
              %mul3A_386 = arith.muli %mul3A_385, %scan3A_91 : i32
              %add3A_387 = arith.constant 1 : i32
              %add3A_388 = arith.addi %mul3A_386, %add3A_387 : i32
              %get3A_389 = arith.index_cast %add3A_388 : i32 to index
              %get3A_390 = arith.constant 48 : index
              %get3A_391 = tpu.vector_load %arg4[%get3A_389, %get3A_390] {strides = array<i32>} : memref<224x224xf32, #tpu.memory_space<vmem>>, vector<1x16xf32>,
              %get3A_392 = vector.shape_cast %get3A_391 : vector<1x16xf32> to vector<16xf32>
              %mul3A_393 = arith.constant 4 : i32
              %mul3A_394 = arith.muli %mul3A_393, %scan3A_91 : i32
              %add3A_395 = arith.constant 2 : i32
              %add3A_396 = arith.addi %mul3A_394, %add3A_395 : i32
              %get3A_397 = arith.index_cast %add3A_396 : i32 to index
              %get3A_398 = arith.constant 48 : index
              %get3A_399 = tpu.vector_load %arg4[%get3A_397, %get3A_398] {strides = array<i32>} : memref<224x224xf32, #tpu.memory_space<vmem>>, vector<1x16xf32>,
              %get3A_400 = vector.shape_cast %get3A_399 : vector<1x16xf32> to vector<16xf32>
              %mul3A_401 = arith.constant 4 : i32
              %mul3A_402 = arith.muli %mul3A_401, %scan3A_91 : i32
              %add3A_403 = arith.constant 3 : i32
              %add3A_404 = arith.addi %mul3A_402, %add3A_403 : i32
              %get3A_405 = arith.index_cast %add3A_404 : i32 to index
              %get3A_406 = arith.constant 48 : index
              %get3A_407 = tpu.vector_load %arg4[%get3A_405, %get3A_406] {strides = array<i32>} : memref<224x224xf32, #tpu.memory_space<vmem>>, vector<1x16xf32>,
              %get3A_408 = vector.shape_cast %get3A_407 : vector<1x16xf32> to vector<16xf32>
              %add3A_409 = arith.addf %get3A_384, %get3A_392 : vector<16xf32>
              %add3A_410 = arith.addf %get3A_400, %get3A_408 : vector<16xf32>
              %add3A_411 = arith.addf %add3A_409, %add3A_410 : vector<16xf32>
              %iota3A_412 = tpu.iota {dimensions = array<i32: 0>} : vector<16xi32>
              %xor3A_413 = arith.constant 1 : i32
              %xor3A_414 = vector.broadcast %xor3A_413 : i32 to vector<16xi32>
              %xor3A_415 = arith.xori %iota3A_412, %xor3A_414 : vector<16xi32>
              %broadcast_in_dim3A_416 = vector.shape_cast %xor3A_415 : vector<16xi32> to vector<16x1xi32>
              %gather3A_417 = vector.shape_cast %broadcast_in_dim3A_416 : vector<16x1xi32> to vector<16xi32>
              %gather3A_418 = tpu.dynamic_gather %add3A_411[%gather3A_417] in [0] : vector<16xf32>, vector<16xi32> -> vector<16xf32>
              %add3A_419 = arith.addf %add3A_411, %gather3A_418 : vector<16xf32>
              %iota3A_420 = tpu.iota {dimensions = array<i32: 0>} : vector<16xi32>
              %xor3A_421 = arith.constant 2 : i32
              %xor3A_422 = vector.broadcast %xor3A_421 : i32 to vector<16xi32>
              %xor3A_423 = arith.xori %iota3A_420, %xor3A_422 : vector<16xi32>
              %broadcast_in_dim3A_424 = vector.shape_cast %xor3A_423 : vector<16xi32> to vector<16x1xi32>
              %gather3A_425 = vector.shape_cast %broadcast_in_dim3A_424 : vector<16x1xi32> to vector<16xi32>
              %gather3A_426 = tpu.dynamic_gather %add3A_419[%gather3A_425] in [0] : vector<16xf32>, vector<16xi32> -> vector<16xf32>
              %add3A_427 = arith.addf %add3A_419, %gather3A_426 : vector<16xf32>
              %ge3A_428 = arith.constant 0.000000e+00 : f32
              %ge3A_429 = vector.broadcast %ge3A_428 : f32 to vector<16xf32>
              %ge3A_430 = arith.cmpf oge, %add3A_427, %ge3A_429 : vector<16xf32>
              %jit3A_431 = arith.constant 0.000000e+00 : f32
              %broadcast_in_dim3A_432 = vector.broadcast %jit3A_431 : f32 to vector<16xf32>
              %select_n3A_433 = arith.select %ge3A_430, %get3A_384, %broadcast_in_dim3A_432 : vector<16xi1>, vector<16xf32>
              %mul3A_434 = arith.constant 4 : i32
              %mul3A_435 = arith.muli %mul3A_434, %scan3A_91 : i32
              %swap3A_436 = arith.index_cast %mul3A_435 : i32 to index
              %swap3A_437 = arith.constant 48 : index
              %swap3A_438 = tpu.vector_load %arg4[%swap3A_436, %swap3A_437] {strides = array<i32>} : memref<224x224xf32, #tpu.memory_space<vmem>>, vector<1x16xf32>,
              %swap3A_439 = vector.shape_cast %swap3A_438 : vector<1x16xf32> to vector<16xf32>
              %swap3A_440 = vector.shape_cast %select_n3A_433 : vector<16xf32> to vector<1x16xf32>
              tpu.vector_store %arg4[%swap3A_436, %swap3A_437], %swap3A_440 {strides = array<i32>} : memref<224x224xf32, #tpu.memory_space<vmem>>, vector<1x16xf32>,
              %jit3A_441 = arith.constant 0.000000e+00 : f32
              %broadcast_in_dim3A_442 = vector.broadcast %jit3A_441 : f32 to vector<16xf32>
              %select_n3A_443 = arith.select %ge3A_430, %get3A_392, %broadcast_in_dim3A_442 : vector<16xi1>, vector<16xf32>
              %mul3A_444 = arith.constant 4 : i32
              %mul3A_445 = arith.muli %mul3A_444, %scan3A_91 : i32
              %add3A_446 = arith.constant 1 : i32
              %add3A_447 = arith.addi %mul3A_445, %add3A_446 : i32
              %swap3A_448 = arith.index_cast %add3A_447 : i32 to index
              %swap3A_449 = arith.constant 48 : index
              %swap3A_450 = tpu.vector_load %arg4[%swap3A_448, %swap3A_449] {strides = array<i32>} : memref<224x224xf32, #tpu.memory_space<vmem>>, vector<1x16xf32>,
              %swap3A_451 = vector.shape_cast %swap3A_450 : vector<1x16xf32> to vector<16xf32>
              %swap3A_452 = vector.shape_cast %select_n3A_443 : vector<16xf32> to vector<1x16xf32>
              tpu.vector_store %arg4[%swap3A_448, %swap3A_449], %swap3A_452 {strides = array<i32>} : memref<224x224xf32, #tpu.memory_space<vmem>>, vector<1x16xf32>,
              %jit3A_453 = arith.constant 0.000000e+00 : f32
              %broadcast_in_dim3A_454 = vector.broadcast %jit3A_453 : f32 to vector<16xf32>
              %select_n3A_455 = arith.select %ge3A_430, %get3A_400, %broadcast_in_dim3A_454 : vector<16xi1>, vector<16xf32>
              %mul3A_456 = arith.constant 4 : i32
              %mul3A_457 = arith.muli %mul3A_456, %scan3A_91 : i32
              %add3A_458 = arith.constant 2 : i32
              %add3A_459 = arith.addi %mul3A_457, %add3A_458 : i32
              %swap3A_460 = arith.index_cast %add3A_459 : i32 to index
              %swap3A_461 = arith.constant 48 : index
              %swap3A_462 = tpu.vector_load %arg4[%swap3A_460, %swap3A_461] {strides = array<i32>} : memref<224x224xf32, #tpu.memory_space<vmem>>, vector<1x16xf32>,
              %swap3A_463 = vector.shape_cast %swap3A_462 : vector<1x16xf32> to vector<16xf32>
              %swap3A_464 = vector.shape_cast %select_n3A_455 : vector<16xf32> to vector<1x16xf32>
              tpu.vector_store %arg4[%swap3A_460, %swap3A_461], %swap3A_464 {strides = array<i32>} : memref<224x224xf32, #tpu.memory_space<vmem>>, vector<1x16xf32>,
              %jit3A_465 = arith.constant 0.000000e+00 : f32
              %broadcast_in_dim3A_466 = vector.broadcast %jit3A_465 : f32 to vector<16xf32>
              %select_n3A_467 = arith.select %ge3A_430, %get3A_408, %broadcast_in_dim3A_466 : vector<16xi1>, vector<16xf32>
              %mul3A_468 = arith.constant 4 : i32
              %mul3A_469 = arith.muli %mul3A_468, %scan3A_91 : i32
              %add3A_470 = arith.constant 3 : i32
              %add3A_471 = arith.addi %mul3A_469, %add3A_470 : i32
              %swap3A_472 = arith.index_cast %add3A_471 : i32 to index
              %swap3A_473 = arith.constant 48 : index
              %swap3A_474 = tpu.vector_load %arg4[%swap3A_472, %swap3A_473] {strides = array<i32>} : memref<224x224xf32, #tpu.memory_space<vmem>>, vector<1x16xf32>,
              %swap3A_475 = vector.shape_cast %swap3A_474 : vector<1x16xf32> to vector<16xf32>
              %swap3A_476 = vector.shape_cast %select_n3A_467 : vector<16xf32> to vector<1x16xf32>
              tpu.vector_store %arg4[%swap3A_472, %swap3A_473], %swap3A_476 {strides = array<i32>} : memref<224x224xf32, #tpu.memory_space<vmem>>, vector<1x16xf32>,
              %mul3A_477 = arith.constant 4 : i32
              %mul3A_478 = arith.muli %mul3A_477, %scan3A_91 : i32
              %get3A_479 = arith.index_cast %mul3A_478 : i32 to index
              %get3A_480 = arith.constant 64 : index
              %get3A_481 = tpu.vector_load %arg4[%get3A_479, %get3A_480] {strides = array<i32>} : memref<224x224xf32, #tpu.memory_space<vmem>>, vector<1x16xf32>,
              %get3A_482 = vector.shape_cast %get3A_481 : vector<1x16xf32> to vector<16xf32>
              %mul3A_483 = arith.constant 4 : i32
              %mul3A_484 = arith.muli %mul3A_483, %scan3A_91 : i32
              %add3A_485 = arith.constant 1 : i32
              %add3A_486 = arith.addi %mul3A_484, %add3A_485 : i32
              %get3A_487 = arith.index_cast %add3A_486 : i32 to index
              %get3A_488 = arith.constant 64 : index
              %get3A_489 = tpu.vector_load %arg4[%get3A_487, %get3A_488] {strides = array<i32>} : memref<224x224xf32, #tpu.memory_space<vmem>>, vector<1x16xf32>,
              %get3A_490 = vector.shape_cast %get3A_489 : vector<1x16xf32> to vector<16xf32>
              %mul3A_491 = arith.constant 4 : i32
              %mul3A_492 = arith.muli %mul3A_491, %scan3A_91 : i32
              %add3A_493 = arith.constant 2 : i32
              %add3A_494 = arith.addi %mul3A_492, %add3A_493 : i32
              %get3A_495 = arith.index_cast %add3A_494 : i32 to index
              %get3A_496 = arith.constant 64 : index
              %get3A_497 = tpu.vector_load %arg4[%get3A_495, %get3A_496] {strides = array<i32>} : memref<224x224xf32, #tpu.memory_space<vmem>>, vector<1x16xf32>,
              %get3A_498 = vector.shape_cast %get3A_497 : vector<1x16xf32> to vector<16xf32>
              %mul3A_499 = arith.constant 4 : i32
              %mul3A_500 = arith.muli %mul3A_499, %scan3A_91 : i32
              %add3A_501 = arith.constant 3 : i32
              %add3A_502 = arith.addi %mul3A_500, %add3A_501 : i32
              %get3A_503 = arith.index_cast %add3A_502 : i32 to index
              %get3A_504 = arith.constant 64 : index
              %get3A_505 = tpu.vector_load %arg4[%get3A_503, %get3A_504] {strides = array<i32>} : memref<224x224xf32, #tpu.memory_space<vmem>>, vector<1x16xf32>,
              %get3A_506 = vector.shape_cast %get3A_505 : vector<1x16xf32> to vector<16xf32>
              %add3A_507 = arith.addf %get3A_482, %get3A_490 : vector<16xf32>
              %add3A_508 = arith.addf %get3A_498, %get3A_506 : vector<16xf32>
              %add3A_509 = arith.addf %add3A_507, %add3A_508 : vector<16xf32>
              %iota3A_510 = tpu.iota {dimensions = array<i32: 0>} : vector<16xi32>
              %xor3A_511 = arith.constant 1 : i32
              %xor3A_512 = vector.broadcast %xor3A_511 : i32 to vector<16xi32>
              %xor3A_513 = arith.xori %iota3A_510, %xor3A_512 : vector<16xi32>
              %broadcast_in_dim3A_514 = vector.shape_cast %xor3A_513 : vector<16xi32> to vector<16x1xi32>
              %gather3A_515 = vector.shape_cast %broadcast_in_dim3A_514 : vector<16x1xi32> to vector<16xi32>
              %gather3A_516 = tpu.dynamic_gather %add3A_509[%gather3A_515] in [0] : vector<16xf32>, vector<16xi32> -> vector<16xf32>
              %add3A_517 = arith.addf %add3A_509, %gather3A_516 : vector<16xf32>
              %iota3A_518 = tpu.iota {dimensions = array<i32: 0>} : vector<16xi32>
              %xor3A_519 = arith.constant 2 : i32
              %xor3A_520 = vector.broadcast %xor3A_519 : i32 to vector<16xi32>
              %xor3A_521 = arith.xori %iota3A_518, %xor3A_520 : vector<16xi32>
              %broadcast_in_dim3A_522 = vector.shape_cast %xor3A_521 : vector<16xi32> to vector<16x1xi32>
              %gather3A_523 = vector.shape_cast %broadcast_in_dim3A_522 : vector<16x1xi32> to vector<16xi32>
              %gather3A_524 = tpu.dynamic_gather %add3A_517[%gather3A_523] in [0] : vector<16xf32>, vector<16xi32> -> vector<16xf32>
              %add3A_525 = arith.addf %add3A_517, %gather3A_524 : vector<16xf32>
              %ge3A_526 = arith.constant 0.000000e+00 : f32
              %ge3A_527 = vector.broadcast %ge3A_526 : f32 to vector<16xf32>
              %ge3A_528 = arith.cmpf oge, %add3A_525, %ge3A_527 : vector<16xf32>
              %jit3A_529 = arith.constant 0.000000e+00 : f32
              %broadcast_in_dim3A_530 = vector.broadcast %jit3A_529 : f32 to vector<16xf32>
              %select_n3A_531 = arith.select %ge3A_528, %get3A_482, %broadcast_in_dim3A_530 : vector<16xi1>, vector<16xf32>
              %mul3A_532 = arith.constant 4 : i32
              %mul3A_533 = arith.muli %mul3A_532, %scan3A_91 : i32
              %swap3A_534 = arith.index_cast %mul3A_533 : i32 to index
              %swap3A_535 = arith.constant 64 : index
              %swap3A_536 = tpu.vector_load %arg4[%swap3A_534, %swap3A_535] {strides = array<i32>} : memref<224x224xf32, #tpu.memory_space<vmem>>, vector<1x16xf32>,
              %swap3A_537 = vector.shape_cast %swap3A_536 : vector<1x16xf32> to vector<16xf32>
              %swap3A_538 = vector.shape_cast %select_n3A_531 : vector<16xf32> to vector<1x16xf32>
              tpu.vector_store %arg4[%swap3A_534, %swap3A_535], %swap3A_538 {strides = array<i32>} : memref<224x224xf32, #tpu.memory_space<vmem>>, vector<1x16xf32>,
              %jit3A_539 = arith.constant 0.000000e+00 : f32
              %broadcast_in_dim3A_540 = vector.broadcast %jit3A_539 : f32 to vector<16xf32>
              %select_n3A_541 = arith.select %ge3A_528, %get3A_490, %broadcast_in_dim3A_540 : vector<16xi1>, vector<16xf32>
              %mul3A_542 = arith.constant 4 : i32
              %mul3A_543 = arith.muli %mul3A_542, %scan3A_91 : i32
              %add3A_544 = arith.constant 1 : i32
              %add3A_545 = arith.addi %mul3A_543, %add3A_544 : i32
              %swap3A_546 = arith.index_cast %add3A_545 : i32 to index
              %swap3A_547 = arith.constant 64 : index
              %swap3A_548 = tpu.vector_load %arg4[%swap3A_546, %swap3A_547] {strides = array<i32>} : memref<224x224xf32, #tpu.memory_space<vmem>>, vector<1x16xf32>,
              %swap3A_549 = vector.shape_cast %swap3A_548 : vector<1x16xf32> to vector<16xf32>
              %swap3A_550 = vector.shape_cast %select_n3A_541 : vector<16xf32> to vector<1x16xf32>
              tpu.vector_store %arg4[%swap3A_546, %swap3A_547], %swap3A_550 {strides = array<i32>} : memref<224x224xf32, #tpu.memory_space<vmem>>, vector<1x16xf32>,
              %jit3A_551 = arith.constant 0.000000e+00 : f32
              %broadcast_in_dim3A_552 = vector.broadcast %jit3A_551 : f32 to vector<16xf32>
              %select_n3A_553 = arith.select %ge3A_528, %get3A_498, %broadcast_in_dim3A_552 : vector<16xi1>, vector<16xf32>
              %mul3A_554 = arith.constant 4 : i32
              %mul3A_555 = arith.muli %mul3A_554, %scan3A_91 : i32
              %add3A_556 = arith.constant 2 : i32
              %add3A_557 = arith.addi %mul3A_555, %add3A_556 : i32
              %swap3A_558 = arith.index_cast %add3A_557 : i32 to index
              %swap3A_559 = arith.constant 64 : index
              %swap3A_560 = tpu.vector_load %arg4[%swap3A_558, %swap3A_559] {strides = array<i32>} : memref<224x224xf32, #tpu.memory_space<vmem>>, vector<1x16xf32>,
              %swap3A_561 = vector.shape_cast %swap3A_560 : vector<1x16xf32> to vector<16xf32>
              %swap3A_562 = vector.shape_cast %select_n3A_553 : vector<16xf32> to vector<1x16xf32>
              tpu.vector_store %arg4[%swap3A_558, %swap3A_559], %swap3A_562 {strides = array<i32>} : memref<224x224xf32, #tpu.memory_space<vmem>>, vector<1x16xf32>,
              %jit3A_563 = arith.constant 0.000000e+00 : f32
              %broadcast_in_dim3A_564 = vector.broadcast %jit3A_563 : f32 to vector<16xf32>
              %select_n3A_565 = arith.select %ge3A_528, %get3A_506, %broadcast_in_dim3A_564 : vector<16xi1>, vector<16xf32>
              %mul3A_566 = arith.constant 4 : i32
              %mul3A_567 = arith.muli %mul3A_566, %scan3A_91 : i32
              %add3A_568 = arith.constant 3 : i32
              %add3A_569 = arith.addi %mul3A_567, %add3A_568 : i32
              %swap3A_570 = arith.index_cast %add3A_569 : i32 to index
              %swap3A_571 = arith.constant 64 : index
              %swap3A_572 = tpu.vector_load %arg4[%swap3A_570, %swap3A_571] {strides = array<i32>} : memref<224x224xf32, #tpu.memory_space<vmem>>, vector<1x16xf32>,
              %swap3A_573 = vector.shape_cast %swap3A_572 : vector<1x16xf32> to vector<16xf32>
              %swap3A_574 = vector.shape_cast %select_n3A_565 : vector<16xf32> to vector<1x16xf32>
              tpu.vector_store %arg4[%swap3A_570, %swap3A_571], %swap3A_574 {strides = array<i32>} : memref<224x224xf32, #tpu.memory_space<vmem>>, vector<1x16xf32>,
              %mul3A_575 = arith.constant 4 : i32
              %mul3A_576 = arith.muli %mul3A_575, %scan3A_91 : i32
              %get3A_577 = arith.index_cast %mul3A_576 : i32 to index
              %get3A_578 = arith.constant 80 : index
              %get3A_579 = tpu.vector_load %arg4[%get3A_577, %get3A_578] {strides = array<i32>} : memref<224x224xf32, #tpu.memory_space<vmem>>, vector<1x16xf32>,
              %get3A_580 = vector.shape_cast %get3A_579 : vector<1x16xf32> to vector<16xf32>
              %mul3A_581 = arith.constant 4 : i32
              %mul3A_582 = arith.muli %mul3A_581, %scan3A_91 : i32
              %add3A_583 = arith.constant 1 : i32
              %add3A_584 = arith.addi %mul3A_582, %add3A_583 : i32
              %get3A_585 = arith.index_cast %add3A_584 : i32 to index
              %get3A_586 = arith.constant 80 : index
              %get3A_587 = tpu.vector_load %arg4[%get3A_585, %get3A_586] {strides = array<i32>} : memref<224x224xf32, #tpu.memory_space<vmem>>, vector<1x16xf32>,
              %get3A_588 = vector.shape_cast %get3A_587 : vector<1x16xf32> to vector<16xf32>
              %mul3A_589 = arith.constant 4 : i32
              %mul3A_590 = arith.muli %mul3A_589, %scan3A_91 : i32
              %add3A_591 = arith.constant 2 : i32
              %add3A_592 = arith.addi %mul3A_590, %add3A_591 : i32
              %get3A_593 = arith.index_cast %add3A_592 : i32 to index
              %get3A_594 = arith.constant 80 : index
              %get3A_595 = tpu.vector_load %arg4[%get3A_593, %get3A_594] {strides = array<i32>} : memref<224x224xf32, #tpu.memory_space<vmem>>, vector<1x16xf32>,
              %get3A_596 = vector.shape_cast %get3A_595 : vector<1x16xf32> to vector<16xf32>
              %mul3A_597 = arith.constant 4 : i32
              %mul3A_598 = arith.muli %mul3A_597, %scan3A_91 : i32
              %add3A_599 = arith.constant 3 : i32
              %add3A_600 = arith.addi %mul3A_598, %add3A_599 : i32
              %get3A_601 = arith.index_cast %add3A_600 : i32 to index
              %get3A_602 = arith.constant 80 : index
              %get3A_603 = tpu.vector_load %arg4[%get3A_601, %get3A_602] {strides = array<i32>} : memref<224x224xf32, #tpu.memory_space<vmem>>, vector<1x16xf32>,
              %get3A_604 = vector.shape_cast %get3A_603 : vector<1x16xf32> to vector<16xf32>
              %add3A_605 = arith.addf %get3A_580, %get3A_588 : vector<16xf32>
              %add3A_606 = arith.addf %get3A_596, %get3A_604 : vector<16xf32>
              %add3A_607 = arith.addf %add3A_605, %add3A_606 : vector<16xf32>
              %iota3A_608 = tpu.iota {dimensions = array<i32: 0>} : vector<16xi32>
              %xor3A_609 = arith.constant 1 : i32
              %xor3A_610 = vector.broadcast %xor3A_609 : i32 to vector<16xi32>
              %xor3A_611 = arith.xori %iota3A_608, %xor3A_610 : vector<16xi32>
              %broadcast_in_dim3A_612 = vector.shape_cast %xor3A_611 : vector<16xi32> to vector<16x1xi32>
              %gather3A_613 = vector.shape_cast %broadcast_in_dim3A_612 : vector<16x1xi32> to vector<16xi32>
              %gather3A_614 = tpu.dynamic_gather %add3A_607[%gather3A_613] in [0] : vector<16xf32>, vector<16xi32> -> vector<16xf32>
              %add3A_615 = arith.addf %add3A_607, %gather3A_614 : vector<16xf32>
              %iota3A_616 = tpu.iota {dimensions = array<i32: 0>} : vector<16xi32>
              %xor3A_617 = arith.constant 2 : i32
              %xor3A_618 = vector.broadcast %xor3A_617 : i32 to vector<16xi32>
              %xor3A_619 = arith.xori %iota3A_616, %xor3A_618 : vector<16xi32>
              %broadcast_in_dim3A_620 = vector.shape_cast %xor3A_619 : vector<16xi32> to vector<16x1xi32>
              %gather3A_621 = vector.shape_cast %broadcast_in_dim3A_620 : vector<16x1xi32> to vector<16xi32>
              %gather3A_622 = tpu.dynamic_gather %add3A_615[%gather3A_621] in [0] : vector<16xf32>, vector<16xi32> -> vector<16xf32>
              %add3A_623 = arith.addf %add3A_615, %gather3A_622 : vector<16xf32>
              %ge3A_624 = arith.constant 0.000000e+00 : f32
              %ge3A_625 = vector.broadcast %ge3A_624 : f32 to vector<16xf32>
              %ge3A_626 = arith.cmpf oge, %add3A_623, %ge3A_625 : vector<16xf32>
              %jit3A_627 = arith.constant 0.000000e+00 : f32
              %broadcast_in_dim3A_628 = vector.broadcast %jit3A_627 : f32 to vector<16xf32>
              %select_n3A_629 = arith.select %ge3A_626, %get3A_580, %broadcast_in_dim3A_628 : vector<16xi1>, vector<16xf32>
              %mul3A_630 = arith.constant 4 : i32
              %mul3A_631 = arith.muli %mul3A_630, %scan3A_91 : i32
              %swap3A_632 = arith.index_cast %mul3A_631 : i32 to index
              %swap3A_633 = arith.constant 80 : index
              %swap3A_634 = tpu.vector_load %arg4[%swap3A_632, %swap3A_633] {strides = array<i32>} : memref<224x224xf32, #tpu.memory_space<vmem>>, vector<1x16xf32>,
              %swap3A_635 = vector.shape_cast %swap3A_634 : vector<1x16xf32> to vector<16xf32>
              %swap3A_636 = vector.shape_cast %select_n3A_629 : vector<16xf32> to vector<1x16xf32>
              tpu.vector_store %arg4[%swap3A_632, %swap3A_633], %swap3A_636 {strides = array<i32>} : memref<224x224xf32, #tpu.memory_space<vmem>>, vector<1x16xf32>,
              %jit3A_637 = arith.constant 0.000000e+00 : f32
              %broadcast_in_dim3A_638 = vector.broadcast %jit3A_637 : f32 to vector<16xf32>
              %select_n3A_639 = arith.select %ge3A_626, %get3A_588, %broadcast_in_dim3A_638 : vector<16xi1>, vector<16xf32>
              %mul3A_640 = arith.constant 4 : i32
              %mul3A_641 = arith.muli %mul3A_640, %scan3A_91 : i32
              %add3A_642 = arith.constant 1 : i32
              %add3A_643 = arith.addi %mul3A_641, %add3A_642 : i32
              %swap3A_644 = arith.index_cast %add3A_643 : i32 to index
              %swap3A_645 = arith.constant 80 : index
              %swap3A_646 = tpu.vector_load %arg4[%swap3A_644, %swap3A_645] {strides = array<i32>} : memref<224x224xf32, #tpu.memory_space<vmem>>, vector<1x16xf32>,
              %swap3A_647 = vector.shape_cast %swap3A_646 : vector<1x16xf32> to vector<16xf32>
              %swap3A_648 = vector.shape_cast %select_n3A_639 : vector<16xf32> to vector<1x16xf32>
              tpu.vector_store %arg4[%swap3A_644, %swap3A_645], %swap3A_648 {strides = array<i32>} : memref<224x224xf32, #tpu.memory_space<vmem>>, vector<1x16xf32>,
              %jit3A_649 = arith.constant 0.000000e+00 : f32
              %broadcast_in_dim3A_650 = vector.broadcast %jit3A_649 : f32 to vector<16xf32>
              %select_n3A_651 = arith.select %ge3A_626, %get3A_596, %broadcast_in_dim3A_650 : vector<16xi1>, vector<16xf32>
              %mul3A_652 = arith.constant 4 : i32
              %mul3A_653 = arith.muli %mul3A_652, %scan3A_91 : i32
              %add3A_654 = arith.constant 2 : i32
              %add3A_655 = arith.addi %mul3A_653, %add3A_654 : i32
              %swap3A_656 = arith.index_cast %add3A_655 : i32 to index
              %swap3A_657 = arith.constant 80 : index
              %swap3A_658 = tpu.vector_load %arg4[%swap3A_656, %swap3A_657] {strides = array<i32>} : memref<224x224xf32, #tpu.memory_space<vmem>>, vector<1x16xf32>,
              %swap3A_659 = vector.shape_cast %swap3A_658 : vector<1x16xf32> to vector<16xf32>
              %swap3A_660 = vector.shape_cast %select_n3A_651 : vector<16xf32> to vector<1x16xf32>
              tpu.vector_store %arg4[%swap3A_656, %swap3A_657], %swap3A_660 {strides = array<i32>} : memref<224x224xf32, #tpu.memory_space<vmem>>, vector<1x16xf32>,
              %jit3A_661 = arith.constant 0.000000e+00 : f32
              %broadcast_in_dim3A_662 = vector.broadcast %jit3A_661 : f32 to vector<16xf32>
              %select_n3A_663 = arith.select %ge3A_626, %get3A_604, %broadcast_in_dim3A_662 : vector<16xi1>, vector<16xf32>
              %mul3A_664 = arith.constant 4 : i32
              %mul3A_665 = arith.muli %mul3A_664, %scan3A_91 : i32
              %add3A_666 = arith.constant 3 : i32
              %add3A_667 = arith.addi %mul3A_665, %add3A_666 : i32
              %swap3A_668 = arith.index_cast %add3A_667 : i32 to index
              %swap3A_669 = arith.constant 80 : index
              %swap3A_670 = tpu.vector_load %arg4[%swap3A_668, %swap3A_669] {strides = array<i32>} : memref<224x224xf32, #tpu.memory_space<vmem>>, vector<1x16xf32>,
              %swap3A_671 = vector.shape_cast %swap3A_670 : vector<1x16xf32> to vector<16xf32>
              %swap3A_672 = vector.shape_cast %select_n3A_663 : vector<16xf32> to vector<1x16xf32>
              tpu.vector_store %arg4[%swap3A_668, %swap3A_669], %swap3A_672 {strides = array<i32>} : memref<224x224xf32, #tpu.memory_space<vmem>>, vector<1x16xf32>,
              %mul3A_673 = arith.constant 4 : i32
              %mul3A_674 = arith.muli %mul3A_673, %scan3A_91 : i32
              %get3A_675 = arith.index_cast %mul3A_674 : i32 to index
              %get3A_676 = arith.constant 96 : index
              %get3A_677 = tpu.vector_load %arg4[%get3A_675, %get3A_676] {strides = array<i32>} : memref<224x224xf32, #tpu.memory_space<vmem>>, vector<1x16xf32>,
              %get3A_678 = vector.shape_cast %get3A_677 : vector<1x16xf32> to vector<16xf32>
              %mul3A_679 = arith.constant 4 : i32
              %mul3A_680 = arith.muli %mul3A_679, %scan3A_91 : i32
              %add3A_681 = arith.constant 1 : i32
              %add3A_682 = arith.addi %mul3A_680, %add3A_681 : i32
              %get3A_683 = arith.index_cast %add3A_682 : i32 to index
              %get3A_684 = arith.constant 96 : index
              %get3A_685 = tpu.vector_load %arg4[%get3A_683, %get3A_684] {strides = array<i32>} : memref<224x224xf32, #tpu.memory_space<vmem>>, vector<1x16xf32>,
              %get3A_686 = vector.shape_cast %get3A_685 : vector<1x16xf32> to vector<16xf32>
              %mul3A_687 = arith.constant 4 : i32
              %mul3A_688 = arith.muli %mul3A_687, %scan3A_91 : i32
              %add3A_689 = arith.constant 2 : i32
              %add3A_690 = arith.addi %mul3A_688, %add3A_689 : i32
              %get3A_691 = arith.index_cast %add3A_690 : i32 to index
              %get3A_692 = arith.constant 96 : index
              %get3A_693 = tpu.vector_load %arg4[%get3A_691, %get3A_692] {strides = array<i32>} : memref<224x224xf32, #tpu.memory_space<vmem>>, vector<1x16xf32>,
              %get3A_694 = vector.shape_cast %get3A_693 : vector<1x16xf32> to vector<16xf32>
              %mul3A_695 = arith.constant 4 : i32
              %mul3A_696 = arith.muli %mul3A_695, %scan3A_91 : i32
              %add3A_697 = arith.constant 3 : i32
              %add3A_698 = arith.addi %mul3A_696, %add3A_697 : i32
              %get3A_699 = arith.index_cast %add3A_698 : i32 to index
              %get3A_700 = arith.constant 96 : index
              %get3A_701 = tpu.vector_load %arg4[%get3A_699, %get3A_700] {strides = array<i32>} : memref<224x224xf32, #tpu.memory_space<vmem>>, vector<1x16xf32>,
              %get3A_702 = vector.shape_cast %get3A_701 : vector<1x16xf32> to vector<16xf32>
              %add3A_703 = arith.addf %get3A_678, %get3A_686 : vector<16xf32>
              %add3A_704 = arith.addf %get3A_694, %get3A_702 : vector<16xf32>
              %add3A_705 = arith.addf %add3A_703, %add3A_704 : vector<16xf32>
              %iota3A_706 = tpu.iota {dimensions = array<i32: 0>} : vector<16xi32>
              %xor3A_707 = arith.constant 1 : i32
              %xor3A_708 = vector.broadcast %xor3A_707 : i32 to vector<16xi32>
              %xor3A_709 = arith.xori %iota3A_706, %xor3A_708 : vector<16xi32>
              %broadcast_in_dim3A_710 = vector.shape_cast %xor3A_709 : vector<16xi32> to vector<16x1xi32>
              %gather3A_711 = vector.shape_cast %broadcast_in_dim3A_710 : vector<16x1xi32> to vector<16xi32>
              %gather3A_712 = tpu.dynamic_gather %add3A_705[%gather3A_711] in [0] : vector<16xf32>, vector<16xi32> -> vector<16xf32>
              %add3A_713 = arith.addf %add3A_705, %gather3A_712 : vector<16xf32>
              %iota3A_714 = tpu.iota {dimensions = array<i32: 0>} : vector<16xi32>
              %xor3A_715 = arith.constant 2 : i32
              %xor3A_716 = vector.broadcast %xor3A_715 : i32 to vector<16xi32>
              %xor3A_717 = arith.xori %iota3A_714, %xor3A_716 : vector<16xi32>
              %broadcast_in_dim3A_718 = vector.shape_cast %xor3A_717 : vector<16xi32> to vector<16x1xi32>
              %gather3A_719 = vector.shape_cast %broadcast_in_dim3A_718 : vector<16x1xi32> to vector<16xi32>
              %gather3A_720 = tpu.dynamic_gather %add3A_713[%gather3A_719] in [0] : vector<16xf32>, vector<16xi32> -> vector<16xf32>
              %add3A_721 = arith.addf %add3A_713, %gather3A_720 : vector<16xf32>
              %ge3A_722 = arith.constant 0.000000e+00 : f32
              %ge3A_723 = vector.broadcast %ge3A_722 : f32 to vector<16xf32>
              %ge3A_724 = arith.cmpf oge, %add3A_721, %ge3A_723 : vector<16xf32>
              %jit3A_725 = arith.constant 0.000000e+00 : f32
              %broadcast_in_dim3A_726 = vector.broadcast %jit3A_725 : f32 to vector<16xf32>
              %select_n3A_727 = arith.select %ge3A_724, %get3A_678, %broadcast_in_dim3A_726 : vector<16xi1>, vector<16xf32>
              %mul3A_728 = arith.constant 4 : i32
              %mul3A_729 = arith.muli %mul3A_728, %scan3A_91 : i32
              %swap3A_730 = arith.index_cast %mul3A_729 : i32 to index
              %swap3A_731 = arith.constant 96 : index
              %swap3A_732 = tpu.vector_load %arg4[%swap3A_730, %swap3A_731] {strides = array<i32>} : memref<224x224xf32, #tpu.memory_space<vmem>>, vector<1x16xf32>,
              %swap3A_733 = vector.shape_cast %swap3A_732 : vector<1x16xf32> to vector<16xf32>
              %swap3A_734 = vector.shape_cast %select_n3A_727 : vector<16xf32> to vector<1x16xf32>
              tpu.vector_store %arg4[%swap3A_730, %swap3A_731], %swap3A_734 {strides = array<i32>} : memref<224x224xf32, #tpu.memory_space<vmem>>, vector<1x16xf32>,
              %jit3A_735 = arith.constant 0.000000e+00 : f32
              %broadcast_in_dim3A_736 = vector.broadcast %jit3A_735 : f32 to vector<16xf32>
              %select_n3A_737 = arith.select %ge3A_724, %get3A_686, %broadcast_in_dim3A_736 : vector<16xi1>, vector<16xf32>
              %mul3A_738 = arith.constant 4 : i32
              %mul3A_739 = arith.muli %mul3A_738, %scan3A_91 : i32
              %add3A_740 = arith.constant 1 : i32
              %add3A_741 = arith.addi %mul3A_739, %add3A_740 : i32
              %swap3A_742 = arith.index_cast %add3A_741 : i32 to index
              %swap3A_743 = arith.constant 96 : index
              %swap3A_744 = tpu.vector_load %arg4[%swap3A_742, %swap3A_743] {strides = array<i32>} : memref<224x224xf32, #tpu.memory_space<vmem>>, vector<1x16xf32>,
              %swap3A_745 = vector.shape_cast %swap3A_744 : vector<1x16xf32> to vector<16xf32>
              %swap3A_746 = vector.shape_cast %select_n3A_737 : vector<16xf32> to vector<1x16xf32>
              tpu.vector_store %arg4[%swap3A_742, %swap3A_743], %swap3A_746 {strides = array<i32>} : memref<224x224xf32, #tpu.memory_space<vmem>>, vector<1x16xf32>,
              %jit3A_747 = arith.constant 0.000000e+00 : f32
              %broadcast_in_dim3A_748 = vector.broadcast %jit3A_747 : f32 to vector<16xf32>
              %select_n3A_749 = arith.select %ge3A_724, %get3A_694, %broadcast_in_dim3A_748 : vector<16xi1>, vector<16xf32>
              %mul3A_750 = arith.constant 4 : i32
              %mul3A_751 = arith.muli %mul3A_750, %scan3A_91 : i32
              %add3A_752 = arith.constant 2 : i32
              %add3A_753 = arith.addi %mul3A_751, %add3A_752 : i32
              %swap3A_754 = arith.index_cast %add3A_753 : i32 to index
              %swap3A_755 = arith.constant 96 : index
              %swap3A_756 = tpu.vector_load %arg4[%swap3A_754, %swap3A_755] {strides = array<i32>} : memref<224x224xf32, #tpu.memory_space<vmem>>, vector<1x16xf32>,
              %swap3A_757 = vector.shape_cast %swap3A_756 : vector<1x16xf32> to vector<16xf32>
              %swap3A_758 = vector.shape_cast %select_n3A_749 : vector<16xf32> to vector<1x16xf32>
              tpu.vector_store %arg4[%swap3A_754, %swap3A_755], %swap3A_758 {strides = array<i32>} : memref<224x224xf32, #tpu.memory_space<vmem>>, vector<1x16xf32>,
              %jit3A_759 = arith.constant 0.000000e+00 : f32
              %broadcast_in_dim3A_760 = vector.broadcast %jit3A_759 : f32 to vector<16xf32>
              %select_n3A_761 = arith.select %ge3A_724, %get3A_702, %broadcast_in_dim3A_760 : vector<16xi1>, vector<16xf32>
              %mul3A_762 = arith.constant 4 : i32
              %mul3A_763 = arith.muli %mul3A_762, %scan3A_91 : i32
              %add3A_764 = arith.constant 3 : i32
              %add3A_765 = arith.addi %mul3A_763, %add3A_764 : i32
              %swap3A_766 = arith.index_cast %add3A_765 : i32 to index
              %swap3A_767 = arith.constant 96 : index
              %swap3A_768 = tpu.vector_load %arg4[%swap3A_766, %swap3A_767] {strides = array<i32>} : memref<224x224xf32, #tpu.memory_space<vmem>>, vector<1x16xf32>,
              %swap3A_769 = vector.shape_cast %swap3A_768 : vector<1x16xf32> to vector<16xf32>
              %swap3A_770 = vector.shape_cast %select_n3A_761 : vector<16xf32> to vector<1x16xf32>
              tpu.vector_store %arg4[%swap3A_766, %swap3A_767], %swap3A_770 {strides = array<i32>} : memref<224x224xf32, #tpu.memory_space<vmem>>, vector<1x16xf32>,
              %mul3A_771 = arith.constant 4 : i32
              %mul3A_772 = arith.muli %mul3A_771, %scan3A_91 : i32
              %get3A_773 = arith.index_cast %mul3A_772 : i32 to index
              %get3A_774 = arith.constant 112 : index
              %get3A_775 = tpu.vector_load %arg4[%get3A_773, %get3A_774] {strides = array<i32>} : memref<224x224xf32, #tpu.memory_space<vmem>>, vector<1x16xf32>,
              %get3A_776 = vector.shape_cast %get3A_775 : vector<1x16xf32> to vector<16xf32>
              %mul3A_777 = arith.constant 4 : i32
              %mul3A_778 = arith.muli %mul3A_777, %scan3A_91 : i32
              %add3A_779 = arith.constant 1 : i32
              %add3A_780 = arith.addi %mul3A_778, %add3A_779 : i32
              %get3A_781 = arith.index_cast %add3A_780 : i32 to index
              %get3A_782 = arith.constant 112 : index
              %get3A_783 = tpu.vector_load %arg4[%get3A_781, %get3A_782] {strides = array<i32>} : memref<224x224xf32, #tpu.memory_space<vmem>>, vector<1x16xf32>,
              %get3A_784 = vector.shape_cast %get3A_783 : vector<1x16xf32> to vector<16xf32>
              %mul3A_785 = arith.constant 4 : i32
              %mul3A_786 = arith.muli %mul3A_785, %scan3A_91 : i32
              %add3A_787 = arith.constant 2 : i32
              %add3A_788 = arith.addi %mul3A_786, %add3A_787 : i32
              %get3A_789 = arith.index_cast %add3A_788 : i32 to index
              %get3A_790 = arith.constant 112 : index
              %get3A_791 = tpu.vector_load %arg4[%get3A_789, %get3A_790] {strides = array<i32>} : memref<224x224xf32, #tpu.memory_space<vmem>>, vector<1x16xf32>,
              %get3A_792 = vector.shape_cast %get3A_791 : vector<1x16xf32> to vector<16xf32>
              %mul3A_793 = arith.constant 4 : i32
              %mul3A_794 = arith.muli %mul3A_793, %scan3A_91 : i32
              %add3A_795 = arith.constant 3 : i32
              %add3A_796 = arith.addi %mul3A_794, %add3A_795 : i32
              %get3A_797 = arith.index_cast %add3A_796 : i32 to index
              %get3A_798 = arith.constant 112 : index
              %get3A_799 = tpu.vector_load %arg4[%get3A_797, %get3A_798] {strides = array<i32>} : memref<224x224xf32, #tpu.memory_space<vmem>>, vector<1x16xf32>,
              %get3A_800 = vector.shape_cast %get3A_799 : vector<1x16xf32> to vector<16xf32>
              %add3A_801 = arith.addf %get3A_776, %get3A_784 : vector<16xf32>
              %add3A_802 = arith.addf %get3A_792, %get3A_800 : vector<16xf32>
              %add3A_803 = arith.addf %add3A_801, %add3A_802 : vector<16xf32>
              %iota3A_804 = tpu.iota {dimensions = array<i32: 0>} : vector<16xi32>
              %xor3A_805 = arith.constant 1 : i32
              %xor3A_806 = vector.broadcast %xor3A_805 : i32 to vector<16xi32>
              %xor3A_807 = arith.xori %iota3A_804, %xor3A_806 : vector<16xi32>
              %broadcast_in_dim3A_808 = vector.shape_cast %xor3A_807 : vector<16xi32> to vector<16x1xi32>
              %gather3A_809 = vector.shape_cast %broadcast_in_dim3A_808 : vector<16x1xi32> to vector<16xi32>
              %gather3A_810 = tpu.dynamic_gather %add3A_803[%gather3A_809] in [0] : vector<16xf32>, vector<16xi32> -> vector<16xf32>
              %add3A_811 = arith.addf %add3A_803, %gather3A_810 : vector<16xf32>
              %iota3A_812 = tpu.iota {dimensions = array<i32: 0>} : vector<16xi32>
              %xor3A_813 = arith.constant 2 : i32
              %xor3A_814 = vector.broadcast %xor3A_813 : i32 to vector<16xi32>
              %xor3A_815 = arith.xori %iota3A_812, %xor3A_814 : vector<16xi32>
              %broadcast_in_dim3A_816 = vector.shape_cast %xor3A_815 : vector<16xi32> to vector<16x1xi32>
              %gather3A_817 = vector.shape_cast %broadcast_in_dim3A_816 : vector<16x1xi32> to vector<16xi32>
              %gather3A_818 = tpu.dynamic_gather %add3A_811[%gather3A_817] in [0] : vector<16xf32>, vector<16xi32> -> vector<16xf32>
              %add3A_819 = arith.addf %add3A_811, %gather3A_818 : vector<16xf32>
              %ge3A_820 = arith.constant 0.000000e+00 : f32
              %ge3A_821 = vector.broadcast %ge3A_820 : f32 to vector<16xf32>
              %ge3A_822 = arith.cmpf oge, %add3A_819, %ge3A_821 : vector<16xf32>
              %jit3A_823 = arith.constant 0.000000e+00 : f32
              %broadcast_in_dim3A_824 = vector.broadcast %jit3A_823 : f32 to vector<16xf32>
              %select_n3A_825 = arith.select %ge3A_822, %get3A_776, %broadcast_in_dim3A_824 : vector<16xi1>, vector<16xf32>
              %mul3A_826 = arith.constant 4 : i32
              %mul3A_827 = arith.muli %mul3A_826, %scan3A_91 : i32
              %swap3A_828 = arith.index_cast %mul3A_827 : i32 to index
              %swap3A_829 = arith.constant 112 : index
              %swap3A_830 = tpu.vector_load %arg4[%swap3A_828, %swap3A_829] {strides = array<i32>} : memref<224x224xf32, #tpu.memory_space<vmem>>, vector<1x16xf32>,
              %swap3A_831 = vector.shape_cast %swap3A_830 : vector<1x16xf32> to vector<16xf32>
              %swap3A_832 = vector.shape_cast %select_n3A_825 : vector<16xf32> to vector<1x16xf32>
              tpu.vector_store %arg4[%swap3A_828, %swap3A_829], %swap3A_832 {strides = array<i32>} : memref<224x224xf32, #tpu.memory_space<vmem>>, vector<1x16xf32>,
              %jit3A_833 = arith.constant 0.000000e+00 : f32
              %broadcast_in_dim3A_834 = vector.broadcast %jit3A_833 : f32 to vector<16xf32>
              %select_n3A_835 = arith.select %ge3A_822, %get3A_784, %broadcast_in_dim3A_834 : vector<16xi1>, vector<16xf32>
              %mul3A_836 = arith.constant 4 : i32
              %mul3A_837 = arith.muli %mul3A_836, %scan3A_91 : i32
              %add3A_838 = arith.constant 1 : i32
              %add3A_839 = arith.addi %mul3A_837, %add3A_838 : i32
              %swap3A_840 = arith.index_cast %add3A_839 : i32 to index
              %swap3A_841 = arith.constant 112 : index
              %swap3A_842 = tpu.vector_load %arg4[%swap3A_840, %swap3A_841] {strides = array<i32>} : memref<224x224xf32, #tpu.memory_space<vmem>>, vector<1x16xf32>,
              %swap3A_843 = vector.shape_cast %swap3A_842 : vector<1x16xf32> to vector<16xf32>
              %swap3A_844 = vector.shape_cast %select_n3A_835 : vector<16xf32> to vector<1x16xf32>
              tpu.vector_store %arg4[%swap3A_840, %swap3A_841], %swap3A_844 {strides = array<i32>} : memref<224x224xf32, #tpu.memory_space<vmem>>, vector<1x16xf32>,
              %jit3A_845 = arith.constant 0.000000e+00 : f32
              %broadcast_in_dim3A_846 = vector.broadcast %jit3A_845 : f32 to vector<16xf32>
              %select_n3A_847 = arith.select %ge3A_822, %get3A_792, %broadcast_in_dim3A_846 : vector<16xi1>, vector<16xf32>
              %mul3A_848 = arith.constant 4 : i32
              %mul3A_849 = arith.muli %mul3A_848, %scan3A_91 : i32
              %add3A_850 = arith.constant 2 : i32
              %add3A_851 = arith.addi %mul3A_849, %add3A_850 : i32
              %swap3A_852 = arith.index_cast %add3A_851 : i32 to index
              %swap3A_853 = arith.constant 112 : index
              %swap3A_854 = tpu.vector_load %arg4[%swap3A_852, %swap3A_853] {strides = array<i32>} : memref<224x224xf32, #tpu.memory_space<vmem>>, vector<1x16xf32>,
              %swap3A_855 = vector.shape_cast %swap3A_854 : vector<1x16xf32> to vector<16xf32>
              %swap3A_856 = vector.shape_cast %select_n3A_847 : vector<16xf32> to vector<1x16xf32>
              tpu.vector_store %arg4[%swap3A_852, %swap3A_853], %swap3A_856 {strides = array<i32>} : memref<224x224xf32, #tpu.memory_space<vmem>>, vector<1x16xf32>,
              %jit3A_857 = arith.constant 0.000000e+00 : f32
              %broadcast_in_dim3A_858 = vector.broadcast %jit3A_857 : f32 to vector<16xf32>
              %select_n3A_859 = arith.select %ge3A_822, %get3A_800, %broadcast_in_dim3A_858 : vector<16xi1>, vector<16xf32>
              %mul3A_860 = arith.constant 4 : i32
              %mul3A_861 = arith.muli %mul3A_860, %scan3A_91 : i32
              %add3A_862 = arith.constant 3 : i32
              %add3A_863 = arith.addi %mul3A_861, %add3A_862 : i32
              %swap3A_864 = arith.index_cast %add3A_863 : i32 to index
              %swap3A_865 = arith.constant 112 : index
              %swap3A_866 = tpu.vector_load %arg4[%swap3A_864, %swap3A_865] {strides = array<i32>} : memref<224x224xf32, #tpu.memory_space<vmem>>, vector<1x16xf32>,
              %swap3A_867 = vector.shape_cast %swap3A_866 : vector<1x16xf32> to vector<16xf32>
              %swap3A_868 = vector.shape_cast %select_n3A_859 : vector<16xf32> to vector<1x16xf32>
              tpu.vector_store %arg4[%swap3A_864, %swap3A_865], %swap3A_868 {strides = array<i32>} : memref<224x224xf32, #tpu.memory_space<vmem>>, vector<1x16xf32>,
              %mul3A_869 = arith.constant 4 : i32
              %mul3A_870 = arith.muli %mul3A_869, %scan3A_91 : i32
              %get3A_871 = arith.index_cast %mul3A_870 : i32 to index
              %get3A_872 = arith.constant 128 : index
              %get3A_873 = tpu.vector_load %arg4[%get3A_871, %get3A_872] {strides = array<i32>} : memref<224x224xf32, #tpu.memory_space<vmem>>, vector<1x16xf32>,
              %get3A_874 = vector.shape_cast %get3A_873 : vector<1x16xf32> to vector<16xf32>
              %mul3A_875 = arith.constant 4 : i32
              %mul3A_876 = arith.muli %mul3A_875, %scan3A_91 : i32
              %add3A_877 = arith.constant 1 : i32
              %add3A_878 = arith.addi %mul3A_876, %add3A_877 : i32
              %get3A_879 = arith.index_cast %add3A_878 : i32 to index
              %get3A_880 = arith.constant 128 : index
              %get3A_881 = tpu.vector_load %arg4[%get3A_879, %get3A_880] {strides = array<i32>} : memref<224x224xf32, #tpu.memory_space<vmem>>, vector<1x16xf32>,
              %get3A_882 = vector.shape_cast %get3A_881 : vector<1x16xf32> to vector<16xf32>
              %mul3A_883 = arith.constant 4 : i32
              %mul3A_884 = arith.muli %mul3A_883, %scan3A_91 : i32
              %add3A_885 = arith.constant 2 : i32
              %add3A_886 = arith.addi %mul3A_884, %add3A_885 : i32
              %get3A_887 = arith.index_cast %add3A_886 : i32 to index
              %get3A_888 = arith.constant 128 : index
              %get3A_889 = tpu.vector_load %arg4[%get3A_887, %get3A_888] {strides = array<i32>} : memref<224x224xf32, #tpu.memory_space<vmem>>, vector<1x16xf32>,
              %get3A_890 = vector.shape_cast %get3A_889 : vector<1x16xf32> to vector<16xf32>
              %mul3A_891 = arith.constant 4 : i32
              %mul3A_892 = arith.muli %mul3A_891, %scan3A_91 : i32
              %add3A_893 = arith.constant 3 : i32
              %add3A_894 = arith.addi %mul3A_892, %add3A_893 : i32
              %get3A_895 = arith.index_cast %add3A_894 : i32 to index
              %get3A_896 = arith.constant 128 : index
              %get3A_897 = tpu.vector_load %arg4[%get3A_895, %get3A_896] {strides = array<i32>} : memref<224x224xf32, #tpu.memory_space<vmem>>, vector<1x16xf32>,
              %get3A_898 = vector.shape_cast %get3A_897 : vector<1x16xf32> to vector<16xf32>
              %add3A_899 = arith.addf %get3A_874, %get3A_882 : vector<16xf32>
              %add3A_900 = arith.addf %get3A_890, %get3A_898 : vector<16xf32>
              %add3A_901 = arith.addf %add3A_899, %add3A_900 : vector<16xf32>
              %iota3A_902 = tpu.iota {dimensions = array<i32: 0>} : vector<16xi32>
              %xor3A_903 = arith.constant 1 : i32
              %xor3A_904 = vector.broadcast %xor3A_903 : i32 to vector<16xi32>
              %xor3A_905 = arith.xori %iota3A_902, %xor3A_904 : vector<16xi32>
              %broadcast_in_dim3A_906 = vector.shape_cast %xor3A_905 : vector<16xi32> to vector<16x1xi32>
              %gather3A_907 = vector.shape_cast %broadcast_in_dim3A_906 : vector<16x1xi32> to vector<16xi32>
              %gather3A_908 = tpu.dynamic_gather %add3A_901[%gather3A_907] in [0] : vector<16xf32>, vector<16xi32> -> vector<16xf32>
              %add3A_909 = arith.addf %add3A_901, %gather3A_908 : vector<16xf32>
              %iota3A_910 = tpu.iota {dimensions = array<i32: 0>} : vector<16xi32>
              %xor3A_911 = arith.constant 2 : i32
              %xor3A_912 = vector.broadcast %xor3A_911 : i32 to vector<16xi32>
              %xor3A_913 = arith.xori %iota3A_910, %xor3A_912 : vector<16xi32>
              %broadcast_in_dim3A_914 = vector.shape_cast %xor3A_913 : vector<16xi32> to vector<16x1xi32>
              %gather3A_915 = vector.shape_cast %broadcast_in_dim3A_914 : vector<16x1xi32> to vector<16xi32>
              %gather3A_916 = tpu.dynamic_gather %add3A_909[%gather3A_915] in [0] : vector<16xf32>, vector<16xi32> -> vector<16xf32>
              %add3A_917 = arith.addf %add3A_909, %gather3A_916 : vector<16xf32>
              %ge3A_918 = arith.constant 0.000000e+00 : f32
              %ge3A_919 = vector.broadcast %ge3A_918 : f32 to vector<16xf32>
              %ge3A_920 = arith.cmpf oge, %add3A_917, %ge3A_919 : vector<16xf32>
              %jit3A_921 = arith.constant 0.000000e+00 : f32
              %broadcast_in_dim3A_922 = vector.broadcast %jit3A_921 : f32 to vector<16xf32>
              %select_n3A_923 = arith.select %ge3A_920, %get3A_874, %broadcast_in_dim3A_922 : vector<16xi1>, vector<16xf32>
              %mul3A_924 = arith.constant 4 : i32
              %mul3A_925 = arith.muli %mul3A_924, %scan3A_91 : i32
              %swap3A_926 = arith.index_cast %mul3A_925 : i32 to index
              %swap3A_927 = arith.constant 128 : index
              %swap3A_928 = tpu.vector_load %arg4[%swap3A_926, %swap3A_927] {strides = array<i32>} : memref<224x224xf32, #tpu.memory_space<vmem>>, vector<1x16xf32>,
              %swap3A_929 = vector.shape_cast %swap3A_928 : vector<1x16xf32> to vector<16xf32>
              %swap3A_930 = vector.shape_cast %select_n3A_923 : vector<16xf32> to vector<1x16xf32>
              tpu.vector_store %arg4[%swap3A_926, %swap3A_927], %swap3A_930 {strides = array<i32>} : memref<224x224xf32, #tpu.memory_space<vmem>>, vector<1x16xf32>,
              %jit3A_931 = arith.constant 0.000000e+00 : f32
              %broadcast_in_dim3A_932 = vector.broadcast %jit3A_931 : f32 to vector<16xf32>
              %select_n3A_933 = arith.select %ge3A_920, %get3A_882, %broadcast_in_dim3A_932 : vector<16xi1>, vector<16xf32>
              %mul3A_934 = arith.constant 4 : i32
              %mul3A_935 = arith.muli %mul3A_934, %scan3A_91 : i32
              %add3A_936 = arith.constant 1 : i32
              %add3A_937 = arith.addi %mul3A_935, %add3A_936 : i32
              %swap3A_938 = arith.index_cast %add3A_937 : i32 to index
              %swap3A_939 = arith.constant 128 : index
              %swap3A_940 = tpu.vector_load %arg4[%swap3A_938, %swap3A_939] {strides = array<i32>} : memref<224x224xf32, #tpu.memory_space<vmem>>, vector<1x16xf32>,
              %swap3A_941 = vector.shape_cast %swap3A_940 : vector<1x16xf32> to vector<16xf32>
              %swap3A_942 = vector.shape_cast %select_n3A_933 : vector<16xf32> to vector<1x16xf32>
              tpu.vector_store %arg4[%swap3A_938, %swap3A_939], %swap3A_942 {strides = array<i32>} : memref<224x224xf32, #tpu.memory_space<vmem>>, vector<1x16xf32>,
              %jit3A_943 = arith.constant 0.000000e+00 : f32
              %broadcast_in_dim3A_944 = vector.broadcast %jit3A_943 : f32 to vector<16xf32>
              %select_n3A_945 = arith.select %ge3A_920, %get3A_890, %broadcast_in_dim3A_944 : vector<16xi1>, vector<16xf32>
              %mul3A_946 = arith.constant 4 : i32
              %mul3A_947 = arith.muli %mul3A_946, %scan3A_91 : i32
              %add3A_948 = arith.constant 2 : i32
              %add3A_949 = arith.addi %mul3A_947, %add3A_948 : i32
              %swap3A_950 = arith.index_cast %add3A_949 : i32 to index
              %swap3A_951 = arith.constant 128 : index
              %swap3A_952 = tpu.vector_load %arg4[%swap3A_950, %swap3A_951] {strides = array<i32>} : memref<224x224xf32, #tpu.memory_space<vmem>>, vector<1x16xf32>,
              %swap3A_953 = vector.shape_cast %swap3A_952 : vector<1x16xf32> to vector<16xf32>
              %swap3A_954 = vector.shape_cast %select_n3A_945 : vector<16xf32> to vector<1x16xf32>
              tpu.vector_store %arg4[%swap3A_950, %swap3A_951], %swap3A_954 {strides = array<i32>} : memref<224x224xf32, #tpu.memory_space<vmem>>, vector<1x16xf32>,
              %jit3A_955 = arith.constant 0.000000e+00 : f32
              %broadcast_in_dim3A_956 = vector.broadcast %jit3A_955 : f32 to vector<16xf32>
              %select_n3A_957 = arith.select %ge3A_920, %get3A_898, %broadcast_in_dim3A_956 : vector<16xi1>, vector<16xf32>
              %mul3A_958 = arith.constant 4 : i32
              %mul3A_959 = arith.muli %mul3A_958, %scan3A_91 : i32
              %add3A_960 = arith.constant 3 : i32
              %add3A_961 = arith.addi %mul3A_959, %add3A_960 : i32
              %swap3A_962 = arith.index_cast %add3A_961 : i32 to index
              %swap3A_963 = arith.constant 128 : index
              %swap3A_964 = tpu.vector_load %arg4[%swap3A_962, %swap3A_963] {strides = array<i32>} : memref<224x224xf32, #tpu.memory_space<vmem>>, vector<1x16xf32>,
              %swap3A_965 = vector.shape_cast %swap3A_964 : vector<1x16xf32> to vector<16xf32>
              %swap3A_966 = vector.shape_cast %select_n3A_957 : vector<16xf32> to vector<1x16xf32>
              tpu.vector_store %arg4[%swap3A_962, %swap3A_963], %swap3A_966 {strides = array<i32>} : memref<224x224xf32, #tpu.memory_space<vmem>>, vector<1x16xf32>,
              %mul3A_967 = arith.constant 4 : i32
              %mul3A_968 = arith.muli %mul3A_967, %scan3A_91 : i32
              %get3A_969 = arith.index_cast %mul3A_968 : i32 to index
              %get3A_970 = arith.constant 144 : index
              %get3A_971 = tpu.vector_load %arg4[%get3A_969, %get3A_970] {strides = array<i32>} : memref<224x224xf32, #tpu.memory_space<vmem>>, vector<1x16xf32>,
              %get3A_972 = vector.shape_cast %get3A_971 : vector<1x16xf32> to vector<16xf32>
              %mul3A_973 = arith.constant 4 : i32
              %mul3A_974 = arith.muli %mul3A_973, %scan3A_91 : i32
              %add3A_975 = arith.constant 1 : i32
              %add3A_976 = arith.addi %mul3A_974, %add3A_975 : i32
              %get3A_977 = arith.index_cast %add3A_976 : i32 to index
              %get3A_978 = arith.constant 144 : index
              %get3A_979 = tpu.vector_load %arg4[%get3A_977, %get3A_978] {strides = array<i32>} : memref<224x224xf32, #tpu.memory_space<vmem>>, vector<1x16xf32>,
              %get3A_980 = vector.shape_cast %get3A_979 : vector<1x16xf32> to vector<16xf32>
              %mul3A_981 = arith.constant 4 : i32
              %mul3A_982 = arith.muli %mul3A_981, %scan3A_91 : i32
              %add3A_983 = arith.constant 2 : i32
              %add3A_984 = arith.addi %mul3A_982, %add3A_983 : i32
              %get3A_985 = arith.index_cast %add3A_984 : i32 to index
              %get3A_986 = arith.constant 144 : index
              %get3A_987 = tpu.vector_load %arg4[%get3A_985, %get3A_986] {strides = array<i32>} : memref<224x224xf32, #tpu.memory_space<vmem>>, vector<1x16xf32>,
              %get3A_988 = vector.shape_cast %get3A_987 : vector<1x16xf32> to vector<16xf32>
              %mul3A_989 = arith.constant 4 : i32
              %mul3A_990 = arith.muli %mul3A_989, %scan3A_91 : i32
              %add3A_991 = arith.constant 3 : i32
              %add3A_992 = arith.addi %mul3A_990, %add3A_991 : i32
              %get3A_993 = arith.index_cast %add3A_992 : i32 to index
              %get3A_994 = arith.constant 144 : index
              %get3A_995 = tpu.vector_load %arg4[%get3A_993, %get3A_994] {strides = array<i32>} : memref<224x224xf32, #tpu.memory_space<vmem>>, vector<1x16xf32>,
              %get3A_996 = vector.shape_cast %get3A_995 : vector<1x16xf32> to vector<16xf32>
              %add3A_997 = arith.addf %get3A_972, %get3A_980 : vector<16xf32>
              %add3A_998 = arith.addf %get3A_988, %get3A_996 : vector<16xf32>
              %add3A_999 = arith.addf %add3A_997, %add3A_998 : vector<16xf32>
              %iota3A_1000 = tpu.iota {dimensions = array<i32: 0>} : vector<16xi32>
              %xor3A_1001 = arith.constant 1 : i32
              %xor3A_1002 = vector.broadcast %xor3A_1001 : i32 to vector<16xi32>
              %xor3A_1003 = arith.xori %iota3A_1000, %xor3A_1002 : vector<16xi32>
              %broadcast_in_dim3A_1004 = vector.shape_cast %xor3A_1003 : vector<16xi32> to vector<16x1xi32>
              %gather3A_1005 = vector.shape_cast %broadcast_in_dim3A_1004 : vector<16x1xi32> to vector<16xi32>
              %gather3A_1006 = tpu.dynamic_gather %add3A_999[%gather3A_1005] in [0] : vector<16xf32>, vector<16xi32> -> vector<16xf32>
              %add3A_1007 = arith.addf %add3A_999, %gather3A_1006 : vector<16xf32>
              %iota3A_1008 = tpu.iota {dimensions = array<i32: 0>} : vector<16xi32>
              %xor3A_1009 = arith.constant 2 : i32
              %xor3A_1010 = vector.broadcast %xor3A_1009 : i32 to vector<16xi32>
              %xor3A_1011 = arith.xori %iota3A_1008, %xor3A_1010 : vector<16xi32>
              %broadcast_in_dim3A_1012 = vector.shape_cast %xor3A_1011 : vector<16xi32> to vector<16x1xi32>
              %gather3A_1013 = vector.shape_cast %broadcast_in_dim3A_1012 : vector<16x1xi32> to vector<16xi32>
              %gather3A_1014 = tpu.dynamic_gather %add3A_1007[%gather3A_1013] in [0] : vector<16xf32>, vector<16xi32> -> vector<16xf32>
              %add3A_1015 = arith.addf %add3A_1007, %gather3A_1014 : vector<16xf32>
              %ge3A_1016 = arith.constant 0.000000e+00 : f32
              %ge3A_1017 = vector.broadcast %ge3A_1016 : f32 to vector<16xf32>
              %ge3A_1018 = arith.cmpf oge, %add3A_1015, %ge3A_1017 : vector<16xf32>
              %jit3A_1019 = arith.constant 0.000000e+00 : f32
              %broadcast_in_dim3A_1020 = vector.broadcast %jit3A_1019 : f32 to vector<16xf32>
              %select_n3A_1021 = arith.select %ge3A_1018, %get3A_972, %broadcast_in_dim3A_1020 : vector<16xi1>, vector<16xf32>
              %mul3A_1022 = arith.constant 4 : i32
              %mul3A_1023 = arith.muli %mul3A_1022, %scan3A_91 : i32
              %swap3A_1024 = arith.index_cast %mul3A_1023 : i32 to index
              %swap3A_1025 = arith.constant 144 : index
              %swap3A_1026 = tpu.vector_load %arg4[%swap3A_1024, %swap3A_1025] {strides = array<i32>} : memref<224x224xf32, #tpu.memory_space<vmem>>, vector<1x16xf32>,
              %swap3A_1027 = vector.shape_cast %swap3A_1026 : vector<1x16xf32> to vector<16xf32>
              %swap3A_1028 = vector.shape_cast %select_n3A_1021 : vector<16xf32> to vector<1x16xf32>
              tpu.vector_store %arg4[%swap3A_1024, %swap3A_1025], %swap3A_1028 {strides = array<i32>} : memref<224x224xf32, #tpu.memory_space<vmem>>, vector<1x16xf32>,
              %jit3A_1029 = arith.constant 0.000000e+00 : f32
              %broadcast_in_dim3A_1030 = vector.broadcast %jit3A_1029 : f32 to vector<16xf32>
              %select_n3A_1031 = arith.select %ge3A_1018, %get3A_980, %broadcast_in_dim3A_1030 : vector<16xi1>, vector<16xf32>
              %mul3A_1032 = arith.constant 4 : i32
              %mul3A_1033 = arith.muli %mul3A_1032, %scan3A_91 : i32
              %add3A_1034 = arith.constant 1 : i32
              %add3A_1035 = arith.addi %mul3A_1033, %add3A_1034 : i32
              %swap3A_1036 = arith.index_cast %add3A_1035 : i32 to index
              %swap3A_1037 = arith.constant 144 : index
              %swap3A_1038 = tpu.vector_load %arg4[%swap3A_1036, %swap3A_1037] {strides = array<i32>} : memref<224x224xf32, #tpu.memory_space<vmem>>, vector<1x16xf32>,
              %swap3A_1039 = vector.shape_cast %swap3A_1038 : vector<1x16xf32> to vector<16xf32>
              %swap3A_1040 = vector.shape_cast %select_n3A_1031 : vector<16xf32> to vector<1x16xf32>
              tpu.vector_store %arg4[%swap3A_1036, %swap3A_1037], %swap3A_1040 {strides = array<i32>} : memref<224x224xf32, #tpu.memory_space<vmem>>, vector<1x16xf32>,
              %jit3A_1041 = arith.constant 0.000000e+00 : f32
              %broadcast_in_dim3A_1042 = vector.broadcast %jit3A_1041 : f32 to vector<16xf32>
              %select_n3A_1043 = arith.select %ge3A_1018, %get3A_988, %broadcast_in_dim3A_1042 : vector<16xi1>, vector<16xf32>
              %mul3A_1044 = arith.constant 4 : i32
              %mul3A_1045 = arith.muli %mul3A_1044, %scan3A_91 : i32
              %add3A_1046 = arith.constant 2 : i32
              %add3A_1047 = arith.addi %mul3A_1045, %add3A_1046 : i32
              %swap3A_1048 = arith.index_cast %add3A_1047 : i32 to index
              %swap3A_1049 = arith.constant 144 : index
              %swap3A_1050 = tpu.vector_load %arg4[%swap3A_1048, %swap3A_1049] {strides = array<i32>} : memref<224x224xf32, #tpu.memory_space<vmem>>, vector<1x16xf32>,
              %swap3A_1051 = vector.shape_cast %swap3A_1050 : vector<1x16xf32> to vector<16xf32>
              %swap3A_1052 = vector.shape_cast %select_n3A_1043 : vector<16xf32> to vector<1x16xf32>
              tpu.vector_store %arg4[%swap3A_1048, %swap3A_1049], %swap3A_1052 {strides = array<i32>} : memref<224x224xf32, #tpu.memory_space<vmem>>, vector<1x16xf32>,
              %jit3A_1053 = arith.constant 0.000000e+00 : f32
              %broadcast_in_dim3A_1054 = vector.broadcast %jit3A_1053 : f32 to vector<16xf32>
              %select_n3A_1055 = arith.select %ge3A_1018, %get3A_996, %broadcast_in_dim3A_1054 : vector<16xi1>, vector<16xf32>
              %mul3A_1056 = arith.constant 4 : i32
              %mul3A_1057 = arith.muli %mul3A_1056, %scan3A_91 : i32
              %add3A_1058 = arith.constant 3 : i32
              %add3A_1059 = arith.addi %mul3A_1057, %add3A_1058 : i32
              %swap3A_1060 = arith.index_cast %add3A_1059 : i32 to index
              %swap3A_1061 = arith.constant 144 : index
              %swap3A_1062 = tpu.vector_load %arg4[%swap3A_1060, %swap3A_1061] {strides = array<i32>} : memref<224x224xf32, #tpu.memory_space<vmem>>, vector<1x16xf32>,
              %swap3A_1063 = vector.shape_cast %swap3A_1062 : vector<1x16xf32> to vector<16xf32>
              %swap3A_1064 = vector.shape_cast %select_n3A_1055 : vector<16xf32> to vector<1x16xf32>
              tpu.vector_store %arg4[%swap3A_1060, %swap3A_1061], %swap3A_1064 {strides = array<i32>} : memref<224x224xf32, #tpu.memory_space<vmem>>, vector<1x16xf32>,
              %mul3A_1065 = arith.constant 4 : i32
              %mul3A_1066 = arith.muli %mul3A_1065, %scan3A_91 : i32
              %get3A_1067 = arith.index_cast %mul3A_1066 : i32 to index
              %get3A_1068 = arith.constant 160 : index
              %get3A_1069 = tpu.vector_load %arg4[%get3A_1067, %get3A_1068] {strides = array<i32>} : memref<224x224xf32, #tpu.memory_space<vmem>>, vector<1x16xf32>,
              %get3A_1070 = vector.shape_cast %get3A_1069 : vector<1x16xf32> to vector<16xf32>
              %mul3A_1071 = arith.constant 4 : i32
              %mul3A_1072 = arith.muli %mul3A_1071, %scan3A_91 : i32
              %add3A_1073 = arith.constant 1 : i32
              %add3A_1074 = arith.addi %mul3A_1072, %add3A_1073 : i32
              %get3A_1075 = arith.index_cast %add3A_1074 : i32 to index
              %get3A_1076 = arith.constant 160 : index
              %get3A_1077 = tpu.vector_load %arg4[%get3A_1075, %get3A_1076] {strides = array<i32>} : memref<224x224xf32, #tpu.memory_space<vmem>>, vector<1x16xf32>,
              %get3A_1078 = vector.shape_cast %get3A_1077 : vector<1x16xf32> to vector<16xf32>
              %mul3A_1079 = arith.constant 4 : i32
              %mul3A_1080 = arith.muli %mul3A_1079, %scan3A_91 : i32
              %add3A_1081 = arith.constant 2 : i32
              %add3A_1082 = arith.addi %mul3A_1080, %add3A_1081 : i32
              %get3A_1083 = arith.index_cast %add3A_1082 : i32 to index
              %get3A_1084 = arith.constant 160 : index
              %get3A_1085 = tpu.vector_load %arg4[%get3A_1083, %get3A_1084] {strides = array<i32>} : memref<224x224xf32, #tpu.memory_space<vmem>>, vector<1x16xf32>,
              %get3A_1086 = vector.shape_cast %get3A_1085 : vector<1x16xf32> to vector<16xf32>
              %mul3A_1087 = arith.constant 4 : i32
              %mul3A_1088 = arith.muli %mul3A_1087, %scan3A_91 : i32
              %add3A_1089 = arith.constant 3 : i32
              %add3A_1090 = arith.addi %mul3A_1088, %add3A_1089 : i32
              %get3A_1091 = arith.index_cast %add3A_1090 : i32 to index
              %get3A_1092 = arith.constant 160 : index
              %get3A_1093 = tpu.vector_load %arg4[%get3A_1091, %get3A_1092] {strides = array<i32>} : memref<224x224xf32, #tpu.memory_space<vmem>>, vector<1x16xf32>,
              %get3A_1094 = vector.shape_cast %get3A_1093 : vector<1x16xf32> to vector<16xf32>
              %add3A_1095 = arith.addf %get3A_1070, %get3A_1078 : vector<16xf32>
              %add3A_1096 = arith.addf %get3A_1086, %get3A_1094 : vector<16xf32>
              %add3A_1097 = arith.addf %add3A_1095, %add3A_1096 : vector<16xf32>
              %iota3A_1098 = tpu.iota {dimensions = array<i32: 0>} : vector<16xi32>
              %xor3A_1099 = arith.constant 1 : i32
              %xor3A_1100 = vector.broadcast %xor3A_1099 : i32 to vector<16xi32>
              %xor3A_1101 = arith.xori %iota3A_1098, %xor3A_1100 : vector<16xi32>
              %broadcast_in_dim3A_1102 = vector.shape_cast %xor3A_1101 : vector<16xi32> to vector<16x1xi32>
              %gather3A_1103 = vector.shape_cast %broadcast_in_dim3A_1102 : vector<16x1xi32> to vector<16xi32>
              %gather3A_1104 = tpu.dynamic_gather %add3A_1097[%gather3A_1103] in [0] : vector<16xf32>, vector<16xi32> -> vector<16xf32>
              %add3A_1105 = arith.addf %add3A_1097, %gather3A_1104 : vector<16xf32>
              %iota3A_1106 = tpu.iota {dimensions = array<i32: 0>} : vector<16xi32>
              %xor3A_1107 = arith.constant 2 : i32
              %xor3A_1108 = vector.broadcast %xor3A_1107 : i32 to vector<16xi32>
              %xor3A_1109 = arith.xori %iota3A_1106, %xor3A_1108 : vector<16xi32>
              %broadcast_in_dim3A_1110 = vector.shape_cast %xor3A_1109 : vector<16xi32> to vector<16x1xi32>
              %gather3A_1111 = vector.shape_cast %broadcast_in_dim3A_1110 : vector<16x1xi32> to vector<16xi32>
              %gather3A_1112 = tpu.dynamic_gather %add3A_1105[%gather3A_1111] in [0] : vector<16xf32>, vector<16xi32> -> vector<16xf32>
              %add3A_1113 = arith.addf %add3A_1105, %gather3A_1112 : vector<16xf32>
              %ge3A_1114 = arith.constant 0.000000e+00 : f32
              %ge3A_1115 = vector.broadcast %ge3A_1114 : f32 to vector<16xf32>
              %ge3A_1116 = arith.cmpf oge, %add3A_1113, %ge3A_1115 : vector<16xf32>
              %jit3A_1117 = arith.constant 0.000000e+00 : f32
              %broadcast_in_dim3A_1118 = vector.broadcast %jit3A_1117 : f32 to vector<16xf32>
              %select_n3A_1119 = arith.select %ge3A_1116, %get3A_1070, %broadcast_in_dim3A_1118 : vector<16xi1>, vector<16xf32>
              %mul3A_1120 = arith.constant 4 : i32
              %mul3A_1121 = arith.muli %mul3A_1120, %scan3A_91 : i32
              %swap3A_1122 = arith.index_cast %mul3A_1121 : i32 to index
              %swap3A_1123 = arith.constant 160 : index
              %swap3A_1124 = tpu.vector_load %arg4[%swap3A_1122, %swap3A_1123] {strides = array<i32>} : memref<224x224xf32, #tpu.memory_space<vmem>>, vector<1x16xf32>,
              %swap3A_1125 = vector.shape_cast %swap3A_1124 : vector<1x16xf32> to vector<16xf32>
              %swap3A_1126 = vector.shape_cast %select_n3A_1119 : vector<16xf32> to vector<1x16xf32>
              tpu.vector_store %arg4[%swap3A_1122, %swap3A_1123], %swap3A_1126 {strides = array<i32>} : memref<224x224xf32, #tpu.memory_space<vmem>>, vector<1x16xf32>,
              %jit3A_1127 = arith.constant 0.000000e+00 : f32
              %broadcast_in_dim3A_1128 = vector.broadcast %jit3A_1127 : f32 to vector<16xf32>
              %select_n3A_1129 = arith.select %ge3A_1116, %get3A_1078, %broadcast_in_dim3A_1128 : vector<16xi1>, vector<16xf32>
              %mul3A_1130 = arith.constant 4 : i32
              %mul3A_1131 = arith.muli %mul3A_1130, %scan3A_91 : i32
              %add3A_1132 = arith.constant 1 : i32
              %add3A_1133 = arith.addi %mul3A_1131, %add3A_1132 : i32
              %swap3A_1134 = arith.index_cast %add3A_1133 : i32 to index
              %swap3A_1135 = arith.constant 160 : index
              %swap3A_1136 = tpu.vector_load %arg4[%swap3A_1134, %swap3A_1135] {strides = array<i32>} : memref<224x224xf32, #tpu.memory_space<vmem>>, vector<1x16xf32>,
              %swap3A_1137 = vector.shape_cast %swap3A_1136 : vector<1x16xf32> to vector<16xf32>
              %swap3A_1138 = vector.shape_cast %select_n3A_1129 : vector<16xf32> to vector<1x16xf32>
              tpu.vector_store %arg4[%swap3A_1134, %swap3A_1135], %swap3A_1138 {strides = array<i32>} : memref<224x224xf32, #tpu.memory_space<vmem>>, vector<1x16xf32>,
              %jit3A_1139 = arith.constant 0.000000e+00 : f32
              %broadcast_in_dim3A_1140 = vector.broadcast %jit3A_1139 : f32 to vector<16xf32>
              %select_n3A_1141 = arith.select %ge3A_1116, %get3A_1086, %broadcast_in_dim3A_1140 : vector<16xi1>, vector<16xf32>
              %mul3A_1142 = arith.constant 4 : i32
              %mul3A_1143 = arith.muli %mul3A_1142, %scan3A_91 : i32
              %add3A_1144 = arith.constant 2 : i32
              %add3A_1145 = arith.addi %mul3A_1143, %add3A_1144 : i32
              %swap3A_1146 = arith.index_cast %add3A_1145 : i32 to index
              %swap3A_1147 = arith.constant 160 : index
              %swap3A_1148 = tpu.vector_load %arg4[%swap3A_1146, %swap3A_1147] {strides = array<i32>} : memref<224x224xf32, #tpu.memory_space<vmem>>, vector<1x16xf32>,
              %swap3A_1149 = vector.shape_cast %swap3A_1148 : vector<1x16xf32> to vector<16xf32>
              %swap3A_1150 = vector.shape_cast %select_n3A_1141 : vector<16xf32> to vector<1x16xf32>
              tpu.vector_store %arg4[%swap3A_1146, %swap3A_1147], %swap3A_1150 {strides = array<i32>} : memref<224x224xf32, #tpu.memory_space<vmem>>, vector<1x16xf32>,
              %jit3A_1151 = arith.constant 0.000000e+00 : f32
              %broadcast_in_dim3A_1152 = vector.broadcast %jit3A_1151 : f32 to vector<16xf32>
              %select_n3A_1153 = arith.select %ge3A_1116, %get3A_1094, %broadcast_in_dim3A_1152 : vector<16xi1>, vector<16xf32>
              %mul3A_1154 = arith.constant 4 : i32
              %mul3A_1155 = arith.muli %mul3A_1154, %scan3A_91 : i32
              %add3A_1156 = arith.constant 3 : i32
              %add3A_1157 = arith.addi %mul3A_1155, %add3A_1156 : i32
              %swap3A_1158 = arith.index_cast %add3A_1157 : i32 to index
              %swap3A_1159 = arith.constant 160 : index
              %swap3A_1160 = tpu.vector_load %arg4[%swap3A_1158, %swap3A_1159] {strides = array<i32>} : memref<224x224xf32, #tpu.memory_space<vmem>>, vector<1x16xf32>,
              %swap3A_1161 = vector.shape_cast %swap3A_1160 : vector<1x16xf32> to vector<16xf32>
              %swap3A_1162 = vector.shape_cast %select_n3A_1153 : vector<16xf32> to vector<1x16xf32>
              tpu.vector_store %arg4[%swap3A_1158, %swap3A_1159], %swap3A_1162 {strides = array<i32>} : memref<224x224xf32, #tpu.memory_space<vmem>>, vector<1x16xf32>,
              %mul3A_1163 = arith.constant 4 : i32
              %mul3A_1164 = arith.muli %mul3A_1163, %scan3A_91 : i32
              %get3A_1165 = arith.index_cast %mul3A_1164 : i32 to index
              %get3A_1166 = arith.constant 176 : index
              %get3A_1167 = tpu.vector_load %arg4[%get3A_1165, %get3A_1166] {strides = array<i32>} : memref<224x224xf32, #tpu.memory_space<vmem>>, vector<1x16xf32>,
              %get3A_1168 = vector.shape_cast %get3A_1167 : vector<1x16xf32> to vector<16xf32>
              %mul3A_1169 = arith.constant 4 : i32
              %mul3A_1170 = arith.muli %mul3A_1169, %scan3A_91 : i32
              %add3A_1171 = arith.constant 1 : i32
              %add3A_1172 = arith.addi %mul3A_1170, %add3A_1171 : i32
              %get3A_1173 = arith.index_cast %add3A_1172 : i32 to index
              %get3A_1174 = arith.constant 176 : index
              %get3A_1175 = tpu.vector_load %arg4[%get3A_1173, %get3A_1174] {strides = array<i32>} : memref<224x224xf32, #tpu.memory_space<vmem>>, vector<1x16xf32>,
              %get3A_1176 = vector.shape_cast %get3A_1175 : vector<1x16xf32> to vector<16xf32>
              %mul3A_1177 = arith.constant 4 : i32
              %mul3A_1178 = arith.muli %mul3A_1177, %scan3A_91 : i32
              %add3A_1179 = arith.constant 2 : i32
              %add3A_1180 = arith.addi %mul3A_1178, %add3A_1179 : i32
              %get3A_1181 = arith.index_cast %add3A_1180 : i32 to index
              %get3A_1182 = arith.constant 176 : index
              %get3A_1183 = tpu.vector_load %arg4[%get3A_1181, %get3A_1182] {strides = array<i32>} : memref<224x224xf32, #tpu.memory_space<vmem>>, vector<1x16xf32>,
              %get3A_1184 = vector.shape_cast %get3A_1183 : vector<1x16xf32> to vector<16xf32>
              %mul3A_1185 = arith.constant 4 : i32
              %mul3A_1186 = arith.muli %mul3A_1185, %scan3A_91 : i32
              %add3A_1187 = arith.constant 3 : i32
              %add3A_1188 = arith.addi %mul3A_1186, %add3A_1187 : i32
              %get3A_1189 = arith.index_cast %add3A_1188 : i32 to index
              %get3A_1190 = arith.constant 176 : index
              %get3A_1191 = tpu.vector_load %arg4[%get3A_1189, %get3A_1190] {strides = array<i32>} : memref<224x224xf32, #tpu.memory_space<vmem>>, vector<1x16xf32>,
              %get3A_1192 = vector.shape_cast %get3A_1191 : vector<1x16xf32> to vector<16xf32>
              %add3A_1193 = arith.addf %get3A_1168, %get3A_1176 : vector<16xf32>
              %add3A_1194 = arith.addf %get3A_1184, %get3A_1192 : vector<16xf32>
              %add3A_1195 = arith.addf %add3A_1193, %add3A_1194 : vector<16xf32>
              %iota3A_1196 = tpu.iota {dimensions = array<i32: 0>} : vector<16xi32>
              %xor3A_1197 = arith.constant 1 : i32
              %xor3A_1198 = vector.broadcast %xor3A_1197 : i32 to vector<16xi32>
              %xor3A_1199 = arith.xori %iota3A_1196, %xor3A_1198 : vector<16xi32>
              %broadcast_in_dim3A_1200 = vector.shape_cast %xor3A_1199 : vector<16xi32> to vector<16x1xi32>
              %gather3A_1201 = vector.shape_cast %broadcast_in_dim3A_1200 : vector<16x1xi32> to vector<16xi32>
              %gather3A_1202 = tpu.dynamic_gather %add3A_1195[%gather3A_1201] in [0] : vector<16xf32>, vector<16xi32> -> vector<16xf32>
              %add3A_1203 = arith.addf %add3A_1195, %gather3A_1202 : vector<16xf32>
              %iota3A_1204 = tpu.iota {dimensions = array<i32: 0>} : vector<16xi32>
              %xor3A_1205 = arith.constant 2 : i32
              %xor3A_1206 = vector.broadcast %xor3A_1205 : i32 to vector<16xi32>
              %xor3A_1207 = arith.xori %iota3A_1204, %xor3A_1206 : vector<16xi32>
              %broadcast_in_dim3A_1208 = vector.shape_cast %xor3A_1207 : vector<16xi32> to vector<16x1xi32>
              %gather3A_1209 = vector.shape_cast %broadcast_in_dim3A_1208 : vector<16x1xi32> to vector<16xi32>
              %gather3A_1210 = tpu.dynamic_gather %add3A_1203[%gather3A_1209] in [0] : vector<16xf32>, vector<16xi32> -> vector<16xf32>
              %add3A_1211 = arith.addf %add3A_1203, %gather3A_1210 : vector<16xf32>
              %ge3A_1212 = arith.constant 0.000000e+00 : f32
              %ge3A_1213 = vector.broadcast %ge3A_1212 : f32 to vector<16xf32>
              %ge3A_1214 = arith.cmpf oge, %add3A_1211, %ge3A_1213 : vector<16xf32>
              %jit3A_1215 = arith.constant 0.000000e+00 : f32
              %broadcast_in_dim3A_1216 = vector.broadcast %jit3A_1215 : f32 to vector<16xf32>
              %select_n3A_1217 = arith.select %ge3A_1214, %get3A_1168, %broadcast_in_dim3A_1216 : vector<16xi1>, vector<16xf32>
              %mul3A_1218 = arith.constant 4 : i32
              %mul3A_1219 = arith.muli %mul3A_1218, %scan3A_91 : i32
              %swap3A_1220 = arith.index_cast %mul3A_1219 : i32 to index
              %swap3A_1221 = arith.constant 176 : index
              %swap3A_1222 = tpu.vector_load %arg4[%swap3A_1220, %swap3A_1221] {strides = array<i32>} : memref<224x224xf32, #tpu.memory_space<vmem>>, vector<1x16xf32>,
              %swap3A_1223 = vector.shape_cast %swap3A_1222 : vector<1x16xf32> to vector<16xf32>
              %swap3A_1224 = vector.shape_cast %select_n3A_1217 : vector<16xf32> to vector<1x16xf32>
              tpu.vector_store %arg4[%swap3A_1220, %swap3A_1221], %swap3A_1224 {strides = array<i32>} : memref<224x224xf32, #tpu.memory_space<vmem>>, vector<1x16xf32>,
              %jit3A_1225 = arith.constant 0.000000e+00 : f32
              %broadcast_in_dim3A_1226 = vector.broadcast %jit3A_1225 : f32 to vector<16xf32>
              %select_n3A_1227 = arith.select %ge3A_1214, %get3A_1176, %broadcast_in_dim3A_1226 : vector<16xi1>, vector<16xf32>
              %mul3A_1228 = arith.constant 4 : i32
              %mul3A_1229 = arith.muli %mul3A_1228, %scan3A_91 : i32
              %add3A_1230 = arith.constant 1 : i32
              %add3A_1231 = arith.addi %mul3A_1229, %add3A_1230 : i32
              %swap3A_1232 = arith.index_cast %add3A_1231 : i32 to index
              %swap3A_1233 = arith.constant 176 : index
              %swap3A_1234 = tpu.vector_load %arg4[%swap3A_1232, %swap3A_1233] {strides = array<i32>} : memref<224x224xf32, #tpu.memory_space<vmem>>, vector<1x16xf32>,
              %swap3A_1235 = vector.shape_cast %swap3A_1234 : vector<1x16xf32> to vector<16xf32>
              %swap3A_1236 = vector.shape_cast %select_n3A_1227 : vector<16xf32> to vector<1x16xf32>
              tpu.vector_store %arg4[%swap3A_1232, %swap3A_1233], %swap3A_1236 {strides = array<i32>} : memref<224x224xf32, #tpu.memory_space<vmem>>, vector<1x16xf32>,
              %jit3A_1237 = arith.constant 0.000000e+00 : f32
              %broadcast_in_dim3A_1238 = vector.broadcast %jit3A_1237 : f32 to vector<16xf32>
              %select_n3A_1239 = arith.select %ge3A_1214, %get3A_1184, %broadcast_in_dim3A_1238 : vector<16xi1>, vector<16xf32>
              %mul3A_1240 = arith.constant 4 : i32
              %mul3A_1241 = arith.muli %mul3A_1240, %scan3A_91 : i32
              %add3A_1242 = arith.constant 2 : i32
              %add3A_1243 = arith.addi %mul3A_1241, %add3A_1242 : i32
              %swap3A_1244 = arith.index_cast %add3A_1243 : i32 to index
              %swap3A_1245 = arith.constant 176 : index
              %swap3A_1246 = tpu.vector_load %arg4[%swap3A_1244, %swap3A_1245] {strides = array<i32>} : memref<224x224xf32, #tpu.memory_space<vmem>>, vector<1x16xf32>,
              %swap3A_1247 = vector.shape_cast %swap3A_1246 : vector<1x16xf32> to vector<16xf32>
              %swap3A_1248 = vector.shape_cast %select_n3A_1239 : vector<16xf32> to vector<1x16xf32>
              tpu.vector_store %arg4[%swap3A_1244, %swap3A_1245], %swap3A_1248 {strides = array<i32>} : memref<224x224xf32, #tpu.memory_space<vmem>>, vector<1x16xf32>,
              %jit3A_1249 = arith.constant 0.000000e+00 : f32
              %broadcast_in_dim3A_1250 = vector.broadcast %jit3A_1249 : f32 to vector<16xf32>
              %select_n3A_1251 = arith.select %ge3A_1214, %get3A_1192, %broadcast_in_dim3A_1250 : vector<16xi1>, vector<16xf32>
              %mul3A_1252 = arith.constant 4 : i32
              %mul3A_1253 = arith.muli %mul3A_1252, %scan3A_91 : i32
              %add3A_1254 = arith.constant 3 : i32
              %add3A_1255 = arith.addi %mul3A_1253, %add3A_1254 : i32
              %swap3A_1256 = arith.index_cast %add3A_1255 : i32 to index
              %swap3A_1257 = arith.constant 176 : index
              %swap3A_1258 = tpu.vector_load %arg4[%swap3A_1256, %swap3A_1257] {strides = array<i32>} : memref<224x224xf32, #tpu.memory_space<vmem>>, vector<1x16xf32>,
              %swap3A_1259 = vector.shape_cast %swap3A_1258 : vector<1x16xf32> to vector<16xf32>
              %swap3A_1260 = vector.shape_cast %select_n3A_1251 : vector<16xf32> to vector<1x16xf32>
              tpu.vector_store %arg4[%swap3A_1256, %swap3A_1257], %swap3A_1260 {strides = array<i32>} : memref<224x224xf32, #tpu.memory_space<vmem>>, vector<1x16xf32>,
              %mul3A_1261 = arith.constant 4 : i32
              %mul3A_1262 = arith.muli %mul3A_1261, %scan3A_91 : i32
              %get3A_1263 = arith.index_cast %mul3A_1262 : i32 to index
              %get3A_1264 = arith.constant 192 : index
              %get3A_1265 = tpu.vector_load %arg4[%get3A_1263, %get3A_1264] {strides = array<i32>} : memref<224x224xf32, #tpu.memory_space<vmem>>, vector<1x16xf32>,
              %get3A_1266 = vector.shape_cast %get3A_1265 : vector<1x16xf32> to vector<16xf32>
              %mul3A_1267 = arith.constant 4 : i32
              %mul3A_1268 = arith.muli %mul3A_1267, %scan3A_91 : i32
              %add3A_1269 = arith.constant 1 : i32
              %add3A_1270 = arith.addi %mul3A_1268, %add3A_1269 : i32
              %get3A_1271 = arith.index_cast %add3A_1270 : i32 to index
              %get3A_1272 = arith.constant 192 : index
              %get3A_1273 = tpu.vector_load %arg4[%get3A_1271, %get3A_1272] {strides = array<i32>} : memref<224x224xf32, #tpu.memory_space<vmem>>, vector<1x16xf32>,
              %get3A_1274 = vector.shape_cast %get3A_1273 : vector<1x16xf32> to vector<16xf32>
              %mul3A_1275 = arith.constant 4 : i32
              %mul3A_1276 = arith.muli %mul3A_1275, %scan3A_91 : i32
              %add3A_1277 = arith.constant 2 : i32
              %add3A_1278 = arith.addi %mul3A_1276, %add3A_1277 : i32
              %get3A_1279 = arith.index_cast %add3A_1278 : i32 to index
              %get3A_1280 = arith.constant 192 : index
              %get3A_1281 = tpu.vector_load %arg4[%get3A_1279, %get3A_1280] {strides = array<i32>} : memref<224x224xf32, #tpu.memory_space<vmem>>, vector<1x16xf32>,
              %get3A_1282 = vector.shape_cast %get3A_1281 : vector<1x16xf32> to vector<16xf32>
              %mul3A_1283 = arith.constant 4 : i32
              %mul3A_1284 = arith.muli %mul3A_1283, %scan3A_91 : i32
              %add3A_1285 = arith.constant 3 : i32
              %add3A_1286 = arith.addi %mul3A_1284, %add3A_1285 : i32
              %get3A_1287 = arith.index_cast %add3A_1286 : i32 to index
              %get3A_1288 = arith.constant 192 : index
              %get3A_1289 = tpu.vector_load %arg4[%get3A_1287, %get3A_1288] {strides = array<i32>} : memref<224x224xf32, #tpu.memory_space<vmem>>, vector<1x16xf32>,
              %get3A_1290 = vector.shape_cast %get3A_1289 : vector<1x16xf32> to vector<16xf32>
              %add3A_1291 = arith.addf %get3A_1266, %get3A_1274 : vector<16xf32>
              %add3A_1292 = arith.addf %get3A_1282, %get3A_1290 : vector<16xf32>
              %add3A_1293 = arith.addf %add3A_1291, %add3A_1292 : vector<16xf32>
              %iota3A_1294 = tpu.iota {dimensions = array<i32: 0>} : vector<16xi32>
              %xor3A_1295 = arith.constant 1 : i32
              %xor3A_1296 = vector.broadcast %xor3A_1295 : i32 to vector<16xi32>
              %xor3A_1297 = arith.xori %iota3A_1294, %xor3A_1296 : vector<16xi32>
              %broadcast_in_dim3A_1298 = vector.shape_cast %xor3A_1297 : vector<16xi32> to vector<16x1xi32>
              %gather3A_1299 = vector.shape_cast %broadcast_in_dim3A_1298 : vector<16x1xi32> to vector<16xi32>
              %gather3A_1300 = tpu.dynamic_gather %add3A_1293[%gather3A_1299] in [0] : vector<16xf32>, vector<16xi32> -> vector<16xf32>
              %add3A_1301 = arith.addf %add3A_1293, %gather3A_1300 : vector<16xf32>
              %iota3A_1302 = tpu.iota {dimensions = array<i32: 0>} : vector<16xi32>
              %xor3A_1303 = arith.constant 2 : i32
              %xor3A_1304 = vector.broadcast %xor3A_1303 : i32 to vector<16xi32>
              %xor3A_1305 = arith.xori %iota3A_1302, %xor3A_1304 : vector<16xi32>
              %broadcast_in_dim3A_1306 = vector.shape_cast %xor3A_1305 : vector<16xi32> to vector<16x1xi32>
              %gather3A_1307 = vector.shape_cast %broadcast_in_dim3A_1306 : vector<16x1xi32> to vector<16xi32>
              %gather3A_1308 = tpu.dynamic_gather %add3A_1301[%gather3A_1307] in [0] : vector<16xf32>, vector<16xi32> -> vector<16xf32>
              %add3A_1309 = arith.addf %add3A_1301, %gather3A_1308 : vector<16xf32>
              %ge3A_1310 = arith.constant 0.000000e+00 : f32
              %ge3A_1311 = vector.broadcast %ge3A_1310 : f32 to vector<16xf32>
              %ge3A_1312 = arith.cmpf oge, %add3A_1309, %ge3A_1311 : vector<16xf32>
              %jit3A_1313 = arith.constant 0.000000e+00 : f32
              %broadcast_in_dim3A_1314 = vector.broadcast %jit3A_1313 : f32 to vector<16xf32>
              %select_n3A_1315 = arith.select %ge3A_1312, %get3A_1266, %broadcast_in_dim3A_1314 : vector<16xi1>, vector<16xf32>
              %mul3A_1316 = arith.constant 4 : i32
              %mul3A_1317 = arith.muli %mul3A_1316, %scan3A_91 : i32
              %swap3A_1318 = arith.index_cast %mul3A_1317 : i32 to index
              %swap3A_1319 = arith.constant 192 : index
              %swap3A_1320 = tpu.vector_load %arg4[%swap3A_1318, %swap3A_1319] {strides = array<i32>} : memref<224x224xf32, #tpu.memory_space<vmem>>, vector<1x16xf32>,
              %swap3A_1321 = vector.shape_cast %swap3A_1320 : vector<1x16xf32> to vector<16xf32>
              %swap3A_1322 = vector.shape_cast %select_n3A_1315 : vector<16xf32> to vector<1x16xf32>
              tpu.vector_store %arg4[%swap3A_1318, %swap3A_1319], %swap3A_1322 {strides = array<i32>} : memref<224x224xf32, #tpu.memory_space<vmem>>, vector<1x16xf32>,
              %jit3A_1323 = arith.constant 0.000000e+00 : f32
              %broadcast_in_dim3A_1324 = vector.broadcast %jit3A_1323 : f32 to vector<16xf32>
              %select_n3A_1325 = arith.select %ge3A_1312, %get3A_1274, %broadcast_in_dim3A_1324 : vector<16xi1>, vector<16xf32>
              %mul3A_1326 = arith.constant 4 : i32
              %mul3A_1327 = arith.muli %mul3A_1326, %scan3A_91 : i32
              %add3A_1328 = arith.constant 1 : i32
              %add3A_1329 = arith.addi %mul3A_1327, %add3A_1328 : i32
              %swap3A_1330 = arith.index_cast %add3A_1329 : i32 to index
              %swap3A_1331 = arith.constant 192 : index
              %swap3A_1332 = tpu.vector_load %arg4[%swap3A_1330, %swap3A_1331] {strides = array<i32>} : memref<224x224xf32, #tpu.memory_space<vmem>>, vector<1x16xf32>,
              %swap3A_1333 = vector.shape_cast %swap3A_1332 : vector<1x16xf32> to vector<16xf32>
              %swap3A_1334 = vector.shape_cast %select_n3A_1325 : vector<16xf32> to vector<1x16xf32>
              tpu.vector_store %arg4[%swap3A_1330, %swap3A_1331], %swap3A_1334 {strides = array<i32>} : memref<224x224xf32, #tpu.memory_space<vmem>>, vector<1x16xf32>,
              %jit3A_1335 = arith.constant 0.000000e+00 : f32
              %broadcast_in_dim3A_1336 = vector.broadcast %jit3A_1335 : f32 to vector<16xf32>
              %select_n3A_1337 = arith.select %ge3A_1312, %get3A_1282, %broadcast_in_dim3A_1336 : vector<16xi1>, vector<16xf32>
              %mul3A_1338 = arith.constant 4 : i32
              %mul3A_1339 = arith.muli %mul3A_1338, %scan3A_91 : i32
              %add3A_1340 = arith.constant 2 : i32
              %add3A_1341 = arith.addi %mul3A_1339, %add3A_1340 : i32
              %swap3A_1342 = arith.index_cast %add3A_1341 : i32 to index
              %swap3A_1343 = arith.constant 192 : index
              %swap3A_1344 = tpu.vector_load %arg4[%swap3A_1342, %swap3A_1343] {strides = array<i32>} : memref<224x224xf32, #tpu.memory_space<vmem>>, vector<1x16xf32>,
              %swap3A_1345 = vector.shape_cast %swap3A_1344 : vector<1x16xf32> to vector<16xf32>
              %swap3A_1346 = vector.shape_cast %select_n3A_1337 : vector<16xf32> to vector<1x16xf32>
              tpu.vector_store %arg4[%swap3A_1342, %swap3A_1343], %swap3A_1346 {strides = array<i32>} : memref<224x224xf32, #tpu.memory_space<vmem>>, vector<1x16xf32>,
              %jit3A_1347 = arith.constant 0.000000e+00 : f32
              %broadcast_in_dim3A_1348 = vector.broadcast %jit3A_1347 : f32 to vector<16xf32>
              %select_n3A_1349 = arith.select %ge3A_1312, %get3A_1290, %broadcast_in_dim3A_1348 : vector<16xi1>, vector<16xf32>
              %mul3A_1350 = arith.constant 4 : i32
              %mul3A_1351 = arith.muli %mul3A_1350, %scan3A_91 : i32
              %add3A_1352 = arith.constant 3 : i32
              %add3A_1353 = arith.addi %mul3A_1351, %add3A_1352 : i32
              %swap3A_1354 = arith.index_cast %add3A_1353 : i32 to index
              %swap3A_1355 = arith.constant 192 : index
              %swap3A_1356 = tpu.vector_load %arg4[%swap3A_1354, %swap3A_1355] {strides = array<i32>} : memref<224x224xf32, #tpu.memory_space<vmem>>, vector<1x16xf32>,
              %swap3A_1357 = vector.shape_cast %swap3A_1356 : vector<1x16xf32> to vector<16xf32>
              %swap3A_1358 = vector.shape_cast %select_n3A_1349 : vector<16xf32> to vector<1x16xf32>
              tpu.vector_store %arg4[%swap3A_1354, %swap3A_1355], %swap3A_1358 {strides = array<i32>} : memref<224x224xf32, #tpu.memory_space<vmem>>, vector<1x16xf32>,
              %mul3A_1359 = arith.constant 4 : i32
              %mul3A_1360 = arith.muli %mul3A_1359, %scan3A_91 : i32
              %get3A_1361 = arith.index_cast %mul3A_1360 : i32 to index
              %get3A_1362 = arith.constant 208 : index
              %get3A_1363 = tpu.vector_load %arg4[%get3A_1361, %get3A_1362] {strides = array<i32>} : memref<224x224xf32, #tpu.memory_space<vmem>>, vector<1x16xf32>,
              %get3A_1364 = vector.shape_cast %get3A_1363 : vector<1x16xf32> to vector<16xf32>
              %mul3A_1365 = arith.constant 4 : i32
              %mul3A_1366 = arith.muli %mul3A_1365, %scan3A_91 : i32
              %add3A_1367 = arith.constant 1 : i32
              %add3A_1368 = arith.addi %mul3A_1366, %add3A_1367 : i32
              %get3A_1369 = arith.index_cast %add3A_1368 : i32 to index
              %get3A_1370 = arith.constant 208 : index
              %get3A_1371 = tpu.vector_load %arg4[%get3A_1369, %get3A_1370] {strides = array<i32>} : memref<224x224xf32, #tpu.memory_space<vmem>>, vector<1x16xf32>,
              %get3A_1372 = vector.shape_cast %get3A_1371 : vector<1x16xf32> to vector<16xf32>
              %mul3A_1373 = arith.constant 4 : i32
              %mul3A_1374 = arith.muli %mul3A_1373, %scan3A_91 : i32
              %add3A_1375 = arith.constant 2 : i32
              %add3A_1376 = arith.addi %mul3A_1374, %add3A_1375 : i32
              %get3A_1377 = arith.index_cast %add3A_1376 : i32 to index
              %get3A_1378 = arith.constant 208 : index
              %get3A_1379 = tpu.vector_load %arg4[%get3A_1377, %get3A_1378] {strides = array<i32>} : memref<224x224xf32, #tpu.memory_space<vmem>>, vector<1x16xf32>,
              %get3A_1380 = vector.shape_cast %get3A_1379 : vector<1x16xf32> to vector<16xf32>
              %mul3A_1381 = arith.constant 4 : i32
              %mul3A_1382 = arith.muli %mul3A_1381, %scan3A_91 : i32
              %add3A_1383 = arith.constant 3 : i32
              %add3A_1384 = arith.addi %mul3A_1382, %add3A_1383 : i32
              %get3A_1385 = arith.index_cast %add3A_1384 : i32 to index
              %get3A_1386 = arith.constant 208 : index
              %get3A_1387 = tpu.vector_load %arg4[%get3A_1385, %get3A_1386] {strides = array<i32>} : memref<224x224xf32, #tpu.memory_space<vmem>>, vector<1x16xf32>,
              %get3A_1388 = vector.shape_cast %get3A_1387 : vector<1x16xf32> to vector<16xf32>
              %add3A_1389 = arith.addf %get3A_1364, %get3A_1372 : vector<16xf32>
              %add3A_1390 = arith.addf %get3A_1380, %get3A_1388 : vector<16xf32>
              %add3A_1391 = arith.addf %add3A_1389, %add3A_1390 : vector<16xf32>
              %iota3A_1392 = tpu.iota {dimensions = array<i32: 0>} : vector<16xi32>
              %xor3A_1393 = arith.constant 1 : i32
              %xor3A_1394 = vector.broadcast %xor3A_1393 : i32 to vector<16xi32>
              %xor3A_1395 = arith.xori %iota3A_1392, %xor3A_1394 : vector<16xi32>
              %broadcast_in_dim3A_1396 = vector.shape_cast %xor3A_1395 : vector<16xi32> to vector<16x1xi32>
              %gather3A_1397 = vector.shape_cast %broadcast_in_dim3A_1396 : vector<16x1xi32> to vector<16xi32>
              %gather3A_1398 = tpu.dynamic_gather %add3A_1391[%gather3A_1397] in [0] : vector<16xf32>, vector<16xi32> -> vector<16xf32>
              %add3A_1399 = arith.addf %add3A_1391, %gather3A_1398 : vector<16xf32>
              %iota3A_1400 = tpu.iota {dimensions = array<i32: 0>} : vector<16xi32>
              %xor3A_1401 = arith.constant 2 : i32
              %xor3A_1402 = vector.broadcast %xor3A_1401 : i32 to vector<16xi32>
              %xor3A_1403 = arith.xori %iota3A_1400, %xor3A_1402 : vector<16xi32>
              %broadcast_in_dim3A_1404 = vector.shape_cast %xor3A_1403 : vector<16xi32> to vector<16x1xi32>
              %gather3A_1405 = vector.shape_cast %broadcast_in_dim3A_1404 : vector<16x1xi32> to vector<16xi32>
              %gather3A_1406 = tpu.dynamic_gather %add3A_1399[%gather3A_1405] in [0] : vector<16xf32>, vector<16xi32> -> vector<16xf32>
              %add3A_1407 = arith.addf %add3A_1399, %gather3A_1406 : vector<16xf32>
              %ge3A_1408 = arith.constant 0.000000e+00 : f32
              %ge3A_1409 = vector.broadcast %ge3A_1408 : f32 to vector<16xf32>
              %ge3A_1410 = arith.cmpf oge, %add3A_1407, %ge3A_1409 : vector<16xf32>
              %jit3A_1411 = arith.constant 0.000000e+00 : f32
              %broadcast_in_dim3A_1412 = vector.broadcast %jit3A_1411 : f32 to vector<16xf32>
              %select_n3A_1413 = arith.select %ge3A_1410, %get3A_1364, %broadcast_in_dim3A_1412 : vector<16xi1>, vector<16xf32>
              %mul3A_1414 = arith.constant 4 : i32
              %mul3A_1415 = arith.muli %mul3A_1414, %scan3A_91 : i32
              %swap3A_1416 = arith.index_cast %mul3A_1415 : i32 to index
              %swap3A_1417 = arith.constant 208 : index
              %swap3A_1418 = tpu.vector_load %arg4[%swap3A_1416, %swap3A_1417] {strides = array<i32>} : memref<224x224xf32, #tpu.memory_space<vmem>>, vector<1x16xf32>,
              %swap3A_1419 = vector.shape_cast %swap3A_1418 : vector<1x16xf32> to vector<16xf32>
              %swap3A_1420 = vector.shape_cast %select_n3A_1413 : vector<16xf32> to vector<1x16xf32>
              tpu.vector_store %arg4[%swap3A_1416, %swap3A_1417], %swap3A_1420 {strides = array<i32>} : memref<224x224xf32, #tpu.memory_space<vmem>>, vector<1x16xf32>,
              %jit3A_1421 = arith.constant 0.000000e+00 : f32
              %broadcast_in_dim3A_1422 = vector.broadcast %jit3A_1421 : f32 to vector<16xf32>
              %select_n3A_1423 = arith.select %ge3A_1410, %get3A_1372, %broadcast_in_dim3A_1422 : vector<16xi1>, vector<16xf32>
              %mul3A_1424 = arith.constant 4 : i32
              %mul3A_1425 = arith.muli %mul3A_1424, %scan3A_91 : i32
              %add3A_1426 = arith.constant 1 : i32
              %add3A_1427 = arith.addi %mul3A_1425, %add3A_1426 : i32
              %swap3A_1428 = arith.index_cast %add3A_1427 : i32 to index
              %swap3A_1429 = arith.constant 208 : index
              %swap3A_1430 = tpu.vector_load %arg4[%swap3A_1428, %swap3A_1429] {strides = array<i32>} : memref<224x224xf32, #tpu.memory_space<vmem>>, vector<1x16xf32>,
              %swap3A_1431 = vector.shape_cast %swap3A_1430 : vector<1x16xf32> to vector<16xf32>
              %swap3A_1432 = vector.shape_cast %select_n3A_1423 : vector<16xf32> to vector<1x16xf32>
              tpu.vector_store %arg4[%swap3A_1428, %swap3A_1429], %swap3A_1432 {strides = array<i32>} : memref<224x224xf32, #tpu.memory_space<vmem>>, vector<1x16xf32>,
              %jit3A_1433 = arith.constant 0.000000e+00 : f32
              %broadcast_in_dim3A_1434 = vector.broadcast %jit3A_1433 : f32 to vector<16xf32>
              %select_n3A_1435 = arith.select %ge3A_1410, %get3A_1380, %broadcast_in_dim3A_1434 : vector<16xi1>, vector<16xf32>
              %mul3A_1436 = arith.constant 4 : i32
              %mul3A_1437 = arith.muli %mul3A_1436, %scan3A_91 : i32
              %add3A_1438 = arith.constant 2 : i32
              %add3A_1439 = arith.addi %mul3A_1437, %add3A_1438 : i32
              %swap3A_1440 = arith.index_cast %add3A_1439 : i32 to index
              %swap3A_1441 = arith.constant 208 : index
              %swap3A_1442 = tpu.vector_load %arg4[%swap3A_1440, %swap3A_1441] {strides = array<i32>} : memref<224x224xf32, #tpu.memory_space<vmem>>, vector<1x16xf32>,
              %swap3A_1443 = vector.shape_cast %swap3A_1442 : vector<1x16xf32> to vector<16xf32>
              %swap3A_1444 = vector.shape_cast %select_n3A_1435 : vector<16xf32> to vector<1x16xf32>
              tpu.vector_store %arg4[%swap3A_1440, %swap3A_1441], %swap3A_1444 {strides = array<i32>} : memref<224x224xf32, #tpu.memory_space<vmem>>, vector<1x16xf32>,
              %jit3A_1445 = arith.constant 0.000000e+00 : f32
              %broadcast_in_dim3A_1446 = vector.broadcast %jit3A_1445 : f32 to vector<16xf32>
              %select_n3A_1447 = arith.select %ge3A_1410, %get3A_1388, %broadcast_in_dim3A_1446 : vector<16xi1>, vector<16xf32>
              %mul3A_1448 = arith.constant 4 : i32
              %mul3A_1449 = arith.muli %mul3A_1448, %scan3A_91 : i32
              %add3A_1450 = arith.constant 3 : i32
              %add3A_1451 = arith.addi %mul3A_1449, %add3A_1450 : i32
              %swap3A_1452 = arith.index_cast %add3A_1451 : i32 to index
              %swap3A_1453 = arith.constant 208 : index
              %swap3A_1454 = tpu.vector_load %arg4[%swap3A_1452, %swap3A_1453] {strides = array<i32>} : memref<224x224xf32, #tpu.memory_space<vmem>>, vector<1x16xf32>,
              %swap3A_1455 = vector.shape_cast %swap3A_1454 : vector<1x16xf32> to vector<16xf32>
              %swap3A_1456 = vector.shape_cast %select_n3A_1447 : vector<16xf32> to vector<1x16xf32>
              tpu.vector_store %arg4[%swap3A_1452, %swap3A_1453], %swap3A_1456 {strides = array<i32>} : memref<224x224xf32, #tpu.memory_space<vmem>>, vector<1x16xf32>,
            }
            %scan3A_89 = arith.constant 56 : i32
            %cond3A_90 = arith.constant 0 : i32
            scf.yield %cond3A_90 : i32
          } else {
            %scan3A_84 = arith.constant 0 : i32
            %scan3A_85 = arith.constant 0 : i32
            %scan3A_86 = arith.constant 112 : i32
            %scan3A_87 = arith.addi %scan3A_85, %scan3A_86 : i32
            %scan3A_88 = arith.constant 1 : i32
            scf.for %scan3A_91 = %scan3A_85 to %scan3A_87 step %scan3A_88  : i32 {
              %mul3A_92 = arith.constant 2 : i32
              %mul3A_93 = arith.muli %mul3A_92, %scan3A_91 : i32
              %get3A = arith.index_cast %mul3A_93 : i32 to index
              %get3A_94 = arith.constant 0 : index
              %get3A_95 = tpu.vector_load %arg4[%get3A, %get3A_94] {strides = array<i32>} : memref<224x224xf32, #tpu.memory_space<vmem>>, vector<1x16xf32>,
              %get3A_96 = vector.shape_cast %get3A_95 : vector<1x16xf32> to vector<16xf32>
              %mul3A_97 = arith.constant 2 : i32
              %mul3A_98 = arith.muli %mul3A_97, %scan3A_91 : i32
              %add3A_99 = arith.constant 1 : i32
              %add3A_100 = arith.addi %mul3A_98, %add3A_99 : i32
              %get3A_101 = arith.index_cast %add3A_100 : i32 to index
              %get3A_102 = arith.constant 0 : index
              %get3A_103 = tpu.vector_load %arg4[%get3A_101, %get3A_102] {strides = array<i32>} : memref<224x224xf32, #tpu.memory_space<vmem>>, vector<1x16xf32>,
              %get3A_104 = vector.shape_cast %get3A_103 : vector<1x16xf32> to vector<16xf32>
              %add3A_105 = arith.addf %get3A_96, %get3A_104 : vector<16xf32>
              %iota3A = tpu.iota {dimensions = array<i32: 0>} : vector<16xi32>
              %xor3A = arith.constant 1 : i32
              %xor3A_106 = vector.broadcast %xor3A : i32 to vector<16xi32>
              %xor3A_107 = arith.xori %iota3A, %xor3A_106 : vector<16xi32>
              %broadcast_in_dim3A = vector.shape_cast %xor3A_107 : vector<16xi32> to vector<16x1xi32>
              %gather3A = vector.shape_cast %broadcast_in_dim3A : vector<16x1xi32> to vector<16xi32>
              %gather3A_108 = tpu.dynamic_gather %add3A_105[%gather3A] in [0] : vector<16xf32>, vector<16xi32> -> vector<16xf32>
              %add3A_109 = arith.addf %add3A_105, %gather3A_108 : vector<16xf32>
              %ge3A = arith.constant 0.000000e+00 : f32
              %ge3A_110 = vector.broadcast %ge3A : f32 to vector<16xf32>
              %ge3A_111 = arith.cmpf oge, %add3A_109, %ge3A_110 : vector<16xf32>
              %jit3A_112 = arith.constant 0.000000e+00 : f32
              %broadcast_in_dim3A_113 = vector.broadcast %jit3A_112 : f32 to vector<16xf32>
              %select_n3A_114 = arith.select %ge3A_111, %get3A_96, %broadcast_in_dim3A_113 : vector<16xi1>, vector<16xf32>
              %mul3A_115 = arith.constant 2 : i32
              %mul3A_116 = arith.muli %mul3A_115, %scan3A_91 : i32
              %swap3A = arith.index_cast %mul3A_116 : i32 to index
              %swap3A_117 = arith.constant 0 : index
              %swap3A_118 = tpu.vector_load %arg4[%swap3A, %swap3A_117] {strides = array<i32>} : memref<224x224xf32, #tpu.memory_space<vmem>>, vector<1x16xf32>,
              %swap3A_119 = vector.shape_cast %swap3A_118 : vector<1x16xf32> to vector<16xf32>
              %swap3A_120 = vector.shape_cast %select_n3A_114 : vector<16xf32> to vector<1x16xf32>
              tpu.vector_store %arg4[%swap3A, %swap3A_117], %swap3A_120 {strides = array<i32>} : memref<224x224xf32, #tpu.memory_space<vmem>>, vector<1x16xf32>,
              %jit3A_121 = arith.constant 0.000000e+00 : f32
              %broadcast_in_dim3A_122 = vector.broadcast %jit3A_121 : f32 to vector<16xf32>
              %select_n3A_123 = arith.select %ge3A_111, %get3A_104, %broadcast_in_dim3A_122 : vector<16xi1>, vector<16xf32>
              %mul3A_124 = arith.constant 2 : i32
              %mul3A_125 = arith.muli %mul3A_124, %scan3A_91 : i32
              %add3A_126 = arith.constant 1 : i32
              %add3A_127 = arith.addi %mul3A_125, %add3A_126 : i32
              %swap3A_128 = arith.index_cast %add3A_127 : i32 to index
              %swap3A_129 = arith.constant 0 : index
              %swap3A_130 = tpu.vector_load %arg4[%swap3A_128, %swap3A_129] {strides = array<i32>} : memref<224x224xf32, #tpu.memory_space<vmem>>, vector<1x16xf32>,
              %swap3A_131 = vector.shape_cast %swap3A_130 : vector<1x16xf32> to vector<16xf32>
              %swap3A_132 = vector.shape_cast %select_n3A_123 : vector<16xf32> to vector<1x16xf32>
              tpu.vector_store %arg4[%swap3A_128, %swap3A_129], %swap3A_132 {strides = array<i32>} : memref<224x224xf32, #tpu.memory_space<vmem>>, vector<1x16xf32>,
              %mul3A_133 = arith.constant 2 : i32
              %mul3A_134 = arith.muli %mul3A_133, %scan3A_91 : i32
              %get3A_135 = arith.index_cast %mul3A_134 : i32 to index
              %get3A_136 = arith.constant 16 : index
              %get3A_137 = tpu.vector_load %arg4[%get3A_135, %get3A_136] {strides = array<i32>} : memref<224x224xf32, #tpu.memory_space<vmem>>, vector<1x16xf32>,
              %get3A_138 = vector.shape_cast %get3A_137 : vector<1x16xf32> to vector<16xf32>
              %mul3A_139 = arith.constant 2 : i32
              %mul3A_140 = arith.muli %mul3A_139, %scan3A_91 : i32
              %add3A_141 = arith.constant 1 : i32
              %add3A_142 = arith.addi %mul3A_140, %add3A_141 : i32
              %get3A_143 = arith.index_cast %add3A_142 : i32 to index
              %get3A_144 = arith.constant 16 : index
              %get3A_145 = tpu.vector_load %arg4[%get3A_143, %get3A_144] {strides = array<i32>} : memref<224x224xf32, #tpu.memory_space<vmem>>, vector<1x16xf32>,
              %get3A_146 = vector.shape_cast %get3A_145 : vector<1x16xf32> to vector<16xf32>
              %add3A_147 = arith.addf %get3A_138, %get3A_146 : vector<16xf32>
              %iota3A_148 = tpu.iota {dimensions = array<i32: 0>} : vector<16xi32>
              %xor3A_149 = arith.constant 1 : i32
              %xor3A_150 = vector.broadcast %xor3A_149 : i32 to vector<16xi32>
              %xor3A_151 = arith.xori %iota3A_148, %xor3A_150 : vector<16xi32>
              %broadcast_in_dim3A_152 = vector.shape_cast %xor3A_151 : vector<16xi32> to vector<16x1xi32>
              %gather3A_153 = vector.shape_cast %broadcast_in_dim3A_152 : vector<16x1xi32> to vector<16xi32>
              %gather3A_154 = tpu.dynamic_gather %add3A_147[%gather3A_153] in [0] : vector<16xf32>, vector<16xi32> -> vector<16xf32>
              %add3A_155 = arith.addf %add3A_147, %gather3A_154 : vector<16xf32>
              %ge3A_156 = arith.constant 0.000000e+00 : f32
              %ge3A_157 = vector.broadcast %ge3A_156 : f32 to vector<16xf32>
              %ge3A_158 = arith.cmpf oge, %add3A_155, %ge3A_157 : vector<16xf32>
              %jit3A_159 = arith.constant 0.000000e+00 : f32
              %broadcast_in_dim3A_160 = vector.broadcast %jit3A_159 : f32 to vector<16xf32>
              %select_n3A_161 = arith.select %ge3A_158, %get3A_138, %broadcast_in_dim3A_160 : vector<16xi1>, vector<16xf32>
              %mul3A_162 = arith.constant 2 : i32
              %mul3A_163 = arith.muli %mul3A_162, %scan3A_91 : i32
              %swap3A_164 = arith.index_cast %mul3A_163 : i32 to index
              %swap3A_165 = arith.constant 16 : index
              %swap3A_166 = tpu.vector_load %arg4[%swap3A_164, %swap3A_165] {strides = array<i32>} : memref<224x224xf32, #tpu.memory_space<vmem>>, vector<1x16xf32>,
              %swap3A_167 = vector.shape_cast %swap3A_166 : vector<1x16xf32> to vector<16xf32>
              %swap3A_168 = vector.shape_cast %select_n3A_161 : vector<16xf32> to vector<1x16xf32>
              tpu.vector_store %arg4[%swap3A_164, %swap3A_165], %swap3A_168 {strides = array<i32>} : memref<224x224xf32, #tpu.memory_space<vmem>>, vector<1x16xf32>,
              %jit3A_169 = arith.constant 0.000000e+00 : f32
              %broadcast_in_dim3A_170 = vector.broadcast %jit3A_169 : f32 to vector<16xf32>
              %select_n3A_171 = arith.select %ge3A_158, %get3A_146, %broadcast_in_dim3A_170 : vector<16xi1>, vector<16xf32>
              %mul3A_172 = arith.constant 2 : i32
              %mul3A_173 = arith.muli %mul3A_172, %scan3A_91 : i32
              %add3A_174 = arith.constant 1 : i32
              %add3A_175 = arith.addi %mul3A_173, %add3A_174 : i32
              %swap3A_176 = arith.index_cast %add3A_175 : i32 to index
              %swap3A_177 = arith.constant 16 : index
              %swap3A_178 = tpu.vector_load %arg4[%swap3A_176, %swap3A_177] {strides = array<i32>} : memref<224x224xf32, #tpu.memory_space<vmem>>, vector<1x16xf32>,
              %swap3A_179 = vector.shape_cast %swap3A_178 : vector<1x16xf32> to vector<16xf32>
              %swap3A_180 = vector.shape_cast %select_n3A_171 : vector<16xf32> to vector<1x16xf32>
              tpu.vector_store %arg4[%swap3A_176, %swap3A_177], %swap3A_180 {strides = array<i32>} : memref<224x224xf32, #tpu.memory_space<vmem>>, vector<1x16xf32>,
              %mul3A_181 = arith.constant 2 : i32
              %mul3A_182 = arith.muli %mul3A_181, %scan3A_91 : i32
              %get3A_183 = arith.index_cast %mul3A_182 : i32 to index
              %get3A_184 = arith.constant 32 : index
              %get3A_185 = tpu.vector_load %arg4[%get3A_183, %get3A_184] {strides = array<i32>} : memref<224x224xf32, #tpu.memory_space<vmem>>, vector<1x16xf32>,
              %get3A_186 = vector.shape_cast %get3A_185 : vector<1x16xf32> to vector<16xf32>
              %mul3A_187 = arith.constant 2 : i32
              %mul3A_188 = arith.muli %mul3A_187, %scan3A_91 : i32
              %add3A_189 = arith.constant 1 : i32
              %add3A_190 = arith.addi %mul3A_188, %add3A_189 : i32
              %get3A_191 = arith.index_cast %add3A_190 : i32 to index
              %get3A_192 = arith.constant 32 : index
              %get3A_193 = tpu.vector_load %arg4[%get3A_191, %get3A_192] {strides = array<i32>} : memref<224x224xf32, #tpu.memory_space<vmem>>, vector<1x16xf32>,
              %get3A_194 = vector.shape_cast %get3A_193 : vector<1x16xf32> to vector<16xf32>
              %add3A_195 = arith.addf %get3A_186, %get3A_194 : vector<16xf32>
              %iota3A_196 = tpu.iota {dimensions = array<i32: 0>} : vector<16xi32>
              %xor3A_197 = arith.constant 1 : i32
              %xor3A_198 = vector.broadcast %xor3A_197 : i32 to vector<16xi32>
              %xor3A_199 = arith.xori %iota3A_196, %xor3A_198 : vector<16xi32>
              %broadcast_in_dim3A_200 = vector.shape_cast %xor3A_199 : vector<16xi32> to vector<16x1xi32>
              %gather3A_201 = vector.shape_cast %broadcast_in_dim3A_200 : vector<16x1xi32> to vector<16xi32>
              %gather3A_202 = tpu.dynamic_gather %add3A_195[%gather3A_201] in [0] : vector<16xf32>, vector<16xi32> -> vector<16xf32>
              %add3A_203 = arith.addf %add3A_195, %gather3A_202 : vector<16xf32>
              %ge3A_204 = arith.constant 0.000000e+00 : f32
              %ge3A_205 = vector.broadcast %ge3A_204 : f32 to vector<16xf32>
              %ge3A_206 = arith.cmpf oge, %add3A_203, %ge3A_205 : vector<16xf32>
              %jit3A_207 = arith.constant 0.000000e+00 : f32
              %broadcast_in_dim3A_208 = vector.broadcast %jit3A_207 : f32 to vector<16xf32>
              %select_n3A_209 = arith.select %ge3A_206, %get3A_186, %broadcast_in_dim3A_208 : vector<16xi1>, vector<16xf32>
              %mul3A_210 = arith.constant 2 : i32
              %mul3A_211 = arith.muli %mul3A_210, %scan3A_91 : i32
              %swap3A_212 = arith.index_cast %mul3A_211 : i32 to index
              %swap3A_213 = arith.constant 32 : index
              %swap3A_214 = tpu.vector_load %arg4[%swap3A_212, %swap3A_213] {strides = array<i32>} : memref<224x224xf32, #tpu.memory_space<vmem>>, vector<1x16xf32>,
              %swap3A_215 = vector.shape_cast %swap3A_214 : vector<1x16xf32> to vector<16xf32>
              %swap3A_216 = vector.shape_cast %select_n3A_209 : vector<16xf32> to vector<1x16xf32>
              tpu.vector_store %arg4[%swap3A_212, %swap3A_213], %swap3A_216 {strides = array<i32>} : memref<224x224xf32, #tpu.memory_space<vmem>>, vector<1x16xf32>,
              %jit3A_217 = arith.constant 0.000000e+00 : f32
              %broadcast_in_dim3A_218 = vector.broadcast %jit3A_217 : f32 to vector<16xf32>
              %select_n3A_219 = arith.select %ge3A_206, %get3A_194, %broadcast_in_dim3A_218 : vector<16xi1>, vector<16xf32>
              %mul3A_220 = arith.constant 2 : i32
              %mul3A_221 = arith.muli %mul3A_220, %scan3A_91 : i32
              %add3A_222 = arith.constant 1 : i32
              %add3A_223 = arith.addi %mul3A_221, %add3A_222 : i32
              %swap3A_224 = arith.index_cast %add3A_223 : i32 to index
              %swap3A_225 = arith.constant 32 : index
              %swap3A_226 = tpu.vector_load %arg4[%swap3A_224, %swap3A_225] {strides = array<i32>} : memref<224x224xf32, #tpu.memory_space<vmem>>, vector<1x16xf32>,
              %swap3A_227 = vector.shape_cast %swap3A_226 : vector<1x16xf32> to vector<16xf32>
              %swap3A_228 = vector.shape_cast %select_n3A_219 : vector<16xf32> to vector<1x16xf32>
              tpu.vector_store %arg4[%swap3A_224, %swap3A_225], %swap3A_228 {strides = array<i32>} : memref<224x224xf32, #tpu.memory_space<vmem>>, vector<1x16xf32>,
              %mul3A_229 = arith.constant 2 : i32
              %mul3A_230 = arith.muli %mul3A_229, %scan3A_91 : i32
              %get3A_231 = arith.index_cast %mul3A_230 : i32 to index
              %get3A_232 = arith.constant 48 : index
              %get3A_233 = tpu.vector_load %arg4[%get3A_231, %get3A_232] {strides = array<i32>} : memref<224x224xf32, #tpu.memory_space<vmem>>, vector<1x16xf32>,
              %get3A_234 = vector.shape_cast %get3A_233 : vector<1x16xf32> to vector<16xf32>
              %mul3A_235 = arith.constant 2 : i32
              %mul3A_236 = arith.muli %mul3A_235, %scan3A_91 : i32
              %add3A_237 = arith.constant 1 : i32
              %add3A_238 = arith.addi %mul3A_236, %add3A_237 : i32
              %get3A_239 = arith.index_cast %add3A_238 : i32 to index
              %get3A_240 = arith.constant 48 : index
              %get3A_241 = tpu.vector_load %arg4[%get3A_239, %get3A_240] {strides = array<i32>} : memref<224x224xf32, #tpu.memory_space<vmem>>, vector<1x16xf32>,
              %get3A_242 = vector.shape_cast %get3A_241 : vector<1x16xf32> to vector<16xf32>
              %add3A_243 = arith.addf %get3A_234, %get3A_242 : vector<16xf32>
              %iota3A_244 = tpu.iota {dimensions = array<i32: 0>} : vector<16xi32>
              %xor3A_245 = arith.constant 1 : i32
              %xor3A_246 = vector.broadcast %xor3A_245 : i32 to vector<16xi32>
              %xor3A_247 = arith.xori %iota3A_244, %xor3A_246 : vector<16xi32>
              %broadcast_in_dim3A_248 = vector.shape_cast %xor3A_247 : vector<16xi32> to vector<16x1xi32>
              %gather3A_249 = vector.shape_cast %broadcast_in_dim3A_248 : vector<16x1xi32> to vector<16xi32>
              %gather3A_250 = tpu.dynamic_gather %add3A_243[%gather3A_249] in [0] : vector<16xf32>, vector<16xi32> -> vector<16xf32>
              %add3A_251 = arith.addf %add3A_243, %gather3A_250 : vector<16xf32>
              %ge3A_252 = arith.constant 0.000000e+00 : f32
              %ge3A_253 = vector.broadcast %ge3A_252 : f32 to vector<16xf32>
              %ge3A_254 = arith.cmpf oge, %add3A_251, %ge3A_253 : vector<16xf32>
              %jit3A_255 = arith.constant 0.000000e+00 : f32
              %broadcast_in_dim3A_256 = vector.broadcast %jit3A_255 : f32 to vector<16xf32>
              %select_n3A_257 = arith.select %ge3A_254, %get3A_234, %broadcast_in_dim3A_256 : vector<16xi1>, vector<16xf32>
              %mul3A_258 = arith.constant 2 : i32
              %mul3A_259 = arith.muli %mul3A_258, %scan3A_91 : i32
              %swap3A_260 = arith.index_cast %mul3A_259 : i32 to index
              %swap3A_261 = arith.constant 48 : index
              %swap3A_262 = tpu.vector_load %arg4[%swap3A_260, %swap3A_261] {strides = array<i32>} : memref<224x224xf32, #tpu.memory_space<vmem>>, vector<1x16xf32>,
              %swap3A_263 = vector.shape_cast %swap3A_262 : vector<1x16xf32> to vector<16xf32>
              %swap3A_264 = vector.shape_cast %select_n3A_257 : vector<16xf32> to vector<1x16xf32>
              tpu.vector_store %arg4[%swap3A_260, %swap3A_261], %swap3A_264 {strides = array<i32>} : memref<224x224xf32, #tpu.memory_space<vmem>>, vector<1x16xf32>,
              %jit3A_265 = arith.constant 0.000000e+00 : f32
              %broadcast_in_dim3A_266 = vector.broadcast %jit3A_265 : f32 to vector<16xf32>
              %select_n3A_267 = arith.select %ge3A_254, %get3A_242, %broadcast_in_dim3A_266 : vector<16xi1>, vector<16xf32>
              %mul3A_268 = arith.constant 2 : i32
              %mul3A_269 = arith.muli %mul3A_268, %scan3A_91 : i32
              %add3A_270 = arith.constant 1 : i32
              %add3A_271 = arith.addi %mul3A_269, %add3A_270 : i32
              %swap3A_272 = arith.index_cast %add3A_271 : i32 to index
              %swap3A_273 = arith.constant 48 : index
              %swap3A_274 = tpu.vector_load %arg4[%swap3A_272, %swap3A_273] {strides = array<i32>} : memref<224x224xf32, #tpu.memory_space<vmem>>, vector<1x16xf32>,
              %swap3A_275 = vector.shape_cast %swap3A_274 : vector<1x16xf32> to vector<16xf32>
              %swap3A_276 = vector.shape_cast %select_n3A_267 : vector<16xf32> to vector<1x16xf32>
              tpu.vector_store %arg4[%swap3A_272, %swap3A_273], %swap3A_276 {strides = array<i32>} : memref<224x224xf32, #tpu.memory_space<vmem>>, vector<1x16xf32>,
              %mul3A_277 = arith.constant 2 : i32
              %mul3A_278 = arith.muli %mul3A_277, %scan3A_91 : i32
              %get3A_279 = arith.index_cast %mul3A_278 : i32 to index
              %get3A_280 = arith.constant 64 : index
              %get3A_281 = tpu.vector_load %arg4[%get3A_279, %get3A_280] {strides = array<i32>} : memref<224x224xf32, #tpu.memory_space<vmem>>, vector<1x16xf32>,
              %get3A_282 = vector.shape_cast %get3A_281 : vector<1x16xf32> to vector<16xf32>
              %mul3A_283 = arith.constant 2 : i32
              %mul3A_284 = arith.muli %mul3A_283, %scan3A_91 : i32
              %add3A_285 = arith.constant 1 : i32
              %add3A_286 = arith.addi %mul3A_284, %add3A_285 : i32
              %get3A_287 = arith.index_cast %add3A_286 : i32 to index
              %get3A_288 = arith.constant 64 : index
              %get3A_289 = tpu.vector_load %arg4[%get3A_287, %get3A_288] {strides = array<i32>} : memref<224x224xf32, #tpu.memory_space<vmem>>, vector<1x16xf32>,
              %get3A_290 = vector.shape_cast %get3A_289 : vector<1x16xf32> to vector<16xf32>
              %add3A_291 = arith.addf %get3A_282, %get3A_290 : vector<16xf32>
              %iota3A_292 = tpu.iota {dimensions = array<i32: 0>} : vector<16xi32>
              %xor3A_293 = arith.constant 1 : i32
              %xor3A_294 = vector.broadcast %xor3A_293 : i32 to vector<16xi32>
              %xor3A_295 = arith.xori %iota3A_292, %xor3A_294 : vector<16xi32>
              %broadcast_in_dim3A_296 = vector.shape_cast %xor3A_295 : vector<16xi32> to vector<16x1xi32>
              %gather3A_297 = vector.shape_cast %broadcast_in_dim3A_296 : vector<16x1xi32> to vector<16xi32>
              %gather3A_298 = tpu.dynamic_gather %add3A_291[%gather3A_297] in [0] : vector<16xf32>, vector<16xi32> -> vector<16xf32>
              %add3A_299 = arith.addf %add3A_291, %gather3A_298 : vector<16xf32>
              %ge3A_300 = arith.constant 0.000000e+00 : f32
              %ge3A_301 = vector.broadcast %ge3A_300 : f32 to vector<16xf32>
              %ge3A_302 = arith.cmpf oge, %add3A_299, %ge3A_301 : vector<16xf32>
              %jit3A_303 = arith.constant 0.000000e+00 : f32
              %broadcast_in_dim3A_304 = vector.broadcast %jit3A_303 : f32 to vector<16xf32>
              %select_n3A_305 = arith.select %ge3A_302, %get3A_282, %broadcast_in_dim3A_304 : vector<16xi1>, vector<16xf32>
              %mul3A_306 = arith.constant 2 : i32
              %mul3A_307 = arith.muli %mul3A_306, %scan3A_91 : i32
              %swap3A_308 = arith.index_cast %mul3A_307 : i32 to index
              %swap3A_309 = arith.constant 64 : index
              %swap3A_310 = tpu.vector_load %arg4[%swap3A_308, %swap3A_309] {strides = array<i32>} : memref<224x224xf32, #tpu.memory_space<vmem>>, vector<1x16xf32>,
              %swap3A_311 = vector.shape_cast %swap3A_310 : vector<1x16xf32> to vector<16xf32>
              %swap3A_312 = vector.shape_cast %select_n3A_305 : vector<16xf32> to vector<1x16xf32>
              tpu.vector_store %arg4[%swap3A_308, %swap3A_309], %swap3A_312 {strides = array<i32>} : memref<224x224xf32, #tpu.memory_space<vmem>>, vector<1x16xf32>,
              %jit3A_313 = arith.constant 0.000000e+00 : f32
              %broadcast_in_dim3A_314 = vector.broadcast %jit3A_313 : f32 to vector<16xf32>
              %select_n3A_315 = arith.select %ge3A_302, %get3A_290, %broadcast_in_dim3A_314 : vector<16xi1>, vector<16xf32>
              %mul3A_316 = arith.constant 2 : i32
              %mul3A_317 = arith.muli %mul3A_316, %scan3A_91 : i32
              %add3A_318 = arith.constant 1 : i32
              %add3A_319 = arith.addi %mul3A_317, %add3A_318 : i32
              %swap3A_320 = arith.index_cast %add3A_319 : i32 to index
              %swap3A_321 = arith.constant 64 : index
              %swap3A_322 = tpu.vector_load %arg4[%swap3A_320, %swap3A_321] {strides = array<i32>} : memref<224x224xf32, #tpu.memory_space<vmem>>, vector<1x16xf32>,
              %swap3A_323 = vector.shape_cast %swap3A_322 : vector<1x16xf32> to vector<16xf32>
              %swap3A_324 = vector.shape_cast %select_n3A_315 : vector<16xf32> to vector<1x16xf32>
              tpu.vector_store %arg4[%swap3A_320, %swap3A_321], %swap3A_324 {strides = array<i32>} : memref<224x224xf32, #tpu.memory_space<vmem>>, vector<1x16xf32>,
              %mul3A_325 = arith.constant 2 : i32
              %mul3A_326 = arith.muli %mul3A_325, %scan3A_91 : i32
              %get3A_327 = arith.index_cast %mul3A_326 : i32 to index
              %get3A_328 = arith.constant 80 : index
              %get3A_329 = tpu.vector_load %arg4[%get3A_327, %get3A_328] {strides = array<i32>} : memref<224x224xf32, #tpu.memory_space<vmem>>, vector<1x16xf32>,
              %get3A_330 = vector.shape_cast %get3A_329 : vector<1x16xf32> to vector<16xf32>
              %mul3A_331 = arith.constant 2 : i32
              %mul3A_332 = arith.muli %mul3A_331, %scan3A_91 : i32
              %add3A_333 = arith.constant 1 : i32
              %add3A_334 = arith.addi %mul3A_332, %add3A_333 : i32
              %get3A_335 = arith.index_cast %add3A_334 : i32 to index
              %get3A_336 = arith.constant 80 : index
              %get3A_337 = tpu.vector_load %arg4[%get3A_335, %get3A_336] {strides = array<i32>} : memref<224x224xf32, #tpu.memory_space<vmem>>, vector<1x16xf32>,
              %get3A_338 = vector.shape_cast %get3A_337 : vector<1x16xf32> to vector<16xf32>
              %add3A_339 = arith.addf %get3A_330, %get3A_338 : vector<16xf32>
              %iota3A_340 = tpu.iota {dimensions = array<i32: 0>} : vector<16xi32>
              %xor3A_341 = arith.constant 1 : i32
              %xor3A_342 = vector.broadcast %xor3A_341 : i32 to vector<16xi32>
              %xor3A_343 = arith.xori %iota3A_340, %xor3A_342 : vector<16xi32>
              %broadcast_in_dim3A_344 = vector.shape_cast %xor3A_343 : vector<16xi32> to vector<16x1xi32>
              %gather3A_345 = vector.shape_cast %broadcast_in_dim3A_344 : vector<16x1xi32> to vector<16xi32>
              %gather3A_346 = tpu.dynamic_gather %add3A_339[%gather3A_345] in [0] : vector<16xf32>, vector<16xi32> -> vector<16xf32>
              %add3A_347 = arith.addf %add3A_339, %gather3A_346 : vector<16xf32>
              %ge3A_348 = arith.constant 0.000000e+00 : f32
              %ge3A_349 = vector.broadcast %ge3A_348 : f32 to vector<16xf32>
              %ge3A_350 = arith.cmpf oge, %add3A_347, %ge3A_349 : vector<16xf32>
              %jit3A_351 = arith.constant 0.000000e+00 : f32
              %broadcast_in_dim3A_352 = vector.broadcast %jit3A_351 : f32 to vector<16xf32>
              %select_n3A_353 = arith.select %ge3A_350, %get3A_330, %broadcast_in_dim3A_352 : vector<16xi1>, vector<16xf32>
              %mul3A_354 = arith.constant 2 : i32
              %mul3A_355 = arith.muli %mul3A_354, %scan3A_91 : i32
              %swap3A_356 = arith.index_cast %mul3A_355 : i32 to index
              %swap3A_357 = arith.constant 80 : index
              %swap3A_358 = tpu.vector_load %arg4[%swap3A_356, %swap3A_357] {strides = array<i32>} : memref<224x224xf32, #tpu.memory_space<vmem>>, vector<1x16xf32>,
              %swap3A_359 = vector.shape_cast %swap3A_358 : vector<1x16xf32> to vector<16xf32>
              %swap3A_360 = vector.shape_cast %select_n3A_353 : vector<16xf32> to vector<1x16xf32>
              tpu.vector_store %arg4[%swap3A_356, %swap3A_357], %swap3A_360 {strides = array<i32>} : memref<224x224xf32, #tpu.memory_space<vmem>>, vector<1x16xf32>,
              %jit3A_361 = arith.constant 0.000000e+00 : f32
              %broadcast_in_dim3A_362 = vector.broadcast %jit3A_361 : f32 to vector<16xf32>
              %select_n3A_363 = arith.select %ge3A_350, %get3A_338, %broadcast_in_dim3A_362 : vector<16xi1>, vector<16xf32>
              %mul3A_364 = arith.constant 2 : i32
              %mul3A_365 = arith.muli %mul3A_364, %scan3A_91 : i32
              %add3A_366 = arith.constant 1 : i32
              %add3A_367 = arith.addi %mul3A_365, %add3A_366 : i32
              %swap3A_368 = arith.index_cast %add3A_367 : i32 to index
              %swap3A_369 = arith.constant 80 : index
              %swap3A_370 = tpu.vector_load %arg4[%swap3A_368, %swap3A_369] {strides = array<i32>} : memref<224x224xf32, #tpu.memory_space<vmem>>, vector<1x16xf32>,
              %swap3A_371 = vector.shape_cast %swap3A_370 : vector<1x16xf32> to vector<16xf32>
              %swap3A_372 = vector.shape_cast %select_n3A_363 : vector<16xf32> to vector<1x16xf32>
              tpu.vector_store %arg4[%swap3A_368, %swap3A_369], %swap3A_372 {strides = array<i32>} : memref<224x224xf32, #tpu.memory_space<vmem>>, vector<1x16xf32>,
              %mul3A_373 = arith.constant 2 : i32
              %mul3A_374 = arith.muli %mul3A_373, %scan3A_91 : i32
              %get3A_375 = arith.index_cast %mul3A_374 : i32 to index
              %get3A_376 = arith.constant 96 : index
              %get3A_377 = tpu.vector_load %arg4[%get3A_375, %get3A_376] {strides = array<i32>} : memref<224x224xf32, #tpu.memory_space<vmem>>, vector<1x16xf32>,
              %get3A_378 = vector.shape_cast %get3A_377 : vector<1x16xf32> to vector<16xf32>
              %mul3A_379 = arith.constant 2 : i32
              %mul3A_380 = arith.muli %mul3A_379, %scan3A_91 : i32
              %add3A_381 = arith.constant 1 : i32
              %add3A_382 = arith.addi %mul3A_380, %add3A_381 : i32
              %get3A_383 = arith.index_cast %add3A_382 : i32 to index
              %get3A_384 = arith.constant 96 : index
              %get3A_385 = tpu.vector_load %arg4[%get3A_383, %get3A_384] {strides = array<i32>} : memref<224x224xf32, #tpu.memory_space<vmem>>, vector<1x16xf32>,
              %get3A_386 = vector.shape_cast %get3A_385 : vector<1x16xf32> to vector<16xf32>
              %add3A_387 = arith.addf %get3A_378, %get3A_386 : vector<16xf32>
              %iota3A_388 = tpu.iota {dimensions = array<i32: 0>} : vector<16xi32>
              %xor3A_389 = arith.constant 1 : i32
              %xor3A_390 = vector.broadcast %xor3A_389 : i32 to vector<16xi32>
              %xor3A_391 = arith.xori %iota3A_388, %xor3A_390 : vector<16xi32>
              %broadcast_in_dim3A_392 = vector.shape_cast %xor3A_391 : vector<16xi32> to vector<16x1xi32>
              %gather3A_393 = vector.shape_cast %broadcast_in_dim3A_392 : vector<16x1xi32> to vector<16xi32>
              %gather3A_394 = tpu.dynamic_gather %add3A_387[%gather3A_393] in [0] : vector<16xf32>, vector<16xi32> -> vector<16xf32>
              %add3A_395 = arith.addf %add3A_387, %gather3A_394 : vector<16xf32>
              %ge3A_396 = arith.constant 0.000000e+00 : f32
              %ge3A_397 = vector.broadcast %ge3A_396 : f32 to vector<16xf32>
              %ge3A_398 = arith.cmpf oge, %add3A_395, %ge3A_397 : vector<16xf32>
              %jit3A_399 = arith.constant 0.000000e+00 : f32
              %broadcast_in_dim3A_400 = vector.broadcast %jit3A_399 : f32 to vector<16xf32>
              %select_n3A_401 = arith.select %ge3A_398, %get3A_378, %broadcast_in_dim3A_400 : vector<16xi1>, vector<16xf32>
              %mul3A_402 = arith.constant 2 : i32
              %mul3A_403 = arith.muli %mul3A_402, %scan3A_91 : i32
              %swap3A_404 = arith.index_cast %mul3A_403 : i32 to index
              %swap3A_405 = arith.constant 96 : index
              %swap3A_406 = tpu.vector_load %arg4[%swap3A_404, %swap3A_405] {strides = array<i32>} : memref<224x224xf32, #tpu.memory_space<vmem>>, vector<1x16xf32>,
              %swap3A_407 = vector.shape_cast %swap3A_406 : vector<1x16xf32> to vector<16xf32>
              %swap3A_408 = vector.shape_cast %select_n3A_401 : vector<16xf32> to vector<1x16xf32>
              tpu.vector_store %arg4[%swap3A_404, %swap3A_405], %swap3A_408 {strides = array<i32>} : memref<224x224xf32, #tpu.memory_space<vmem>>, vector<1x16xf32>,
              %jit3A_409 = arith.constant 0.000000e+00 : f32
              %broadcast_in_dim3A_410 = vector.broadcast %jit3A_409 : f32 to vector<16xf32>
              %select_n3A_411 = arith.select %ge3A_398, %get3A_386, %broadcast_in_dim3A_410 : vector<16xi1>, vector<16xf32>
              %mul3A_412 = arith.constant 2 : i32
              %mul3A_413 = arith.muli %mul3A_412, %scan3A_91 : i32
              %add3A_414 = arith.constant 1 : i32
              %add3A_415 = arith.addi %mul3A_413, %add3A_414 : i32
              %swap3A_416 = arith.index_cast %add3A_415 : i32 to index
              %swap3A_417 = arith.constant 96 : index
              %swap3A_418 = tpu.vector_load %arg4[%swap3A_416, %swap3A_417] {strides = array<i32>} : memref<224x224xf32, #tpu.memory_space<vmem>>, vector<1x16xf32>,
              %swap3A_419 = vector.shape_cast %swap3A_418 : vector<1x16xf32> to vector<16xf32>
              %swap3A_420 = vector.shape_cast %select_n3A_411 : vector<16xf32> to vector<1x16xf32>
              tpu.vector_store %arg4[%swap3A_416, %swap3A_417], %swap3A_420 {strides = array<i32>} : memref<224x224xf32, #tpu.memory_space<vmem>>, vector<1x16xf32>,
              %mul3A_421 = arith.constant 2 : i32
              %mul3A_422 = arith.muli %mul3A_421, %scan3A_91 : i32
              %get3A_423 = arith.index_cast %mul3A_422 : i32 to index
              %get3A_424 = arith.constant 112 : index
              %get3A_425 = tpu.vector_load %arg4[%get3A_423, %get3A_424] {strides = array<i32>} : memref<224x224xf32, #tpu.memory_space<vmem>>, vector<1x16xf32>,
              %get3A_426 = vector.shape_cast %get3A_425 : vector<1x16xf32> to vector<16xf32>
              %mul3A_427 = arith.constant 2 : i32
              %mul3A_428 = arith.muli %mul3A_427, %scan3A_91 : i32
              %add3A_429 = arith.constant 1 : i32
              %add3A_430 = arith.addi %mul3A_428, %add3A_429 : i32
              %get3A_431 = arith.index_cast %add3A_430 : i32 to index
              %get3A_432 = arith.constant 112 : index
              %get3A_433 = tpu.vector_load %arg4[%get3A_431, %get3A_432] {strides = array<i32>} : memref<224x224xf32, #tpu.memory_space<vmem>>, vector<1x16xf32>,
              %get3A_434 = vector.shape_cast %get3A_433 : vector<1x16xf32> to vector<16xf32>
              %add3A_435 = arith.addf %get3A_426, %get3A_434 : vector<16xf32>
              %iota3A_436 = tpu.iota {dimensions = array<i32: 0>} : vector<16xi32>
              %xor3A_437 = arith.constant 1 : i32
              %xor3A_438 = vector.broadcast %xor3A_437 : i32 to vector<16xi32>
              %xor3A_439 = arith.xori %iota3A_436, %xor3A_438 : vector<16xi32>
              %broadcast_in_dim3A_440 = vector.shape_cast %xor3A_439 : vector<16xi32> to vector<16x1xi32>
              %gather3A_441 = vector.shape_cast %broadcast_in_dim3A_440 : vector<16x1xi32> to vector<16xi32>
              %gather3A_442 = tpu.dynamic_gather %add3A_435[%gather3A_441] in [0] : vector<16xf32>, vector<16xi32> -> vector<16xf32>
              %add3A_443 = arith.addf %add3A_435, %gather3A_442 : vector<16xf32>
              %ge3A_444 = arith.constant 0.000000e+00 : f32
              %ge3A_445 = vector.broadcast %ge3A_444 : f32 to vector<16xf32>
              %ge3A_446 = arith.cmpf oge, %add3A_443, %ge3A_445 : vector<16xf32>
              %jit3A_447 = arith.constant 0.000000e+00 : f32
              %broadcast_in_dim3A_448 = vector.broadcast %jit3A_447 : f32 to vector<16xf32>
              %select_n3A_449 = arith.select %ge3A_446, %get3A_426, %broadcast_in_dim3A_448 : vector<16xi1>, vector<16xf32>
              %mul3A_450 = arith.constant 2 : i32
              %mul3A_451 = arith.muli %mul3A_450, %scan3A_91 : i32
              %swap3A_452 = arith.index_cast %mul3A_451 : i32 to index
              %swap3A_453 = arith.constant 112 : index
              %swap3A_454 = tpu.vector_load %arg4[%swap3A_452, %swap3A_453] {strides = array<i32>} : memref<224x224xf32, #tpu.memory_space<vmem>>, vector<1x16xf32>,
              %swap3A_455 = vector.shape_cast %swap3A_454 : vector<1x16xf32> to vector<16xf32>
              %swap3A_456 = vector.shape_cast %select_n3A_449 : vector<16xf32> to vector<1x16xf32>
              tpu.vector_store %arg4[%swap3A_452, %swap3A_453], %swap3A_456 {strides = array<i32>} : memref<224x224xf32, #tpu.memory_space<vmem>>, vector<1x16xf32>,
              %jit3A_457 = arith.constant 0.000000e+00 : f32
              %broadcast_in_dim3A_458 = vector.broadcast %jit3A_457 : f32 to vector<16xf32>
              %select_n3A_459 = arith.select %ge3A_446, %get3A_434, %broadcast_in_dim3A_458 : vector<16xi1>, vector<16xf32>
              %mul3A_460 = arith.constant 2 : i32
              %mul3A_461 = arith.muli %mul3A_460, %scan3A_91 : i32
              %add3A_462 = arith.constant 1 : i32
              %add3A_463 = arith.addi %mul3A_461, %add3A_462 : i32
              %swap3A_464 = arith.index_cast %add3A_463 : i32 to index
              %swap3A_465 = arith.constant 112 : index
              %swap3A_466 = tpu.vector_load %arg4[%swap3A_464, %swap3A_465] {strides = array<i32>} : memref<224x224xf32, #tpu.memory_space<vmem>>, vector<1x16xf32>,
              %swap3A_467 = vector.shape_cast %swap3A_466 : vector<1x16xf32> to vector<16xf32>
              %swap3A_468 = vector.shape_cast %select_n3A_459 : vector<16xf32> to vector<1x16xf32>
              tpu.vector_store %arg4[%swap3A_464, %swap3A_465], %swap3A_468 {strides = array<i32>} : memref<224x224xf32, #tpu.memory_space<vmem>>, vector<1x16xf32>,
              %mul3A_469 = arith.constant 2 : i32
              %mul3A_470 = arith.muli %mul3A_469, %scan3A_91 : i32
              %get3A_471 = arith.index_cast %mul3A_470 : i32 to index
              %get3A_472 = arith.constant 128 : index
              %get3A_473 = tpu.vector_load %arg4[%get3A_471, %get3A_472] {strides = array<i32>} : memref<224x224xf32, #tpu.memory_space<vmem>>, vector<1x16xf32>,
              %get3A_474 = vector.shape_cast %get3A_473 : vector<1x16xf32> to vector<16xf32>
              %mul3A_475 = arith.constant 2 : i32
              %mul3A_476 = arith.muli %mul3A_475, %scan3A_91 : i32
              %add3A_477 = arith.constant 1 : i32
              %add3A_478 = arith.addi %mul3A_476, %add3A_477 : i32
              %get3A_479 = arith.index_cast %add3A_478 : i32 to index
              %get3A_480 = arith.constant 128 : index
              %get3A_481 = tpu.vector_load %arg4[%get3A_479, %get3A_480] {strides = array<i32>} : memref<224x224xf32, #tpu.memory_space<vmem>>, vector<1x16xf32>,
              %get3A_482 = vector.shape_cast %get3A_481 : vector<1x16xf32> to vector<16xf32>
              %add3A_483 = arith.addf %get3A_474, %get3A_482 : vector<16xf32>
              %iota3A_484 = tpu.iota {dimensions = array<i32: 0>} : vector<16xi32>
              %xor3A_485 = arith.constant 1 : i32
              %xor3A_486 = vector.broadcast %xor3A_485 : i32 to vector<16xi32>
              %xor3A_487 = arith.xori %iota3A_484, %xor3A_486 : vector<16xi32>
              %broadcast_in_dim3A_488 = vector.shape_cast %xor3A_487 : vector<16xi32> to vector<16x1xi32>
              %gather3A_489 = vector.shape_cast %broadcast_in_dim3A_488 : vector<16x1xi32> to vector<16xi32>
              %gather3A_490 = tpu.dynamic_gather %add3A_483[%gather3A_489] in [0] : vector<16xf32>, vector<16xi32> -> vector<16xf32>
              %add3A_491 = arith.addf %add3A_483, %gather3A_490 : vector<16xf32>
              %ge3A_492 = arith.constant 0.000000e+00 : f32
              %ge3A_493 = vector.broadcast %ge3A_492 : f32 to vector<16xf32>
              %ge3A_494 = arith.cmpf oge, %add3A_491, %ge3A_493 : vector<16xf32>
              %jit3A_495 = arith.constant 0.000000e+00 : f32
              %broadcast_in_dim3A_496 = vector.broadcast %jit3A_495 : f32 to vector<16xf32>
              %select_n3A_497 = arith.select %ge3A_494, %get3A_474, %broadcast_in_dim3A_496 : vector<16xi1>, vector<16xf32>
              %mul3A_498 = arith.constant 2 : i32
              %mul3A_499 = arith.muli %mul3A_498, %scan3A_91 : i32
              %swap3A_500 = arith.index_cast %mul3A_499 : i32 to index
              %swap3A_501 = arith.constant 128 : index
              %swap3A_502 = tpu.vector_load %arg4[%swap3A_500, %swap3A_501] {strides = array<i32>} : memref<224x224xf32, #tpu.memory_space<vmem>>, vector<1x16xf32>,
              %swap3A_503 = vector.shape_cast %swap3A_502 : vector<1x16xf32> to vector<16xf32>
              %swap3A_504 = vector.shape_cast %select_n3A_497 : vector<16xf32> to vector<1x16xf32>
              tpu.vector_store %arg4[%swap3A_500, %swap3A_501], %swap3A_504 {strides = array<i32>} : memref<224x224xf32, #tpu.memory_space<vmem>>, vector<1x16xf32>,
              %jit3A_505 = arith.constant 0.000000e+00 : f32
              %broadcast_in_dim3A_506 = vector.broadcast %jit3A_505 : f32 to vector<16xf32>
              %select_n3A_507 = arith.select %ge3A_494, %get3A_482, %broadcast_in_dim3A_506 : vector<16xi1>, vector<16xf32>
              %mul3A_508 = arith.constant 2 : i32
              %mul3A_509 = arith.muli %mul3A_508, %scan3A_91 : i32
              %add3A_510 = arith.constant 1 : i32
              %add3A_511 = arith.addi %mul3A_509, %add3A_510 : i32
              %swap3A_512 = arith.index_cast %add3A_511 : i32 to index
              %swap3A_513 = arith.constant 128 : index
              %swap3A_514 = tpu.vector_load %arg4[%swap3A_512, %swap3A_513] {strides = array<i32>} : memref<224x224xf32, #tpu.memory_space<vmem>>, vector<1x16xf32>,
              %swap3A_515 = vector.shape_cast %swap3A_514 : vector<1x16xf32> to vector<16xf32>
              %swap3A_516 = vector.shape_cast %select_n3A_507 : vector<16xf32> to vector<1x16xf32>
              tpu.vector_store %arg4[%swap3A_512, %swap3A_513], %swap3A_516 {strides = array<i32>} : memref<224x224xf32, #tpu.memory_space<vmem>>, vector<1x16xf32>,
              %mul3A_517 = arith.constant 2 : i32
              %mul3A_518 = arith.muli %mul3A_517, %scan3A_91 : i32
              %get3A_519 = arith.index_cast %mul3A_518 : i32 to index
              %get3A_520 = arith.constant 144 : index
              %get3A_521 = tpu.vector_load %arg4[%get3A_519, %get3A_520] {strides = array<i32>} : memref<224x224xf32, #tpu.memory_space<vmem>>, vector<1x16xf32>,
              %get3A_522 = vector.shape_cast %get3A_521 : vector<1x16xf32> to vector<16xf32>
              %mul3A_523 = arith.constant 2 : i32
              %mul3A_524 = arith.muli %mul3A_523, %scan3A_91 : i32
              %add3A_525 = arith.constant 1 : i32
              %add3A_526 = arith.addi %mul3A_524, %add3A_525 : i32
              %get3A_527 = arith.index_cast %add3A_526 : i32 to index
              %get3A_528 = arith.constant 144 : index
              %get3A_529 = tpu.vector_load %arg4[%get3A_527, %get3A_528] {strides = array<i32>} : memref<224x224xf32, #tpu.memory_space<vmem>>, vector<1x16xf32>,
              %get3A_530 = vector.shape_cast %get3A_529 : vector<1x16xf32> to vector<16xf32>
              %add3A_531 = arith.addf %get3A_522, %get3A_530 : vector<16xf32>
              %iota3A_532 = tpu.iota {dimensions = array<i32: 0>} : vector<16xi32>
              %xor3A_533 = arith.constant 1 : i32
              %xor3A_534 = vector.broadcast %xor3A_533 : i32 to vector<16xi32>
              %xor3A_535 = arith.xori %iota3A_532, %xor3A_534 : vector<16xi32>
              %broadcast_in_dim3A_536 = vector.shape_cast %xor3A_535 : vector<16xi32> to vector<16x1xi32>
              %gather3A_537 = vector.shape_cast %broadcast_in_dim3A_536 : vector<16x1xi32> to vector<16xi32>
              %gather3A_538 = tpu.dynamic_gather %add3A_531[%gather3A_537] in [0] : vector<16xf32>, vector<16xi32> -> vector<16xf32>
              %add3A_539 = arith.addf %add3A_531, %gather3A_538 : vector<16xf32>
              %ge3A_540 = arith.constant 0.000000e+00 : f32
              %ge3A_541 = vector.broadcast %ge3A_540 : f32 to vector<16xf32>
              %ge3A_542 = arith.cmpf oge, %add3A_539, %ge3A_541 : vector<16xf32>
              %jit3A_543 = arith.constant 0.000000e+00 : f32
              %broadcast_in_dim3A_544 = vector.broadcast %jit3A_543 : f32 to vector<16xf32>
              %select_n3A_545 = arith.select %ge3A_542, %get3A_522, %broadcast_in_dim3A_544 : vector<16xi1>, vector<16xf32>
              %mul3A_546 = arith.constant 2 : i32
              %mul3A_547 = arith.muli %mul3A_546, %scan3A_91 : i32
              %swap3A_548 = arith.index_cast %mul3A_547 : i32 to index
              %swap3A_549 = arith.constant 144 : index
              %swap3A_550 = tpu.vector_load %arg4[%swap3A_548, %swap3A_549] {strides = array<i32>} : memref<224x224xf32, #tpu.memory_space<vmem>>, vector<1x16xf32>,
              %swap3A_551 = vector.shape_cast %swap3A_550 : vector<1x16xf32> to vector<16xf32>
              %swap3A_552 = vector.shape_cast %select_n3A_545 : vector<16xf32> to vector<1x16xf32>
              tpu.vector_store %arg4[%swap3A_548, %swap3A_549], %swap3A_552 {strides = array<i32>} : memref<224x224xf32, #tpu.memory_space<vmem>>, vector<1x16xf32>,
              %jit3A_553 = arith.constant 0.000000e+00 : f32
              %broadcast_in_dim3A_554 = vector.broadcast %jit3A_553 : f32 to vector<16xf32>
              %select_n3A_555 = arith.select %ge3A_542, %get3A_530, %broadcast_in_dim3A_554 : vector<16xi1>, vector<16xf32>
              %mul3A_556 = arith.constant 2 : i32
              %mul3A_557 = arith.muli %mul3A_556, %scan3A_91 : i32
              %add3A_558 = arith.constant 1 : i32
              %add3A_559 = arith.addi %mul3A_557, %add3A_558 : i32
              %swap3A_560 = arith.index_cast %add3A_559 : i32 to index
              %swap3A_561 = arith.constant 144 : index
              %swap3A_562 = tpu.vector_load %arg4[%swap3A_560, %swap3A_561] {strides = array<i32>} : memref<224x224xf32, #tpu.memory_space<vmem>>, vector<1x16xf32>,
              %swap3A_563 = vector.shape_cast %swap3A_562 : vector<1x16xf32> to vector<16xf32>
              %swap3A_564 = vector.shape_cast %select_n3A_555 : vector<16xf32> to vector<1x16xf32>
              tpu.vector_store %arg4[%swap3A_560, %swap3A_561], %swap3A_564 {strides = array<i32>} : memref<224x224xf32, #tpu.memory_space<vmem>>, vector<1x16xf32>,
              %mul3A_565 = arith.constant 2 : i32
              %mul3A_566 = arith.muli %mul3A_565, %scan3A_91 : i32
              %get3A_567 = arith.index_cast %mul3A_566 : i32 to index
              %get3A_568 = arith.constant 160 : index
              %get3A_569 = tpu.vector_load %arg4[%get3A_567, %get3A_568] {strides = array<i32>} : memref<224x224xf32, #tpu.memory_space<vmem>>, vector<1x16xf32>,
              %get3A_570 = vector.shape_cast %get3A_569 : vector<1x16xf32> to vector<16xf32>
              %mul3A_571 = arith.constant 2 : i32
              %mul3A_572 = arith.muli %mul3A_571, %scan3A_91 : i32
              %add3A_573 = arith.constant 1 : i32
              %add3A_574 = arith.addi %mul3A_572, %add3A_573 : i32
              %get3A_575 = arith.index_cast %add3A_574 : i32 to index
              %get3A_576 = arith.constant 160 : index
              %get3A_577 = tpu.vector_load %arg4[%get3A_575, %get3A_576] {strides = array<i32>} : memref<224x224xf32, #tpu.memory_space<vmem>>, vector<1x16xf32>,
              %get3A_578 = vector.shape_cast %get3A_577 : vector<1x16xf32> to vector<16xf32>
              %add3A_579 = arith.addf %get3A_570, %get3A_578 : vector<16xf32>
              %iota3A_580 = tpu.iota {dimensions = array<i32: 0>} : vector<16xi32>
              %xor3A_581 = arith.constant 1 : i32
              %xor3A_582 = vector.broadcast %xor3A_581 : i32 to vector<16xi32>
              %xor3A_583 = arith.xori %iota3A_580, %xor3A_582 : vector<16xi32>
              %broadcast_in_dim3A_584 = vector.shape_cast %xor3A_583 : vector<16xi32> to vector<16x1xi32>
              %gather3A_585 = vector.shape_cast %broadcast_in_dim3A_584 : vector<16x1xi32> to vector<16xi32>
              %gather3A_586 = tpu.dynamic_gather %add3A_579[%gather3A_585] in [0] : vector<16xf32>, vector<16xi32> -> vector<16xf32>
              %add3A_587 = arith.addf %add3A_579, %gather3A_586 : vector<16xf32>
              %ge3A_588 = arith.constant 0.000000e+00 : f32
              %ge3A_589 = vector.broadcast %ge3A_588 : f32 to vector<16xf32>
              %ge3A_590 = arith.cmpf oge, %add3A_587, %ge3A_589 : vector<16xf32>
              %jit3A_591 = arith.constant 0.000000e+00 : f32
              %broadcast_in_dim3A_592 = vector.broadcast %jit3A_591 : f32 to vector<16xf32>
              %select_n3A_593 = arith.select %ge3A_590, %get3A_570, %broadcast_in_dim3A_592 : vector<16xi1>, vector<16xf32>
              %mul3A_594 = arith.constant 2 : i32
              %mul3A_595 = arith.muli %mul3A_594, %scan3A_91 : i32
              %swap3A_596 = arith.index_cast %mul3A_595 : i32 to index
              %swap3A_597 = arith.constant 160 : index
              %swap3A_598 = tpu.vector_load %arg4[%swap3A_596, %swap3A_597] {strides = array<i32>} : memref<224x224xf32, #tpu.memory_space<vmem>>, vector<1x16xf32>,
              %swap3A_599 = vector.shape_cast %swap3A_598 : vector<1x16xf32> to vector<16xf32>
              %swap3A_600 = vector.shape_cast %select_n3A_593 : vector<16xf32> to vector<1x16xf32>
              tpu.vector_store %arg4[%swap3A_596, %swap3A_597], %swap3A_600 {strides = array<i32>} : memref<224x224xf32, #tpu.memory_space<vmem>>, vector<1x16xf32>,
              %jit3A_601 = arith.constant 0.000000e+00 : f32
              %broadcast_in_dim3A_602 = vector.broadcast %jit3A_601 : f32 to vector<16xf32>
              %select_n3A_603 = arith.select %ge3A_590, %get3A_578, %broadcast_in_dim3A_602 : vector<16xi1>, vector<16xf32>
              %mul3A_604 = arith.constant 2 : i32
              %mul3A_605 = arith.muli %mul3A_604, %scan3A_91 : i32
              %add3A_606 = arith.constant 1 : i32
              %add3A_607 = arith.addi %mul3A_605, %add3A_606 : i32
              %swap3A_608 = arith.index_cast %add3A_607 : i32 to index
              %swap3A_609 = arith.constant 160 : index
              %swap3A_610 = tpu.vector_load %arg4[%swap3A_608, %swap3A_609] {strides = array<i32>} : memref<224x224xf32, #tpu.memory_space<vmem>>, vector<1x16xf32>,
              %swap3A_611 = vector.shape_cast %swap3A_610 : vector<1x16xf32> to vector<16xf32>
              %swap3A_612 = vector.shape_cast %select_n3A_603 : vector<16xf32> to vector<1x16xf32>
              tpu.vector_store %arg4[%swap3A_608, %swap3A_609], %swap3A_612 {strides = array<i32>} : memref<224x224xf32, #tpu.memory_space<vmem>>, vector<1x16xf32>,
              %mul3A_613 = arith.constant 2 : i32
              %mul3A_614 = arith.muli %mul3A_613, %scan3A_91 : i32
              %get3A_615 = arith.index_cast %mul3A_614 : i32 to index
              %get3A_616 = arith.constant 176 : index
              %get3A_617 = tpu.vector_load %arg4[%get3A_615, %get3A_616] {strides = array<i32>} : memref<224x224xf32, #tpu.memory_space<vmem>>, vector<1x16xf32>,
              %get3A_618 = vector.shape_cast %get3A_617 : vector<1x16xf32> to vector<16xf32>
              %mul3A_619 = arith.constant 2 : i32
              %mul3A_620 = arith.muli %mul3A_619, %scan3A_91 : i32
              %add3A_621 = arith.constant 1 : i32
              %add3A_622 = arith.addi %mul3A_620, %add3A_621 : i32
              %get3A_623 = arith.index_cast %add3A_622 : i32 to index
              %get3A_624 = arith.constant 176 : index
              %get3A_625 = tpu.vector_load %arg4[%get3A_623, %get3A_624] {strides = array<i32>} : memref<224x224xf32, #tpu.memory_space<vmem>>, vector<1x16xf32>,
              %get3A_626 = vector.shape_cast %get3A_625 : vector<1x16xf32> to vector<16xf32>
              %add3A_627 = arith.addf %get3A_618, %get3A_626 : vector<16xf32>
              %iota3A_628 = tpu.iota {dimensions = array<i32: 0>} : vector<16xi32>
              %xor3A_629 = arith.constant 1 : i32
              %xor3A_630 = vector.broadcast %xor3A_629 : i32 to vector<16xi32>
              %xor3A_631 = arith.xori %iota3A_628, %xor3A_630 : vector<16xi32>
              %broadcast_in_dim3A_632 = vector.shape_cast %xor3A_631 : vector<16xi32> to vector<16x1xi32>
              %gather3A_633 = vector.shape_cast %broadcast_in_dim3A_632 : vector<16x1xi32> to vector<16xi32>
              %gather3A_634 = tpu.dynamic_gather %add3A_627[%gather3A_633] in [0] : vector<16xf32>, vector<16xi32> -> vector<16xf32>
              %add3A_635 = arith.addf %add3A_627, %gather3A_634 : vector<16xf32>
              %ge3A_636 = arith.constant 0.000000e+00 : f32
              %ge3A_637 = vector.broadcast %ge3A_636 : f32 to vector<16xf32>
              %ge3A_638 = arith.cmpf oge, %add3A_635, %ge3A_637 : vector<16xf32>
              %jit3A_639 = arith.constant 0.000000e+00 : f32
              %broadcast_in_dim3A_640 = vector.broadcast %jit3A_639 : f32 to vector<16xf32>
              %select_n3A_641 = arith.select %ge3A_638, %get3A_618, %broadcast_in_dim3A_640 : vector<16xi1>, vector<16xf32>
              %mul3A_642 = arith.constant 2 : i32
              %mul3A_643 = arith.muli %mul3A_642, %scan3A_91 : i32
              %swap3A_644 = arith.index_cast %mul3A_643 : i32 to index
              %swap3A_645 = arith.constant 176 : index
              %swap3A_646 = tpu.vector_load %arg4[%swap3A_644, %swap3A_645] {strides = array<i32>} : memref<224x224xf32, #tpu.memory_space<vmem>>, vector<1x16xf32>,
              %swap3A_647 = vector.shape_cast %swap3A_646 : vector<1x16xf32> to vector<16xf32>
              %swap3A_648 = vector.shape_cast %select_n3A_641 : vector<16xf32> to vector<1x16xf32>
              tpu.vector_store %arg4[%swap3A_644, %swap3A_645], %swap3A_648 {strides = array<i32>} : memref<224x224xf32, #tpu.memory_space<vmem>>, vector<1x16xf32>,
              %jit3A_649 = arith.constant 0.000000e+00 : f32
              %broadcast_in_dim3A_650 = vector.broadcast %jit3A_649 : f32 to vector<16xf32>
              %select_n3A_651 = arith.select %ge3A_638, %get3A_626, %broadcast_in_dim3A_650 : vector<16xi1>, vector<16xf32>
              %mul3A_652 = arith.constant 2 : i32
              %mul3A_653 = arith.muli %mul3A_652, %scan3A_91 : i32
              %add3A_654 = arith.constant 1 : i32
              %add3A_655 = arith.addi %mul3A_653, %add3A_654 : i32
              %swap3A_656 = arith.index_cast %add3A_655 : i32 to index
              %swap3A_657 = arith.constant 176 : index
              %swap3A_658 = tpu.vector_load %arg4[%swap3A_656, %swap3A_657] {strides = array<i32>} : memref<224x224xf32, #tpu.memory_space<vmem>>, vector<1x16xf32>,
              %swap3A_659 = vector.shape_cast %swap3A_658 : vector<1x16xf32> to vector<16xf32>
              %swap3A_660 = vector.shape_cast %select_n3A_651 : vector<16xf32> to vector<1x16xf32>
              tpu.vector_store %arg4[%swap3A_656, %swap3A_657], %swap3A_660 {strides = array<i32>} : memref<224x224xf32, #tpu.memory_space<vmem>>, vector<1x16xf32>,
              %mul3A_661 = arith.constant 2 : i32
              %mul3A_662 = arith.muli %mul3A_661, %scan3A_91 : i32
              %get3A_663 = arith.index_cast %mul3A_662 : i32 to index
              %get3A_664 = arith.constant 192 : index
              %get3A_665 = tpu.vector_load %arg4[%get3A_663, %get3A_664] {strides = array<i32>} : memref<224x224xf32, #tpu.memory_space<vmem>>, vector<1x16xf32>,
              %get3A_666 = vector.shape_cast %get3A_665 : vector<1x16xf32> to vector<16xf32>
              %mul3A_667 = arith.constant 2 : i32
              %mul3A_668 = arith.muli %mul3A_667, %scan3A_91 : i32
              %add3A_669 = arith.constant 1 : i32
              %add3A_670 = arith.addi %mul3A_668, %add3A_669 : i32
              %get3A_671 = arith.index_cast %add3A_670 : i32 to index
              %get3A_672 = arith.constant 192 : index
              %get3A_673 = tpu.vector_load %arg4[%get3A_671, %get3A_672] {strides = array<i32>} : memref<224x224xf32, #tpu.memory_space<vmem>>, vector<1x16xf32>,
              %get3A_674 = vector.shape_cast %get3A_673 : vector<1x16xf32> to vector<16xf32>
              %add3A_675 = arith.addf %get3A_666, %get3A_674 : vector<16xf32>
              %iota3A_676 = tpu.iota {dimensions = array<i32: 0>} : vector<16xi32>
              %xor3A_677 = arith.constant 1 : i32
              %xor3A_678 = vector.broadcast %xor3A_677 : i32 to vector<16xi32>
              %xor3A_679 = arith.xori %iota3A_676, %xor3A_678 : vector<16xi32>
              %broadcast_in_dim3A_680 = vector.shape_cast %xor3A_679 : vector<16xi32> to vector<16x1xi32>
              %gather3A_681 = vector.shape_cast %broadcast_in_dim3A_680 : vector<16x1xi32> to vector<16xi32>
              %gather3A_682 = tpu.dynamic_gather %add3A_675[%gather3A_681] in [0] : vector<16xf32>, vector<16xi32> -> vector<16xf32>
              %add3A_683 = arith.addf %add3A_675, %gather3A_682 : vector<16xf32>
              %ge3A_684 = arith.constant 0.000000e+00 : f32
              %ge3A_685 = vector.broadcast %ge3A_684 : f32 to vector<16xf32>
              %ge3A_686 = arith.cmpf oge, %add3A_683, %ge3A_685 : vector<16xf32>
              %jit3A_687 = arith.constant 0.000000e+00 : f32
              %broadcast_in_dim3A_688 = vector.broadcast %jit3A_687 : f32 to vector<16xf32>
              %select_n3A_689 = arith.select %ge3A_686, %get3A_666, %broadcast_in_dim3A_688 : vector<16xi1>, vector<16xf32>
              %mul3A_690 = arith.constant 2 : i32
              %mul3A_691 = arith.muli %mul3A_690, %scan3A_91 : i32
              %swap3A_692 = arith.index_cast %mul3A_691 : i32 to index
              %swap3A_693 = arith.constant 192 : index
              %swap3A_694 = tpu.vector_load %arg4[%swap3A_692, %swap3A_693] {strides = array<i32>} : memref<224x224xf32, #tpu.memory_space<vmem>>, vector<1x16xf32>,
              %swap3A_695 = vector.shape_cast %swap3A_694 : vector<1x16xf32> to vector<16xf32>
              %swap3A_696 = vector.shape_cast %select_n3A_689 : vector<16xf32> to vector<1x16xf32>
              tpu.vector_store %arg4[%swap3A_692, %swap3A_693], %swap3A_696 {strides = array<i32>} : memref<224x224xf32, #tpu.memory_space<vmem>>, vector<1x16xf32>,
              %jit3A_697 = arith.constant 0.000000e+00 : f32
              %broadcast_in_dim3A_698 = vector.broadcast %jit3A_697 : f32 to vector<16xf32>
              %select_n3A_699 = arith.select %ge3A_686, %get3A_674, %broadcast_in_dim3A_698 : vector<16xi1>, vector<16xf32>
              %mul3A_700 = arith.constant 2 : i32
              %mul3A_701 = arith.muli %mul3A_700, %scan3A_91 : i32
              %add3A_702 = arith.constant 1 : i32
              %add3A_703 = arith.addi %mul3A_701, %add3A_702 : i32
              %swap3A_704 = arith.index_cast %add3A_703 : i32 to index
              %swap3A_705 = arith.constant 192 : index
              %swap3A_706 = tpu.vector_load %arg4[%swap3A_704, %swap3A_705] {strides = array<i32>} : memref<224x224xf32, #tpu.memory_space<vmem>>, vector<1x16xf32>,
              %swap3A_707 = vector.shape_cast %swap3A_706 : vector<1x16xf32> to vector<16xf32>
              %swap3A_708 = vector.shape_cast %select_n3A_699 : vector<16xf32> to vector<1x16xf32>
              tpu.vector_store %arg4[%swap3A_704, %swap3A_705], %swap3A_708 {strides = array<i32>} : memref<224x224xf32, #tpu.memory_space<vmem>>, vector<1x16xf32>,
              %mul3A_709 = arith.constant 2 : i32
              %mul3A_710 = arith.muli %mul3A_709, %scan3A_91 : i32
              %get3A_711 = arith.index_cast %mul3A_710 : i32 to index
              %get3A_712 = arith.constant 208 : index
              %get3A_713 = tpu.vector_load %arg4[%get3A_711, %get3A_712] {strides = array<i32>} : memref<224x224xf32, #tpu.memory_space<vmem>>, vector<1x16xf32>,
              %get3A_714 = vector.shape_cast %get3A_713 : vector<1x16xf32> to vector<16xf32>
              %mul3A_715 = arith.constant 2 : i32
              %mul3A_716 = arith.muli %mul3A_715, %scan3A_91 : i32
              %add3A_717 = arith.constant 1 : i32
              %add3A_718 = arith.addi %mul3A_716, %add3A_717 : i32
              %get3A_719 = arith.index_cast %add3A_718 : i32 to index
              %get3A_720 = arith.constant 208 : index
              %get3A_721 = tpu.vector_load %arg4[%get3A_719, %get3A_720] {strides = array<i32>} : memref<224x224xf32, #tpu.memory_space<vmem>>, vector<1x16xf32>,
              %get3A_722 = vector.shape_cast %get3A_721 : vector<1x16xf32> to vector<16xf32>
              %add3A_723 = arith.addf %get3A_714, %get3A_722 : vector<16xf32>
              %iota3A_724 = tpu.iota {dimensions = array<i32: 0>} : vector<16xi32>
              %xor3A_725 = arith.constant 1 : i32
              %xor3A_726 = vector.broadcast %xor3A_725 : i32 to vector<16xi32>
              %xor3A_727 = arith.xori %iota3A_724, %xor3A_726 : vector<16xi32>
              %broadcast_in_dim3A_728 = vector.shape_cast %xor3A_727 : vector<16xi32> to vector<16x1xi32>
              %gather3A_729 = vector.shape_cast %broadcast_in_dim3A_728 : vector<16x1xi32> to vector<16xi32>
              %gather3A_730 = tpu.dynamic_gather %add3A_723[%gather3A_729] in [0] : vector<16xf32>, vector<16xi32> -> vector<16xf32>
              %add3A_731 = arith.addf %add3A_723, %gather3A_730 : vector<16xf32>
              %ge3A_732 = arith.constant 0.000000e+00 : f32
              %ge3A_733 = vector.broadcast %ge3A_732 : f32 to vector<16xf32>
              %ge3A_734 = arith.cmpf oge, %add3A_731, %ge3A_733 : vector<16xf32>
              %jit3A_735 = arith.constant 0.000000e+00 : f32
              %broadcast_in_dim3A_736 = vector.broadcast %jit3A_735 : f32 to vector<16xf32>
              %select_n3A_737 = arith.select %ge3A_734, %get3A_714, %broadcast_in_dim3A_736 : vector<16xi1>, vector<16xf32>
              %mul3A_738 = arith.constant 2 : i32
              %mul3A_739 = arith.muli %mul3A_738, %scan3A_91 : i32
              %swap3A_740 = arith.index_cast %mul3A_739 : i32 to index
              %swap3A_741 = arith.constant 208 : index
              %swap3A_742 = tpu.vector_load %arg4[%swap3A_740, %swap3A_741] {strides = array<i32>} : memref<224x224xf32, #tpu.memory_space<vmem>>, vector<1x16xf32>,
              %swap3A_743 = vector.shape_cast %swap3A_742 : vector<1x16xf32> to vector<16xf32>
              %swap3A_744 = vector.shape_cast %select_n3A_737 : vector<16xf32> to vector<1x16xf32>
              tpu.vector_store %arg4[%swap3A_740, %swap3A_741], %swap3A_744 {strides = array<i32>} : memref<224x224xf32, #tpu.memory_space<vmem>>, vector<1x16xf32>,
              %jit3A_745 = arith.constant 0.000000e+00 : f32
              %broadcast_in_dim3A_746 = vector.broadcast %jit3A_745 : f32 to vector<16xf32>
              %select_n3A_747 = arith.select %ge3A_734, %get3A_722, %broadcast_in_dim3A_746 : vector<16xi1>, vector<16xf32>
              %mul3A_748 = arith.constant 2 : i32
              %mul3A_749 = arith.muli %mul3A_748, %scan3A_91 : i32
              %add3A_750 = arith.constant 1 : i32
              %add3A_751 = arith.addi %mul3A_749, %add3A_750 : i32
              %swap3A_752 = arith.index_cast %add3A_751 : i32 to index
              %swap3A_753 = arith.constant 208 : index
              %swap3A_754 = tpu.vector_load %arg4[%swap3A_752, %swap3A_753] {strides = array<i32>} : memref<224x224xf32, #tpu.memory_space<vmem>>, vector<1x16xf32>,
              %swap3A_755 = vector.shape_cast %swap3A_754 : vector<1x16xf32> to vector<16xf32>
              %swap3A_756 = vector.shape_cast %select_n3A_747 : vector<16xf32> to vector<1x16xf32>
              tpu.vector_store %arg4[%swap3A_752, %swap3A_753], %swap3A_756 {strides = array<i32>} : memref<224x224xf32, #tpu.memory_space<vmem>>, vector<1x16xf32>,
            }
            %scan3A_89 = arith.constant 112 : i32
            %cond3A_90 = arith.constant 0 : i32
            scf.yield %cond3A_90 : i32
          }
          scf.yield %cond3A_83 : i32
        } else {
          %scan3A_79 = arith.constant 0 : i32
          %scan3A_80 = arith.constant 0 : i32
          %scan3A_81 = arith.constant 224 : i32
          %scan3A_82 = arith.addi %scan3A_80, %scan3A_81 : i32
          %scan3A_83 = arith.constant 1 : i32
          scf.for %scan3A_86 = %scan3A_80 to %scan3A_82 step %scan3A_83  : i32 {
            %get3A = arith.index_cast %scan3A_86 : i32 to index
            %get3A_87 = arith.constant 0 : index
            %get3A_88 = tpu.vector_load %arg4[%get3A, %get3A_87] {strides = array<i32>} : memref<224x224xf32, #tpu.memory_space<vmem>>, vector<1x16xf32>,
            %get3A_89 = vector.shape_cast %get3A_88 : vector<1x16xf32> to vector<16xf32>
            %ge3A = arith.constant 0.000000e+00 : f32
            %ge3A_90 = vector.broadcast %ge3A : f32 to vector<16xf32>
            %ge3A_91 = arith.cmpf oge, %get3A_89, %ge3A_90 : vector<16xf32>
            %jit3A_92 = arith.constant 0.000000e+00 : f32
            %broadcast_in_dim3A = vector.broadcast %jit3A_92 : f32 to vector<16xf32>
            %select_n3A_93 = arith.select %ge3A_91, %get3A_89, %broadcast_in_dim3A : vector<16xi1>, vector<16xf32>
            %swap3A = arith.index_cast %scan3A_86 : i32 to index
            %swap3A_94 = arith.constant 0 : index
            %swap3A_95 = tpu.vector_load %arg4[%swap3A, %swap3A_94] {strides = array<i32>} : memref<224x224xf32, #tpu.memory_space<vmem>>, vector<1x16xf32>,
            %swap3A_96 = vector.shape_cast %swap3A_95 : vector<1x16xf32> to vector<16xf32>
            %swap3A_97 = vector.shape_cast %select_n3A_93 : vector<16xf32> to vector<1x16xf32>
            tpu.vector_store %arg4[%swap3A, %swap3A_94], %swap3A_97 {strides = array<i32>} : memref<224x224xf32, #tpu.memory_space<vmem>>, vector<1x16xf32>,
            %get3A_98 = arith.index_cast %scan3A_86 : i32 to index
            %get3A_99 = arith.constant 16 : index
            %get3A_100 = tpu.vector_load %arg4[%get3A_98, %get3A_99] {strides = array<i32>} : memref<224x224xf32, #tpu.memory_space<vmem>>, vector<1x16xf32>,
            %get3A_101 = vector.shape_cast %get3A_100 : vector<1x16xf32> to vector<16xf32>
            %ge3A_102 = arith.constant 0.000000e+00 : f32
            %ge3A_103 = vector.broadcast %ge3A_102 : f32 to vector<16xf32>
            %ge3A_104 = arith.cmpf oge, %get3A_101, %ge3A_103 : vector<16xf32>
            %jit3A_105 = arith.constant 0.000000e+00 : f32
            %broadcast_in_dim3A_106 = vector.broadcast %jit3A_105 : f32 to vector<16xf32>
            %select_n3A_107 = arith.select %ge3A_104, %get3A_101, %broadcast_in_dim3A_106 : vector<16xi1>, vector<16xf32>
            %swap3A_108 = arith.index_cast %scan3A_86 : i32 to index
            %swap3A_109 = arith.constant 16 : index
            %swap3A_110 = tpu.vector_load %arg4[%swap3A_108, %swap3A_109] {strides = array<i32>} : memref<224x224xf32, #tpu.memory_space<vmem>>, vector<1x16xf32>,
            %swap3A_111 = vector.shape_cast %swap3A_110 : vector<1x16xf32> to vector<16xf32>
            %swap3A_112 = vector.shape_cast %select_n3A_107 : vector<16xf32> to vector<1x16xf32>
            tpu.vector_store %arg4[%swap3A_108, %swap3A_109], %swap3A_112 {strides = array<i32>} : memref<224x224xf32, #tpu.memory_space<vmem>>, vector<1x16xf32>,
            %get3A_113 = arith.index_cast %scan3A_86 : i32 to index
            %get3A_114 = arith.constant 32 : index
            %get3A_115 = tpu.vector_load %arg4[%get3A_113, %get3A_114] {strides = array<i32>} : memref<224x224xf32, #tpu.memory_space<vmem>>, vector<1x16xf32>,
            %get3A_116 = vector.shape_cast %get3A_115 : vector<1x16xf32> to vector<16xf32>
            %ge3A_117 = arith.constant 0.000000e+00 : f32
            %ge3A_118 = vector.broadcast %ge3A_117 : f32 to vector<16xf32>
            %ge3A_119 = arith.cmpf oge, %get3A_116, %ge3A_118 : vector<16xf32>
            %jit3A_120 = arith.constant 0.000000e+00 : f32
            %broadcast_in_dim3A_121 = vector.broadcast %jit3A_120 : f32 to vector<16xf32>
            %select_n3A_122 = arith.select %ge3A_119, %get3A_116, %broadcast_in_dim3A_121 : vector<16xi1>, vector<16xf32>
            %swap3A_123 = arith.index_cast %scan3A_86 : i32 to index
            %swap3A_124 = arith.constant 32 : index
            %swap3A_125 = tpu.vector_load %arg4[%swap3A_123, %swap3A_124] {strides = array<i32>} : memref<224x224xf32, #tpu.memory_space<vmem>>, vector<1x16xf32>,
            %swap3A_126 = vector.shape_cast %swap3A_125 : vector<1x16xf32> to vector<16xf32>
            %swap3A_127 = vector.shape_cast %select_n3A_122 : vector<16xf32> to vector<1x16xf32>
            tpu.vector_store %arg4[%swap3A_123, %swap3A_124], %swap3A_127 {strides = array<i32>} : memref<224x224xf32, #tpu.memory_space<vmem>>, vector<1x16xf32>,
            %get3A_128 = arith.index_cast %scan3A_86 : i32 to index
            %get3A_129 = arith.constant 48 : index
            %get3A_130 = tpu.vector_load %arg4[%get3A_128, %get3A_129] {strides = array<i32>} : memref<224x224xf32, #tpu.memory_space<vmem>>, vector<1x16xf32>,
            %get3A_131 = vector.shape_cast %get3A_130 : vector<1x16xf32> to vector<16xf32>
            %ge3A_132 = arith.constant 0.000000e+00 : f32
            %ge3A_133 = vector.broadcast %ge3A_132 : f32 to vector<16xf32>
            %ge3A_134 = arith.cmpf oge, %get3A_131, %ge3A_133 : vector<16xf32>
            %jit3A_135 = arith.constant 0.000000e+00 : f32
            %broadcast_in_dim3A_136 = vector.broadcast %jit3A_135 : f32 to vector<16xf32>
            %select_n3A_137 = arith.select %ge3A_134, %get3A_131, %broadcast_in_dim3A_136 : vector<16xi1>, vector<16xf32>
            %swap3A_138 = arith.index_cast %scan3A_86 : i32 to index
            %swap3A_139 = arith.constant 48 : index
            %swap3A_140 = tpu.vector_load %arg4[%swap3A_138, %swap3A_139] {strides = array<i32>} : memref<224x224xf32, #tpu.memory_space<vmem>>, vector<1x16xf32>,
            %swap3A_141 = vector.shape_cast %swap3A_140 : vector<1x16xf32> to vector<16xf32>
            %swap3A_142 = vector.shape_cast %select_n3A_137 : vector<16xf32> to vector<1x16xf32>
            tpu.vector_store %arg4[%swap3A_138, %swap3A_139], %swap3A_142 {strides = array<i32>} : memref<224x224xf32, #tpu.memory_space<vmem>>, vector<1x16xf32>,
            %get3A_143 = arith.index_cast %scan3A_86 : i32 to index
            %get3A_144 = arith.constant 64 : index
            %get3A_145 = tpu.vector_load %arg4[%get3A_143, %get3A_144] {strides = array<i32>} : memref<224x224xf32, #tpu.memory_space<vmem>>, vector<1x16xf32>,
            %get3A_146 = vector.shape_cast %get3A_145 : vector<1x16xf32> to vector<16xf32>
            %ge3A_147 = arith.constant 0.000000e+00 : f32
            %ge3A_148 = vector.broadcast %ge3A_147 : f32 to vector<16xf32>
            %ge3A_149 = arith.cmpf oge, %get3A_146, %ge3A_148 : vector<16xf32>
            %jit3A_150 = arith.constant 0.000000e+00 : f32
            %broadcast_in_dim3A_151 = vector.broadcast %jit3A_150 : f32 to vector<16xf32>
            %select_n3A_152 = arith.select %ge3A_149, %get3A_146, %broadcast_in_dim3A_151 : vector<16xi1>, vector<16xf32>
            %swap3A_153 = arith.index_cast %scan3A_86 : i32 to index
            %swap3A_154 = arith.constant 64 : index
            %swap3A_155 = tpu.vector_load %arg4[%swap3A_153, %swap3A_154] {strides = array<i32>} : memref<224x224xf32, #tpu.memory_space<vmem>>, vector<1x16xf32>,
            %swap3A_156 = vector.shape_cast %swap3A_155 : vector<1x16xf32> to vector<16xf32>
            %swap3A_157 = vector.shape_cast %select_n3A_152 : vector<16xf32> to vector<1x16xf32>
            tpu.vector_store %arg4[%swap3A_153, %swap3A_154], %swap3A_157 {strides = array<i32>} : memref<224x224xf32, #tpu.memory_space<vmem>>, vector<1x16xf32>,
            %get3A_158 = arith.index_cast %scan3A_86 : i32 to index
            %get3A_159 = arith.constant 80 : index
            %get3A_160 = tpu.vector_load %arg4[%get3A_158, %get3A_159] {strides = array<i32>} : memref<224x224xf32, #tpu.memory_space<vmem>>, vector<1x16xf32>,
            %get3A_161 = vector.shape_cast %get3A_160 : vector<1x16xf32> to vector<16xf32>
            %ge3A_162 = arith.constant 0.000000e+00 : f32
            %ge3A_163 = vector.broadcast %ge3A_162 : f32 to vector<16xf32>
            %ge3A_164 = arith.cmpf oge, %get3A_161, %ge3A_163 : vector<16xf32>
            %jit3A_165 = arith.constant 0.000000e+00 : f32
            %broadcast_in_dim3A_166 = vector.broadcast %jit3A_165 : f32 to vector<16xf32>
            %select_n3A_167 = arith.select %ge3A_164, %get3A_161, %broadcast_in_dim3A_166 : vector<16xi1>, vector<16xf32>
            %swap3A_168 = arith.index_cast %scan3A_86 : i32 to index
            %swap3A_169 = arith.constant 80 : index
            %swap3A_170 = tpu.vector_load %arg4[%swap3A_168, %swap3A_169] {strides = array<i32>} : memref<224x224xf32, #tpu.memory_space<vmem>>, vector<1x16xf32>,
            %swap3A_171 = vector.shape_cast %swap3A_170 : vector<1x16xf32> to vector<16xf32>
            %swap3A_172 = vector.shape_cast %select_n3A_167 : vector<16xf32> to vector<1x16xf32>
            tpu.vector_store %arg4[%swap3A_168, %swap3A_169], %swap3A_172 {strides = array<i32>} : memref<224x224xf32, #tpu.memory_space<vmem>>, vector<1x16xf32>,
            %get3A_173 = arith.index_cast %scan3A_86 : i32 to index
            %get3A_174 = arith.constant 96 : index
            %get3A_175 = tpu.vector_load %arg4[%get3A_173, %get3A_174] {strides = array<i32>} : memref<224x224xf32, #tpu.memory_space<vmem>>, vector<1x16xf32>,
            %get3A_176 = vector.shape_cast %get3A_175 : vector<1x16xf32> to vector<16xf32>
            %ge3A_177 = arith.constant 0.000000e+00 : f32
            %ge3A_178 = vector.broadcast %ge3A_177 : f32 to vector<16xf32>
            %ge3A_179 = arith.cmpf oge, %get3A_176, %ge3A_178 : vector<16xf32>
            %jit3A_180 = arith.constant 0.000000e+00 : f32
            %broadcast_in_dim3A_181 = vector.broadcast %jit3A_180 : f32 to vector<16xf32>
            %select_n3A_182 = arith.select %ge3A_179, %get3A_176, %broadcast_in_dim3A_181 : vector<16xi1>, vector<16xf32>
            %swap3A_183 = arith.index_cast %scan3A_86 : i32 to index
            %swap3A_184 = arith.constant 96 : index
            %swap3A_185 = tpu.vector_load %arg4[%swap3A_183, %swap3A_184] {strides = array<i32>} : memref<224x224xf32, #tpu.memory_space<vmem>>, vector<1x16xf32>,
            %swap3A_186 = vector.shape_cast %swap3A_185 : vector<1x16xf32> to vector<16xf32>
            %swap3A_187 = vector.shape_cast %select_n3A_182 : vector<16xf32> to vector<1x16xf32>
            tpu.vector_store %arg4[%swap3A_183, %swap3A_184], %swap3A_187 {strides = array<i32>} : memref<224x224xf32, #tpu.memory_space<vmem>>, vector<1x16xf32>,
            %get3A_188 = arith.index_cast %scan3A_86 : i32 to index
            %get3A_189 = arith.constant 112 : index
            %get3A_190 = tpu.vector_load %arg4[%get3A_188, %get3A_189] {strides = array<i32>} : memref<224x224xf32, #tpu.memory_space<vmem>>, vector<1x16xf32>,
            %get3A_191 = vector.shape_cast %get3A_190 : vector<1x16xf32> to vector<16xf32>
            %ge3A_192 = arith.constant 0.000000e+00 : f32
            %ge3A_193 = vector.broadcast %ge3A_192 : f32 to vector<16xf32>
            %ge3A_194 = arith.cmpf oge, %get3A_191, %ge3A_193 : vector<16xf32>
            %jit3A_195 = arith.constant 0.000000e+00 : f32
            %broadcast_in_dim3A_196 = vector.broadcast %jit3A_195 : f32 to vector<16xf32>
            %select_n3A_197 = arith.select %ge3A_194, %get3A_191, %broadcast_in_dim3A_196 : vector<16xi1>, vector<16xf32>
            %swap3A_198 = arith.index_cast %scan3A_86 : i32 to index
            %swap3A_199 = arith.constant 112 : index
            %swap3A_200 = tpu.vector_load %arg4[%swap3A_198, %swap3A_199] {strides = array<i32>} : memref<224x224xf32, #tpu.memory_space<vmem>>, vector<1x16xf32>,
            %swap3A_201 = vector.shape_cast %swap3A_200 : vector<1x16xf32> to vector<16xf32>
            %swap3A_202 = vector.shape_cast %select_n3A_197 : vector<16xf32> to vector<1x16xf32>
            tpu.vector_store %arg4[%swap3A_198, %swap3A_199], %swap3A_202 {strides = array<i32>} : memref<224x224xf32, #tpu.memory_space<vmem>>, vector<1x16xf32>,
            %get3A_203 = arith.index_cast %scan3A_86 : i32 to index
            %get3A_204 = arith.constant 128 : index
            %get3A_205 = tpu.vector_load %arg4[%get3A_203, %get3A_204] {strides = array<i32>} : memref<224x224xf32, #tpu.memory_space<vmem>>, vector<1x16xf32>,
            %get3A_206 = vector.shape_cast %get3A_205 : vector<1x16xf32> to vector<16xf32>
            %ge3A_207 = arith.constant 0.000000e+00 : f32
            %ge3A_208 = vector.broadcast %ge3A_207 : f32 to vector<16xf32>
            %ge3A_209 = arith.cmpf oge, %get3A_206, %ge3A_208 : vector<16xf32>
            %jit3A_210 = arith.constant 0.000000e+00 : f32
            %broadcast_in_dim3A_211 = vector.broadcast %jit3A_210 : f32 to vector<16xf32>
            %select_n3A_212 = arith.select %ge3A_209, %get3A_206, %broadcast_in_dim3A_211 : vector<16xi1>, vector<16xf32>
            %swap3A_213 = arith.index_cast %scan3A_86 : i32 to index
            %swap3A_214 = arith.constant 128 : index
            %swap3A_215 = tpu.vector_load %arg4[%swap3A_213, %swap3A_214] {strides = array<i32>} : memref<224x224xf32, #tpu.memory_space<vmem>>, vector<1x16xf32>,
            %swap3A_216 = vector.shape_cast %swap3A_215 : vector<1x16xf32> to vector<16xf32>
            %swap3A_217 = vector.shape_cast %select_n3A_212 : vector<16xf32> to vector<1x16xf32>
            tpu.vector_store %arg4[%swap3A_213, %swap3A_214], %swap3A_217 {strides = array<i32>} : memref<224x224xf32, #tpu.memory_space<vmem>>, vector<1x16xf32>,
            %get3A_218 = arith.index_cast %scan3A_86 : i32 to index
            %get3A_219 = arith.constant 144 : index
            %get3A_220 = tpu.vector_load %arg4[%get3A_218, %get3A_219] {strides = array<i32>} : memref<224x224xf32, #tpu.memory_space<vmem>>, vector<1x16xf32>,
            %get3A_221 = vector.shape_cast %get3A_220 : vector<1x16xf32> to vector<16xf32>
            %ge3A_222 = arith.constant 0.000000e+00 : f32
            %ge3A_223 = vector.broadcast %ge3A_222 : f32 to vector<16xf32>
            %ge3A_224 = arith.cmpf oge, %get3A_221, %ge3A_223 : vector<16xf32>
            %jit3A_225 = arith.constant 0.000000e+00 : f32
            %broadcast_in_dim3A_226 = vector.broadcast %jit3A_225 : f32 to vector<16xf32>
            %select_n3A_227 = arith.select %ge3A_224, %get3A_221, %broadcast_in_dim3A_226 : vector<16xi1>, vector<16xf32>
            %swap3A_228 = arith.index_cast %scan3A_86 : i32 to index
            %swap3A_229 = arith.constant 144 : index
            %swap3A_230 = tpu.vector_load %arg4[%swap3A_228, %swap3A_229] {strides = array<i32>} : memref<224x224xf32, #tpu.memory_space<vmem>>, vector<1x16xf32>,
            %swap3A_231 = vector.shape_cast %swap3A_230 : vector<1x16xf32> to vector<16xf32>
            %swap3A_232 = vector.shape_cast %select_n3A_227 : vector<16xf32> to vector<1x16xf32>
            tpu.vector_store %arg4[%swap3A_228, %swap3A_229], %swap3A_232 {strides = array<i32>} : memref<224x224xf32, #tpu.memory_space<vmem>>, vector<1x16xf32>,
            %get3A_233 = arith.index_cast %scan3A_86 : i32 to index
            %get3A_234 = arith.constant 160 : index
            %get3A_235 = tpu.vector_load %arg4[%get3A_233, %get3A_234] {strides = array<i32>} : memref<224x224xf32, #tpu.memory_space<vmem>>, vector<1x16xf32>,
            %get3A_236 = vector.shape_cast %get3A_235 : vector<1x16xf32> to vector<16xf32>
            %ge3A_237 = arith.constant 0.000000e+00 : f32
            %ge3A_238 = vector.broadcast %ge3A_237 : f32 to vector<16xf32>
            %ge3A_239 = arith.cmpf oge, %get3A_236, %ge3A_238 : vector<16xf32>
            %jit3A_240 = arith.constant 0.000000e+00 : f32
            %broadcast_in_dim3A_241 = vector.broadcast %jit3A_240 : f32 to vector<16xf32>
            %select_n3A_242 = arith.select %ge3A_239, %get3A_236, %broadcast_in_dim3A_241 : vector<16xi1>, vector<16xf32>
            %swap3A_243 = arith.index_cast %scan3A_86 : i32 to index
            %swap3A_244 = arith.constant 160 : index
            %swap3A_245 = tpu.vector_load %arg4[%swap3A_243, %swap3A_244] {strides = array<i32>} : memref<224x224xf32, #tpu.memory_space<vmem>>, vector<1x16xf32>,
            %swap3A_246 = vector.shape_cast %swap3A_245 : vector<1x16xf32> to vector<16xf32>
            %swap3A_247 = vector.shape_cast %select_n3A_242 : vector<16xf32> to vector<1x16xf32>
            tpu.vector_store %arg4[%swap3A_243, %swap3A_244], %swap3A_247 {strides = array<i32>} : memref<224x224xf32, #tpu.memory_space<vmem>>, vector<1x16xf32>,
            %get3A_248 = arith.index_cast %scan3A_86 : i32 to index
            %get3A_249 = arith.constant 176 : index
            %get3A_250 = tpu.vector_load %arg4[%get3A_248, %get3A_249] {strides = array<i32>} : memref<224x224xf32, #tpu.memory_space<vmem>>, vector<1x16xf32>,
            %get3A_251 = vector.shape_cast %get3A_250 : vector<1x16xf32> to vector<16xf32>
            %ge3A_252 = arith.constant 0.000000e+00 : f32
            %ge3A_253 = vector.broadcast %ge3A_252 : f32 to vector<16xf32>
            %ge3A_254 = arith.cmpf oge, %get3A_251, %ge3A_253 : vector<16xf32>
            %jit3A_255 = arith.constant 0.000000e+00 : f32
            %broadcast_in_dim3A_256 = vector.broadcast %jit3A_255 : f32 to vector<16xf32>
            %select_n3A_257 = arith.select %ge3A_254, %get3A_251, %broadcast_in_dim3A_256 : vector<16xi1>, vector<16xf32>
            %swap3A_258 = arith.index_cast %scan3A_86 : i32 to index
            %swap3A_259 = arith.constant 176 : index
            %swap3A_260 = tpu.vector_load %arg4[%swap3A_258, %swap3A_259] {strides = array<i32>} : memref<224x224xf32, #tpu.memory_space<vmem>>, vector<1x16xf32>,
            %swap3A_261 = vector.shape_cast %swap3A_260 : vector<1x16xf32> to vector<16xf32>
            %swap3A_262 = vector.shape_cast %select_n3A_257 : vector<16xf32> to vector<1x16xf32>
            tpu.vector_store %arg4[%swap3A_258, %swap3A_259], %swap3A_262 {strides = array<i32>} : memref<224x224xf32, #tpu.memory_space<vmem>>, vector<1x16xf32>,
            %get3A_263 = arith.index_cast %scan3A_86 : i32 to index
            %get3A_264 = arith.constant 192 : index
            %get3A_265 = tpu.vector_load %arg4[%get3A_263, %get3A_264] {strides = array<i32>} : memref<224x224xf32, #tpu.memory_space<vmem>>, vector<1x16xf32>,
            %get3A_266 = vector.shape_cast %get3A_265 : vector<1x16xf32> to vector<16xf32>
            %ge3A_267 = arith.constant 0.000000e+00 : f32
            %ge3A_268 = vector.broadcast %ge3A_267 : f32 to vector<16xf32>
            %ge3A_269 = arith.cmpf oge, %get3A_266, %ge3A_268 : vector<16xf32>
            %jit3A_270 = arith.constant 0.000000e+00 : f32
            %broadcast_in_dim3A_271 = vector.broadcast %jit3A_270 : f32 to vector<16xf32>
            %select_n3A_272 = arith.select %ge3A_269, %get3A_266, %broadcast_in_dim3A_271 : vector<16xi1>, vector<16xf32>
            %swap3A_273 = arith.index_cast %scan3A_86 : i32 to index
            %swap3A_274 = arith.constant 192 : index
            %swap3A_275 = tpu.vector_load %arg4[%swap3A_273, %swap3A_274] {strides = array<i32>} : memref<224x224xf32, #tpu.memory_space<vmem>>, vector<1x16xf32>,
            %swap3A_276 = vector.shape_cast %swap3A_275 : vector<1x16xf32> to vector<16xf32>
            %swap3A_277 = vector.shape_cast %select_n3A_272 : vector<16xf32> to vector<1x16xf32>
            tpu.vector_store %arg4[%swap3A_273, %swap3A_274], %swap3A_277 {strides = array<i32>} : memref<224x224xf32, #tpu.memory_space<vmem>>, vector<1x16xf32>,
            %get3A_278 = arith.index_cast %scan3A_86 : i32 to index
            %get3A_279 = arith.constant 208 : index
            %get3A_280 = tpu.vector_load %arg4[%get3A_278, %get3A_279] {strides = array<i32>} : memref<224x224xf32, #tpu.memory_space<vmem>>, vector<1x16xf32>,
            %get3A_281 = vector.shape_cast %get3A_280 : vector<1x16xf32> to vector<16xf32>
            %ge3A_282 = arith.constant 0.000000e+00 : f32
            %ge3A_283 = vector.broadcast %ge3A_282 : f32 to vector<16xf32>
            %ge3A_284 = arith.cmpf oge, %get3A_281, %ge3A_283 : vector<16xf32>
            %jit3A_285 = arith.constant 0.000000e+00 : f32
            %broadcast_in_dim3A_286 = vector.broadcast %jit3A_285 : f32 to vector<16xf32>
            %select_n3A_287 = arith.select %ge3A_284, %get3A_281, %broadcast_in_dim3A_286 : vector<16xi1>, vector<16xf32>
            %swap3A_288 = arith.index_cast %scan3A_86 : i32 to index
            %swap3A_289 = arith.constant 208 : index
            %swap3A_290 = tpu.vector_load %arg4[%swap3A_288, %swap3A_289] {strides = array<i32>} : memref<224x224xf32, #tpu.memory_space<vmem>>, vector<1x16xf32>,
            %swap3A_291 = vector.shape_cast %swap3A_290 : vector<1x16xf32> to vector<16xf32>
            %swap3A_292 = vector.shape_cast %select_n3A_287 : vector<16xf32> to vector<1x16xf32>
            tpu.vector_store %arg4[%swap3A_288, %swap3A_289], %swap3A_292 {strides = array<i32>} : memref<224x224xf32, #tpu.memory_space<vmem>>, vector<1x16xf32>,
          }
          %scan3A_84 = arith.constant 224 : i32
          %cond3A_85 = arith.constant 0 : i32
          scf.yield %cond3A_85 : i32
        }
        "tpu.region"() ({
          %run_scoped3A = tpu.sem_alloc : memref<!tpu.dma_semaphore, #tpu.memory_space<semaphore_mem>>
          %dma_start3A = arith.constant 0 : i32
          %dma_start3A_79 = arith.constant 0 : i32
          %dma_start3A_80 = tpu.memref_slice %arg3[%select_n3A, %select_n3A_39, %dma_start3A, %dma_start3A_79] : memref<4x192x224x224xf32, #tpu.memory_space<hbm>> -> memref<1x1x224x224xf32, #tpu.memory_space<hbm>>
          %dma_start3A_81 = tpu.memref_squeeze %dma_start3A_80 : memref<1x1x224x224xf32, #tpu.memory_space<hbm>> -> memref<224x224xf32, #tpu.memory_space<hbm>>
          %dma_start3A_82 = arith.constant 0 : i32
          %dma_start3A_83 = arith.constant 0 : i32
          %dma_start3A_84 = tpu.memref_slice %arg3[%select_n3A, %select_n3A_39, %dma_start3A_82, %dma_start3A_83] : memref<4x192x224x224xf32, #tpu.memory_space<hbm>> -> memref<1x1x224x224xf32, #tpu.memory_space<hbm>>
          %dma_start3A_85 = tpu.memref_squeeze %dma_start3A_84 : memref<1x1x224x224xf32, #tpu.memory_space<hbm>> -> memref<224x224xf32, #tpu.memory_space<hbm>>
          tpu.enqueue_dma source(%arg4 : memref<224x224xf32, #tpu.memory_space<vmem>>) target(%dma_start3A_85 : memref<224x224xf32, #tpu.memory_space<hbm>>) target_semaphore(%run_scoped3A : memref<!tpu.dma_semaphore, #tpu.memory_space<semaphore_mem>>)
          %dma_wait3A = arith.constant 0 : i32
          %dma_wait3A_86 = arith.constant 0 : i32
          %dma_wait3A_87 = tpu.memref_slice %arg3[%select_n3A, %select_n3A_39, %dma_wait3A, %dma_wait3A_86] : memref<4x192x224x224xf32, #tpu.memory_space<hbm>> -> memref<1x1x224x224xf32, #tpu.memory_space<hbm>>
          %dma_wait3A_88 = tpu.memref_squeeze %dma_wait3A_87 : memref<1x1x224x224xf32, #tpu.memory_space<hbm>> -> memref<224x224xf32, #tpu.memory_space<hbm>>
          %dma_wait3A_89 = arith.constant 0 : i32
          %dma_wait3A_90 = arith.constant 0 : i32
          %dma_wait3A_91 = tpu.memref_slice %arg3[%select_n3A, %select_n3A_39, %dma_wait3A_89, %dma_wait3A_90] : memref<4x192x224x224xf32, #tpu.memory_space<hbm>> -> memref<1x1x224x224xf32, #tpu.memory_space<hbm>>
          %dma_wait3A_92 = tpu.memref_squeeze %dma_wait3A_91 : memref<1x1x224x224xf32, #tpu.memory_space<hbm>> -> memref<224x224xf32, #tpu.memory_space<hbm>>
          tpu.wait_dma2 semaphore(%run_scoped3A : memref<!tpu.dma_semaphore, #tpu.memory_space<semaphore_mem>>) src(%arg4 : memref<224x224xf32, #tpu.memory_space<vmem>>) dst(%dma_wait3A_92 : memref<224x224xf32, #tpu.memory_space<hbm>>)
          tpu.yield
        }) : () -> ()
      } else {
      }
    }
    %scan3A_5 = arith.constant 24 : i32
    return
  }
}

</mosaic_0001>

<sc_bundles>
// kernel: kernel.3.cloned.1.call-start
scs
__scs_entry_jumppad:
0x0: {  	(pc) =	sbr.rel $0x88, $3  }
0x1: {  	(tag) =	ssettag $0x0;
	lr =	simm.s32 $0x1  }
0x2: {  	[smem:$0x3FA0] =	sst lr;
	_ =	strace $0xD0000000  }
0x3: {  	_ = 	snop  }
0x4: {  	_ = 	snop  }
0x5: {  	_ = 	snop  }
0x6: {  	_ = 	snop  }
0x7: {  	_ = 	snop  }
__scs_overlays_trampoline_lowered:
0x8: {  	[smem:$0x3FAF] =	sst s0  }
0x9: {  	[smem:$0x3FB0] =	sst s1  }
0xa: {  	[smem:$0x3FB1] =	sst s2  }
0xb: {  	[smem:$0x3FB2] =	sst s3  }
0xc: {  	[smem:$0x3FB3] =	sst s4  }
0xd: {  	[smem:$0x3FB4] =	sst s5  }
0xe: {  	[smem:$0x3FB5] =	sst s6  }
0xf: {  	[smem:$0x3FB6] =	sst s7  }
0x10: {  	[smem:$0x3FB7] =	sst s8  }
0x11: {  	[smem:$0x3FB8] =	sst s9;
	s0 =	simm.s32 @!p0 $0x0  }
0x12: {  	s1 =	sld [smem:$0x3F9E];
	s0 =	simm.s32 @p0 $0x1  }
0x13: {  	[smem:$0x3FB9] =	sst s0;
	s0 =	simm.s32 @!p1 $0x0  }
0x14: {  	s2 =	sld [smem:$0x3F9D];
	s0 =	simm.s32 @p1 $0x1  }
0x15: {  	[smem:$0x3FBA] =	sst s0;
	s0 =	simm.s32 @!p2 $0x0  }
0x16: {  	s3 =	sld [smem:$0x3FDB];
	s0 =	simm.s32 @p2 $0x1  }
0x17: {  	s4 =	simm.s32 $0x1BF5;
	[smem:$0x3FBC] =	sst s0  }
0x18: {  	s0 =	sld [smem:$0x3F9F];
	_ =	swait.ge [sflag:s4], $0x0  }
0x19: {  	s7 =	sld [smem:$0x3FA0]  }
0x1a: {  	s8 =	sadd.s32 $0xFFFFE003, lr  }
0x1b: {  	s9 =	sadd.s32 $0xFFFFFEF7, lr;
	s5 =	simm.s32 $0xFFFFFFFF;
	p2 =	slt.u32 s8, $0xFFFFF086  }
0x1c: {  	p1 =	slt.u32 s9, $0xF7A;
	s5 =	simm.s32 @!p2 $0x0  }
0x1d: {  	s5 =	simm.s32 @p1 $0x1;
	p0 =	seq.s32 s7, s2  }
0x1e: {  	s7 =	smul.u32 @!p0 $0xF7A, s2;
	p2 =	seq.s32 @!p0 s5, $0x0  }
0x1f: {  	s9 =	smul.u32 $0xF7A, s1;
	s8 =	simm.s32 @!p0 $0x1BF5;
	p2 =	por !p2, p0  }
0x20: {  	[sflag:s8] =	ssyncset.s32 @!p0 $0xFFFFF086;
	s6 =	sadd.s32 @!p0 s3, s7;
	s7 =	simm.s32 @!p0 $0x108  }
0x21: {  	s3 =	sadd.s32 s3, s9;
	s6 =	sadd.s32 @!p0 $0x88, s6;
	s7 =	simm.s32 @p2 $0x1082  }
0x22: {  	[simem:s7], [sflag:s8] =	dma.local @!p0 [hbm:s6], $0xF7A  }
0x23: {  	s9 =	sor.u32 $0xD0000000, s2;
	s6 =	simm.s32 $0x108;
	_ =	swait.ge @!p0 [sflag:s8], $0x0  }
0x24: {  	s3 =	sadd.s32 $0x88, s3;
	s6 =	simm.s32 @!p1 $0x1082;
	[sflag:s4] =	ssyncset.s32 $0xFFFFF086  }
0x25: {  	[simem:s6], [sflag:s4] =	dma.local [hbm:s3], $0xF7A  }
0x26: {  	[smem:$0x3FA0] =	sst s1;
	(tag) =	ssettag s2;
	_ =	strace s9  }
0x27: {  	s1 =	sld [smem:$0x3FB0]  }
0x28: {  	s2 =	sld [smem:$0x3FB1]  }
0x29: {  	s4 =	sld [smem:$0x3FB3]  }
0x2a: {  	p0 =	seq.s32 s5, $0x0;
	s5 =	sld [smem:$0x3FB4]  }
0x2b: {  	s6 =	sld [smem:$0x3FB5]  }
0x2c: {  	s7 =	sld [smem:$0x3FB6]  }
0x2d: {  	s3 =	simm.s32 $0x108;
	s8 =	sld [smem:$0x3FB7]  }
0x2e: {  	s3 =	simm.s32 @!p0 $0x1082;
	s9 =	sld [smem:$0x3FB8]  }
0x2f: {  	lr =	sadd.s32 s0, s3;
	s0 =	sld [smem:$0x3FAF]  }
0x30: {  	s3 =	sld [smem:$0x3FB2]  }
0x31: {  	[smem:$0x3FBB] =	sst s10  }
0x32: {  	s10 =	sld [smem:$0x3FB9];
	_ =	sdelay $0x3  }
0x33: {  	p0 =	seq.s32 s10, $0x1;
	s10 =	sld [smem:$0x3FBB];
	_ =	sdelay $0x3  }
0x34: {  	[smem:$0x3FBB] =	sst s10  }
0x35: {  	s10 =	sld [smem:$0x3FBA];
	_ =	sdelay $0x3  }
0x36: {  	p1 =	seq.s32 s10, $0x1;
	s10 =	sld [smem:$0x3FBB];
	_ =	sdelay $0x3  }
0x37: {  	[smem:$0x3FBB] =	sst s10  }
0x38: {  	s10 =	sld [smem:$0x3FBC]  }
0x39: {  	_ = 	snop;
	(pc) =	sbr.ind lr, $3  }
0x3a: {  	_ = 	snop  }
0x3b: {  	_ = 	snop  }
0x3c: {  	p2 =	seq.s32 s10, $0x1;
	s10 =	sld [smem:$0x3FBB]  }
0x3d: {  	_ =	shalt  }
0x3e: {  	_ =	shalt  }
0x3f: {  	_ =	shalt  }
0x40: {  	_ =	shalt  }
0x41: {  	_ =	shalt  }
0x42: {  	_ =	shalt  }
0x43: {  	_ =	shalt  }
0x44: {  	_ =	shalt  }
0x45: {  	_ =	shalt  }
0x46: {  	_ =	shalt  }
0x47: {  	_ =	shalt  }
0x48: {  	_ =	shalt  }
0x49: {  	_ =	shalt  }
0x4a: {  	_ =	shalt  }
0x4b: {  	_ =	shalt  }
0x4c: {  	_ =	shalt  }
0x4d: {  	_ =	shalt  }
0x4e: {  	_ =	shalt  }
0x4f: {  	_ =	shalt  }
0x50: {  	_ =	shalt  }
0x51: {  	_ =	shalt  }
0x52: {  	_ =	shalt  }
0x53: {  	_ =	shalt  }
0x54: {  	_ =	shalt  }
0x55: {  	_ =	shalt  }
0x56: {  	_ =	shalt  }
0x57: {  	_ =	shalt  }
0x58: {  	_ =	shalt  }
0x59: {  	_ =	shalt  }
0x5a: {  	_ =	shalt  }
0x5b: {  	_ =	shalt  }
0x5c: {  	_ =	shalt  }
0x5d: {  	_ =	shalt  }
0x5e: {  	_ =	shalt  }
0x5f: {  	_ =	shalt  }
0x60: {  	_ =	shalt  }
0x61: {  	_ =	shalt  }
0x62: {  	_ =	shalt  }
0x63: {  	_ =	shalt  }
0x64: {  	_ =	shalt  }
0x65: {  	_ =	shalt  }
0x66: {  	_ =	shalt  }
0x67: {  	_ =	shalt  }
0x68: {  	_ =	shalt  }
0x69: {  	_ =	shalt  }
0x6a: {  	_ =	shalt  }
0x6b: {  	_ =	shalt  }
0x6c: {  	_ =	shalt  }
0x6d: {  	_ =	shalt  }
0x6e: {  	_ =	shalt  }
0x6f: {  	_ =	shalt  }
0x70: {  	_ =	shalt  }
0x71: {  	_ =	shalt  }
0x72: {  	_ =	shalt  }
0x73: {  	_ =	shalt  }
0x74: {  	_ =	shalt  }
0x75: {  	_ =	shalt  }
0x76: {  	_ =	shalt  }
0x77: {  	_ =	shalt  }
0x78: {  	_ =	shalt  }
0x79: {  	_ =	shalt  }
0x7a: {  	_ =	shalt  }
0x7b: {  	_ =	shalt  }
0x7c: {  	_ =	shalt  }
0x7d: {  	_ =	shalt  }
0x7e: {  	_ =	shalt  }
0x7f: {  	_ =	shalt  }
0x80: {  	_ =	shalt  }
0x81: {  	_ =	shalt  }
0x82: {  	_ =	shalt  }
0x83: {  	_ =	shalt  }
0x84: {  	_ =	shalt  }
0x85: {  	_ =	shalt  }
0x86: {  	_ =	shalt  }
0x87: {  	_ =	shalt  }
.Lfunc_end0:
.L_simem_size_0:
called_computation_lowered:
.L_overlay_start_0:
0x88: {  	s2 =	sld [smem:$0x3FD9]  }
0x89: {  	s3 =	sld [smem:$0x3FFE];
	_ =	sdelay $0x1  }
0x8a: {  	s1 =	srdreg.scid  }
0x8b: {  	s0 =	sand.u32 $0x1, s1  }
0x8c: {  	s18 =	sshll.u32 s0, $0xA;
	s2 =	sadd.s32 s3, s2  }
0x8d: {  	s2 =	sadd.s32 s2, s18  }
0x8e: {  	[smem:$0x3FC7] =	sst s2  }
0x8f: {  	_ = 	snop  }
0x90: {  	s2 =	sld [smem:$0x3FC9]  }
0x91: {  	s19 =	sld [smem:$0x3FD0];
	(tm) =	ssettm $0x1  }
0x92: {  	s4 =	sld [smem:$0x3FFB];
	_ =	sdelay $0x3  }
0x93: {  	_ =	strace s4  }
0x94: {  	s4 =	sld [smem:$0x3FFC];
	_ =	sdelay $0x3  }
0x95: {  	_ =	strace s4  }
0x96: {  	s4 =	sld [smem:$0x3FFD];
	_ =	sdelay $0x3  }
0x97: {  	_ =	strace s4  }
0x98: {  	_ =	strace $0x8FFFFFFF  }
0x99: {  	s20 =	sld [smem:$0x3FDB];
	_ =	sdelay $0x1  }
0x9a: {  	s5 =	simm.s32 $_scs_section_size  }
0x9b: {  	s6 =	simm.s32 $_size__tile_overlayer_lowered;
	s7 =	simm.s32 $_tile_overlayer_lowered  }
0x9c: {  	s23 =	simm.s32 $0x1BFF;
	s22 =	sshll.u32 s7, $0x1;
	s4 =	sadd.s32 s5, s20  }
0x9d: {  	s8 =	simm.s32 $0x0;
	s21 =	sshll.u32 s6, $0x1;
	s6 =	sadd.s32 s22, s4  }
0x9e: {  	[timem:s8], [sflag:s23] =	dma.local [hbm:s6], s21  }
0x9f: {  	_ =	swait.ge [sflag:s23], s21  }
0xa0: {  	s5 =	ssub.s32 $0x0, s21;
	[sflag:s23] =	ssyncset.done $0x0  }
0xa1: {  	[sflag:s23] =	ssyncadd.s32 s5;
	_ =	sdelay $0x1  }
0xa2: {  	s24 =	simm.s32 $0x1B8B  }
0xa3: {  	_ =	swait.ge [sflag:s24], $0x1  }
0xa4: {  	[sflag:s24] =	ssyncset.done $0x0  }
0xa5: {  	s25 =	simm.s32 $0x1B8E;
	[sflag:s24] =	ssyncadd.s32 $0xFFFFFFFF  }
0xa6: {  	s26 =	simm.s32 $execute0_lowered;
	[smem:$0x3FD2] =	sst s25  }
0xa7: {  	s5 =	sshll.u32 s26, $0x1;
	_ =	strace $0x80000046;
	[dreg:$0x1] =	wrdreg $0xFFFFFFFF  }
0xa8: {  	s28 =	simm.s32 $_size_execute0_lowered;
	s4 =	sadd.s32 s4, s5;
	[dreg:$0x0] =	wrdreg $0x0  }
0xa9: {  	s5 =	sshll.u32 s28, $0x1;
	[dreg:$0x2] =	wrdreg s4  }
0xaa: {  	[dreg:$0x3] =	wrdreg s5  }
0xab: {  	[dreg:$0x4] =	wrdreg $0xC0  }
0xac: {  	_ =	task [dreg:s8], $0x5FFFF  }
0xad: {  	[dreg:$0x1] =	wrdreg $0xFFFFFFFF  }
0xae: {  	[dreg:$0x0] =	wrdreg $0x60  }
0xaf: {  	[dreg:$0x2] =	wrdreg s2  }
0xb0: {  	[dreg:$0x3] =	wrdreg s19  }
0xb1: {  	[dreg:$0x4] =	wrdreg $0x9  }
0xb2: {  	_ =	task.clear_ibuf [dreg:s8], $0x5FFFF;
	_ =	strace $0x90000046  }
0xb3: {  	s29 =	simm.s32 $0x9;
	_ =	strace $0x80000048  }
0xb4: {  	_ =	swait.ge [sflag:s29], $0x1  }
0xb5: {  	[sflag:s29] =	ssyncadd.s32 $0xFFFFFFFF  }
0xb6: {  	_ =	strace $0x90000048  }
0xb7: {  	_ =	sfence  }
0xb8: {  	s30 =	sld [smem:$0x0];
	_ =	sdelay $0x2  }
0xb9: {  	s31 =	sshll.u32 s1, $0xD;
	s1 =	sshrl.u32 s1, $0x2  }
0xba: {  	s3 =	sand.u32 $0x4000, s31;
	s1 =	sadd.s32 s1, s30  }
0xbb: {  	s0 =	sor.u32 s3, s0;
	s1 =	sshll.u32 s1, $0x11  }
0xbc: {  	s0 =	sor.u32 s1, s0  }
0xbd: {  	s0 =	sadd.s32 $0x8F2B, s0  }
0xbe: {  	[sflag:s0] =	ssyncadd.remote.s32 $0x1  }
0xbf: {  	_ =	sfence.sel $0xFFFF  }
0xc0: {  	[dreg:$0x0] =	wrdreg $0xFFFFFFFF;
	(pc) =	sbr.abs _section_cstart, $3  }
0xc1: {  	[dreg:$0x1] =	wrdreg $0xFFFFFFFF  }
0xc2: {  	_ =	task.clear_ibuf [dreg:s8], $0x2FFFF;
	_ =	strace $0x9FFFFFFF  }
0xc3: {  	(tm) =	ssettm $0x7FFFFFFF  }
tec
execute0_lowered:
.L_overlay_start_1:
0x0: {  	(tag) =	ssettag $0x1  }
0x1: {  	v0 =	vimm.s32 $0xEFCDAB89;
	s0 =	rddreg [dreg:$0x0];
	v1 =	vimm.s32 $0x67452301  }
0x2: {  	v2 =	vimm.s32 $0xDCFE98BA;
	v3 =	vimm.s32 $0x54761032;
	s2 =	rddreg [dreg:$0x1];
	v0 =	vunpack.c.l.s4.s8 v0  }
0x3: {  	s3 =	srdreg.scid;
	s1 =	rddreg [dreg:$0x2];
	v1 =	vunpack.c.l.s4.s8 v1;
	v2 =	vunpack.c.l.s4.s8 v2;
	v3 =	vunpack.c.l.s4.s8 v3  }
0x4: {  	s4 =	simm.s32 $0x0;
	s9 =	simm.s32 $0x1;
	s10 =	simm.s32 $0x0;
	v0 =	vunpack.c.0.s8.s32 v0  }
.Ltmp0:
0x5: {  	s5 =	sand.u32 $0x1, s3;
	[smem:$0x7FF] =	sst s4;
	v1 =	vunpack.c.0.s8.s32 v1;
	v2 =	vunpack.c.0.s8.s32 v2;
	v3 =	vunpack.c.0.s8.s32 v3;
	(pc) =	sbr.rel .LBB2_1-.Ltmp0, $4  }
0x6: {  	s3 =	stileid.u32;
	s6 =	ssub.s32 $0x2, s5;
	_ =	strace $0x80000047  }
0x7: {  	s8 =	sshll.u32 s3, $0x1;
	s31 =	sshll.u32 s3, $0x6;
	s7 =	sshrl.u32 s6, $0x1;
	v0 =	vcombine.low v1, v0;
	v1 =	vcombine.low v3, v2  }
0x8: {  	s5 =	sor.u32 s5, s8;
	s8 =	simm.s32 $0x2;
	s6 =	ssub.s32 s6, s7  }
0x9: {  	s5 =	smul.u32 $0x18, s5;
	s7 =	sor.u32 $0x1C02, s31;
	s6 =	smax.u32 s6, $0x1;
	v0 =	vand.u32 $0xF, v0;
	v1 =	vand.u32 $0xF, v1  }
.LBB2_16:
0xa: {  	s10 =	sadd.s32 $0x1, s10  }
0xb: {  	p0 =	sne.s32 s10, s6  }
.Ltmp1:
0xc: {  	_ = 	snop;
	(pc) =	sbr.rel @!p0 .LBB2_17-.Ltmp1, $1  }
0xd: {  	_ =	sdelay $0x3  }
.LBB2_1:
.Ltmp2:
0xe: {  	(pc) =	sbr.rel .LBB2_2-.Ltmp2, $2  }
0xf: {  	_ =	sdelay $0x2  }
0x10: {  	s11 =	simm.s32 $0x0  }
.LBB2_3:
0x11: {  	s13 =	sadd.s32 s2, s12;
	s31 =	sadd.s32 s0, s12  }
0x12: {  	[hbm:s13], [sflag:s7] =	dma.local [hbm:s31], $0x1C00  }
0x13: {  	_ =	swait.ge [sflag:s8], $0x1C00  }
0x14: {  	[sflag:s8] =	ssyncset.done $0x0  }
0x15: {  	[sflag:s8] =	ssyncadd.s32 $0xFFFFE400  }
.LBB2_15:
0x16: {  	s11 =	sadd.s32 $0x1, s11  }
0x17: {  	p0 =	sne.s32 s11, $0x18  }
.Ltmp3:
0x18: {  	_ = 	snop;
	(pc) =	sbr.rel @!p0 .LBB2_16-.Ltmp3, $1  }
0x19: {  	_ =	sdelay $0x3  }
.LBB2_2:
0x1a: {  	s12 =	sadd.s32 s5, s11  }
0x1b: {  	s13 =	smulhi.u32 $0xAAAAAAAB, s12;
	_ =	sdelay $0x1  }
0x1c: {  	s13 =	sshrl.u32 s13, $0x7  }
0x1d: {  	s14 =	smul.u32 $0xC0, s13;
	_ =	sdelay $0x1  }
0x1e: {  	s14 =	ssub.s32 s12, s14  }
0x1f: {  	s30 =	smul.u32 $0xA80000, s13;
	p0 =	slt.u32 s14, $0x90  }
.Ltmp4:
0x20: {  	_ = 	snop;
	(pc) =	sbr.rel @!p0 .LBB2_3-.Ltmp4, $3  }
0x21: {  	s31 =	smul.u32 $0xE000, s14;
	_ =	sdelay $0x1  }
0x22: {  	s12 =	sadd.s32 s31, s30  }
0x23: {  	s12 =	sshrl.u32 s12, $0x3  }
0x24: {  	p0 =	slt.u32 s14, $0x30  }
.Ltmp5:
0x25: {  	s15 =	sadd.s32 s0, s12;
	s13 =	simm.s32 $0x0;
	(pc) =	sbr.rel @!p0 .LBB2_5-.Ltmp5, $4  }
0x26: {  	[tilespmem:s13], [sflag:$0x2] =	stream.linear.gather [hbm4b:s15+s13], $0xE000, $0x38;
	[tilespmem:$0xE000] =	vst v63  }
0x27: {  	_ =	swait.ge [sflag:s8], $0xE000  }
0x28: {  	[sflag:s8] =	ssyncset.done $0x0  }
0x29: {  	[sflag:s8] =	ssyncadd.s32 $0xFFFF2000  }
0x2a: {  	s14 =	sand.u32 $0xF800, s13;
	s31 =	sand.u32 $0x380, s13  }
0x2b: {  	s13 =	sor.u32 s31, s14  }
0x2c: {  	v2 =	vld [tilespmem:s13+$0x0]  }
0x2d: {  	v3 =	vld [tilespmem:s13+$0x10]  }
0x2e: {  	v5 =	vld [tilespmem:s13+$0x20]  }
0x2f: {  	v6 =	vld [tilespmem:s13+$0x30]  }
0x30: {  	v7 =	vld [tilespmem:s13+$0x40]  }
0x31: {  	v8 =	vld [tilespmem:s13+$0x50];
	vm0 =	vge.f32 v2, $0.0e+00  }
0x32: {  	v4 =	vnsel vm0, $0x0, v2;
	vm0 =	vge.f32 v3, $0.0e+00;
	v2 =	vld [tilespmem:s13+$0x60]  }
0x33: {  	[tilespmem:s13+$0x0] =	vst v4;
	v3 =	vnsel vm0, $0x0, v3;
	vm0 =	vge.f32 v5, $0.0e+00;
	v4 =	vld [tilespmem:s13+$0x70]  }
0x34: {  	[tilespmem:s13+$0x10] =	vst v3;
	v5 =	vnsel vm0, $0x0, v5;
	vm0 =	vge.f32 v6, $0.0e+00;
	v3 =	vld [tilespmem:s13+$0x400]  }
0x35: {  	[tilespmem:s13+$0x20] =	vst v5;
	v6 =	vnsel vm0, $0x0, v6;
	vm0 =	vge.f32 v7, $0.0e+00;
	v5 =	vld [tilespmem:s13+$0x410]  }
0x36: {  	[tilespmem:s13+$0x30] =	vst v6;
	v7 =	vnsel vm0, $0x0, v7;
	vm0 =	vge.f32 v8, $0.0e+00;
	v6 =	vld [tilespmem:s13+$0x420]  }
0x37: {  	s15 =	simm.s32 $0x100;
	s14 =	simm.s32 $0x80;
	[tilespmem:s13+$0x40] =	vst v7;
	v8 =	vnsel vm0, $0x0, v8;
	vm0 =	vge.f32 v2, $0.0e+00;
	v7 =	vld [tilespmem:s13+$0x430]  }
.LBB2_12:
0x38: {  	s16 =	sand.u32 $0xF800, s15;
	s17 =	sand.u32 $0x380, s14;
	p0 =	sne.s32 s15, $0xDF00;
	[tilespmem:s13+$0x50] =	vst v8;
	v2 =	vnsel vm0, $0x0, v2;
	vm0 =	vge.f32 v4, $0.0e+00;
	v8 =	vld [tilespmem:s13+$0x440]  }
0x39: {  	s16 =	sor.u32 s17, s16;
	[tilespmem:s13+$0x60] =	vst v2;
	v2 =	vnsel vm0, $0x0, v4;
	vm0 =	vge.f32 v3, $0.0e+00;
	v4 =	vld [tilespmem:s13+$0x450]  }
0x3a: {  	v9 =	vld [tilespmem:s16+$0x0];
	[tilespmem:s13+$0x70] =	vst v2;
	v2 =	vnsel vm0, $0x0, v3;
	vm0 =	vge.f32 v5, $0.0e+00  }
0x3b: {  	v3 =	vld [tilespmem:s16+$0x10];
	[tilespmem:s13+$0x400] =	vst v2;
	v2 =	vnsel vm0, $0x0, v5;
	vm0 =	vge.f32 v6, $0.0e+00  }
0x3c: {  	v5 =	vld [tilespmem:s16+$0x20];
	[tilespmem:s13+$0x410] =	vst v2;
	v2 =	vnsel vm0, $0x0, v6;
	vm0 =	vge.f32 v7, $0.0e+00  }
0x3d: {  	v6 =	vld [tilespmem:s16+$0x30];
	[tilespmem:s13+$0x420] =	vst v2;
	v2 =	vnsel vm0, $0x0, v7;
	vm0 =	vge.f32 v8, $0.0e+00  }
0x3e: {  	v7 =	vld [tilespmem:s16+$0x40];
	[tilespmem:s13+$0x430] =	vst v2;
	v2 =	vnsel vm0, $0x0, v8;
	vm0 =	vge.f32 v4, $0.0e+00  }
0x3f: {  	vm1 =	vge.f32 v9, $0.0e+00;
	v8 =	vld [tilespmem:s16+$0x50];
	[tilespmem:s13+$0x440] =	vst v2;
	v4 =	vnsel vm0, $0x0, v4  }
0x40: {  	v9 =	vnsel vm1, $0x0, v9;
	vm0 =	vge.f32 v3, $0.0e+00;
	v2 =	vld [tilespmem:s16+$0x60];
	[tilespmem:s13+$0x450] =	vst v4;
	s13 =	smov.u32 s16  }
.Ltmp6:
0x41: {  	[tilespmem:s13+$0x0] =	vst v9;
	v3 =	vnsel vm0, $0x0, v3;
	vm0 =	vge.f32 v5, $0.0e+00;
	v4 =	vld [tilespmem:s13+$0x70];
	(pc) =	sbr.rel @p0 .LBB2_12-.Ltmp6, $4  }
0x42: {  	[tilespmem:s13+$0x10] =	vst v3;
	v5 =	vnsel vm0, $0x0, v5;
	vm0 =	vge.f32 v6, $0.0e+00;
	v3 =	vld [tilespmem:s13+$0x400]  }
0x43: {  	[tilespmem:s13+$0x20] =	vst v5;
	v6 =	vnsel vm0, $0x0, v6;
	vm0 =	vge.f32 v7, $0.0e+00;
	v5 =	vld [tilespmem:s13+$0x410]  }
0x44: {  	[tilespmem:s13+$0x30] =	vst v6;
	v7 =	vnsel vm0, $0x0, v7;
	vm0 =	vge.f32 v8, $0.0e+00;
	v6 =	vld [tilespmem:s13+$0x420]  }
0x45: {  	s14 =	sadd.s32 $0x80, s14;
	s15 =	sadd.s32 $0x100, s15;
	[tilespmem:s13+$0x40] =	vst v7;
	v8 =	vnsel vm0, $0x0, v8;
	vm0 =	vge.f32 v2, $0.0e+00;
	v7 =	vld [tilespmem:s13+$0x430]  }
0x46: {  	[tilespmem:s13+$0x50] =	vst v8;
	v2 =	vnsel vm0, $0x0, v2;
	vm9 =	vge.f32 v4, $0.0e+00;
	v62 =	vld [tilespmem:s13+$0x440]  }
0x47: {  	v63 =	vld [tilespmem:s13+$0x450];
	[tilespmem:s13+$0x60] =	vst v2;
	v2 =	vnsel vm9, $0x0, v4;
	vm10 =	vge.f32 v3, $0.0e+00  }
0x48: {  	[tilespmem:s13+$0x70] =	vst v2;
	v2 =	vnsel vm10, $0x0, v3;
	vm11 =	vge.f32 v5, $0.0e+00  }
0x49: {  	[tilespmem:s13+$0x400] =	vst v2;
	v2 =	vnsel vm11, $0x0, v5;
	vm12 =	vge.f32 v6, $0.0e+00  }
.Ltmp7:
0x4a: {  	[tilespmem:s13+$0x410] =	vst v2;
	v2 =	vnsel vm12, $0x0, v6;
	vm13 =	vge.f32 v7, $0.0e+00;
	(pc) =	sbr.rel .LBB2_14-.Ltmp7, $4  }
0x4b: {  	[tilespmem:s13+$0x420] =	vst v2;
	v2 =	vnsel vm13, $0x0, v7;
	vm14 =	vge.f32 v62, $0.0e+00  }
0x4c: {  	vm15 =	vge.f32 v63, $0.0e+00;
	[tilespmem:s13+$0x430] =	vst v2;
	v2 =	vnsel vm14, $0x0, v62  }
0x4d: {  	[tilespmem:s13+$0x440] =	vst v2;
	v2 =	vnsel vm15, $0x0, v63  }
0x4e: {  	[tilespmem:s13+$0x450] =	vst v2  }
.LBB2_5:
0x4f: {  	p1 =	slt.u32 s14, $0x60  }
.Ltmp8:
0x50: {  	_ = 	snop;
	(pc) =	sbr.rel @!p1 .LBB2_6-.Ltmp8, $2  }
0x51: {  	_ =	sdelay $0x2  }
0x52: {  	p0 =	por $0x0, $0x0  }
0x53: {  	s14 =	sand.u32 $0xF800, s13;
	s31 =	sand.u32 $0x300, s13  }
0x54: {  	s13 =	sor.u32 s31, s14  }
0x55: {  	v11 =	vld [tilespmem:s13+$0xD0]  }
0x56: {  	v13 =	vld [tilespmem:s13+$0x430]  }
0x57: {  	v20 =	vld [tilespmem:s13+$0x50]  }
0x58: {  	v17 =	vld [tilespmem:s13+$0x4B0]  }
0x59: {  	v14 =	vld [tilespmem:s13+$0xC0]  }
0x5a: {  	v21 =	vld [tilespmem:s13+$0x40]  }
0x5b: {  	v8 =	vld [tilespmem:s13+$0x80]  }
0x5c: {  	v12 =	vld [tilespmem:s13+$0x10]  }
0x5d: {  	v6 =	vld [tilespmem:s13+$0x480]  }
0x5e: {  	v10 =	vld [tilespmem:s13+$0x400]  }
0x5f: {  	v25 =	vld [tilespmem:s13+$0x60]  }
0x60: {  	v16 =	vld [tilespmem:s13+$0x90]  }
0x61: {  	v32 =	vld [tilespmem:s13+$0xE0]  }
0x62: {  	v15 =	vld [tilespmem:s13+$0x0]  }
0x63: {  	v7 =	vld [tilespmem:s13+$0xB0];
	v4 =	vadd.f32 v17, v13  }
0x64: {  	v3 =	vld [tilespmem:s13+$0x20];
	v9 =	vadd.f32 v14, v21  }
0x65: {  	v5 =	vld [tilespmem:s13+$0x440];
	v19 =	vadd.f32 v6, v10;
	v22 =	vadd.f32 v11, v20;
	v18 =	vperm.xlane v4, v0  }
0x66: {  	v2 =	vld [tilespmem:s13+$0x30];
	v29 =	vadd.f32 v32, v25;
	v28 =	vadd.f32 v16, v12;
	v23 =	vperm.xlane v9, v0  }
0x67: {  	v24 =	vperm.xlane v19, v0;
	v26 =	vperm.xlane v22, v0;
	v18 =	vadd.f32 v18, v4;
	v4 =	vld [tilespmem:s13+$0xA0]  }
0x68: {  	v27 =	vadd.f32 v8, v15;
	v31 =	vperm.xlane v29, v0;
	v23 =	vadd.f32 v23, v9;
	v9 =	vld [tilespmem:s13+$0x4C0]  }
0x69: {  	v30 =	vperm.xlane v28, v0;
	v22 =	vadd.f32 v26, v22;
	v24 =	vadd.f32 v24, v19;
	v19 =	vld [tilespmem:s13+$0x410]  }
0x6a: {  	v29 =	vadd.f32 v31, v29;
	vm1 =	vge.f32 v18, $0.0e+00;
	v18 =	vld [tilespmem:s13+$0x70];
	vm0 =	vge.f32 v23, $0.0e+00  }
0x6b: {  	vm2 =	vge.f32 v22, $0.0e+00;
	v22 =	vld [tilespmem:s13+$0xF0];
	v26 =	vnsel vm1, $0x0, v17;
	v13 =	vnsel vm1, $0x0, v13  }
0x6c: {  	v17 =	vld [tilespmem:s13+$0x490];
	v31 =	vnsel vm0, $0x0, v21;
	v23 =	vnsel vm2, $0x0, v20;
	v11 =	vnsel vm2, $0x0, v11;
	[tilespmem:s13+$0x430] =	vst v13  }
0x6d: {  	v20 =	vperm.xlane v27, v0;
	vm1 =	vge.f32 v29, $0.0e+00;
	v29 =	vadd.f32 v7, v2;
	[tilespmem:s13+$0xD0] =	vst v11;
	v11 =	vld [tilespmem:s13+$0x450]  }
0x6e: {  	s17 =	simm.s32 $0x100;
	s14 =	simm.s32 $0x200;
	[tilespmem:s13+$0x40] =	vst v31;
	v31 =	vnsel vm1, $0x0, v25;
	v25 =	vnsel vm1, $0x0, v32;
	v13 =	vld [tilespmem:s13+$0x4D0];
	v21 =	vadd.f32 v9, v5  }
.LBB2_9:
0x6f: {  	s15 =	smov.u32 s17  }
0x70: {  	s16 =	sand.u32 $0xF800, s14;
	s18 =	sand.u32 $0x300, s17;
	v27 =	vadd.f32 v20, v27;
	v28 =	vadd.f32 v30, v28;
	v14 =	vnsel vm0, $0x0, v14;
	[tilespmem:s13+$0x60] =	vst v31;
	v30 =	vld [tilespmem:s13+$0x4A0];
	s15 =	sadd.s32 $0x100, s17  }
0x71: {  	p0 =	seq.s32 s17, $0x6F00;
	v31 =	vadd.f32 v4, v3;
	s16 =	sor.u32 s18, s16;
	v32 =	vperm.xlane v29, v0;
	v33 =	vadd.f32 v17, v19;
	[tilespmem:s13+$0xC0] =	vst v14;
	v34 =	vld [tilespmem:s13+$0x420]  }
0x72: {  	vm0 =	vge.f32 v27, $0.0e+00;
	vm1 =	vge.f32 v28, $0.0e+00;
	v27 =	vadd.f32 v22, v18;
	v20 =	vld [tilespmem:s16+$0xD0];
	[tilespmem:s13+$0x50] =	vst v23  }
0x73: {  	v12 =	vnsel vm1, $0x0, v12;
	v14 =	vnsel vm1, $0x0, v16;
	v16 =	vperm.xlane v31, v0;
	v23 =	vld [tilespmem:s16+$0x430];
	[tilespmem:s13+$0x4B0] =	vst v26  }
0x74: {  	v26 =	vadd.f32 v32, v29;
	v28 =	vperm.xlane v27, v0;
	v29 =	vadd.f32 v13, v11;
	v35 =	vld [tilespmem:s16+$0x50];
	[tilespmem:s13+$0x90] =	vst v14  }
0x75: {  	v15 =	vnsel vm0, $0x0, v15;
	vm1 =	vge.f32 v24, $0.0e+00;
	v32 =	vld [tilespmem:s16+$0x4B0];
	[tilespmem:s13+$0x10] =	vst v12;
	v12 =	vperm.xlane v33, v0  }
0x76: {  	v8 =	vnsel vm0, $0x0, v8;
	v14 =	vld [tilespmem:s16+$0xC0];
	[tilespmem:s13+$0x0] =	vst v15;
	v15 =	vadd.f32 v28, v27;
	v24 =	vadd.f32 v30, v34  }
0x77: {  	v10 =	vnsel vm1, $0x0, v10;
	v28 =	vperm.xlane v21, v0;
	v36 =	vld [tilespmem:s16+$0x40];
	[tilespmem:s13+$0x80] =	vst v8;
	v27 =	vadd.f32 v12, v33  }
0x78: {  	v6 =	vnsel vm1, $0x0, v6;
	v8 =	vld [tilespmem:s16+$0x80];
	vm0 =	vge.f32 v15, $0.0e+00;
	[tilespmem:s13+$0x400] =	vst v10;
	v10 =	vperm.xlane v24, v0  }
0x79: {  	v15 =	vadd.f32 v16, v31;
	v12 =	vld [tilespmem:s16+$0x10];
	v16 =	vnsel vm0, $0x0, v18;
	v18 =	vnsel vm0, $0x0, v22;
	[tilespmem:s13+$0x480] =	vst v6  }
0x7a: {  	v21 =	vadd.f32 v28, v21;
	vm1 =	vge.f32 v27, $0.0e+00;
	v6 =	vld [tilespmem:s16+$0x480];
	[tilespmem:s13+$0xE0] =	vst v25;
	v22 =	vadd.f32 v10, v24  }
0x7b: {  	vm0 =	vge.f32 v26, $0.0e+00;
	v17 =	vnsel vm1, $0x0, v17;
	v10 =	vld [tilespmem:s16+$0x400];
	[tilespmem:s13+$0xF0] =	vst v18;
	v18 =	vnsel vm1, $0x0, v19  }
0x7c: {  	v7 =	vnsel vm0, $0x0, v7;
	vm2 =	vge.f32 v21, $0.0e+00;
	vm1 =	vge.f32 v15, $0.0e+00;
	v25 =	vld [tilespmem:s16+$0x60];
	[tilespmem:s13+$0x70] =	vst v16  }
0x7d: {  	v3 =	vnsel vm1, $0x0, v3;
	vm3 =	vge.f32 v22, $0.0e+00;
	v16 =	vld [tilespmem:s16+$0x90];
	[tilespmem:s13+$0x410] =	vst v18;
	v18 =	vperm.xlane v29, v0  }
0x7e: {  	v5 =	vnsel vm2, $0x0, v5;
	v19 =	vnsel vm3, $0x0, v34;
	v21 =	vnsel vm3, $0x0, v30;
	v15 =	vld [tilespmem:s16+$0x0];
	[tilespmem:s13+$0xB0] =	vst v7  }
0x7f: {  	v9 =	vnsel vm2, $0x0, v9;
	v22 =	vadd.f32 v32, v23;
	v33 =	vld [tilespmem:s16+$0xE0];
	[tilespmem:s13+$0x490] =	vst v17;
	v17 =	vadd.f32 v18, v29  }
0x80: {  	v2 =	vnsel vm0, $0x0, v2;
	v4 =	vnsel vm1, $0x0, v4;
	v18 =	vadd.f32 v14, v36;
	v7 =	vld [tilespmem:s16+$0xB0];
	[tilespmem:s13+$0x20] =	vst v3  }
0x81: {  	v26 =	vperm.xlane v22, v0;
	v24 =	vadd.f32 v6, v10;
	v3 =	vld [tilespmem:s16+$0x20];
	[tilespmem:s13+$0x440] =	vst v5;
	vm0 =	vge.f32 v17, $0.0e+00  }
0x82: {  	v29 =	vadd.f32 v20, v35;
	v17 =	vperm.xlane v18, v0;
	v5 =	vld [tilespmem:s16+$0x440];
	[tilespmem:s13+$0x30] =	vst v2;
	v11 =	vnsel vm0, $0x0, v11  }
0x83: {  	v22 =	vadd.f32 v26, v22;
	v31 =	vperm.xlane v24, v0;
	v13 =	vnsel vm0, $0x0, v13;
	v2 =	vld [tilespmem:s16+$0x30];
	[tilespmem:s13+$0xA0] =	vst v4  }
0x84: {  	v26 =	vperm.xlane v29, v0;
	v27 =	vadd.f32 v8, v15;
	v4 =	vld [tilespmem:s16+$0xA0];
	v34 =	vadd.f32 v33, v25;
	[tilespmem:s13+$0x4C0] =	vst v9  }
0x85: {  	v28 =	vadd.f32 v16, v12;
	vm1 =	vge.f32 v22, $0.0e+00;
	v17 =	vadd.f32 v17, v18;
	v9 =	vld [tilespmem:s16+$0x4C0];
	[tilespmem:s13+$0x4A0] =	vst v21  }
0x86: {  	v21 =	vadd.f32 v26, v29;
	v26 =	vnsel vm1, $0x0, v32;
	v22 =	vperm.xlane v34, v0;
	v18 =	vld [tilespmem:s16+$0x70];
	[tilespmem:s13+$0x420] =	vst v19  }
.Ltmp9:
0x87: {  	v30 =	vperm.xlane v28, v0;
	v24 =	vadd.f32 v31, v24;
	vm0 =	vge.f32 v17, $0.0e+00;
	v17 =	vld [tilespmem:s16+$0x490];
	[tilespmem:s13+$0x4D0] =	vst v13;
	(pc) =	sbr.rel @!p0 .LBB2_9-.Ltmp9, $4  }
0x88: {  	vm2 =	vge.f32 v21, $0.0e+00;
	v21 =	vnsel vm1, $0x0, v23;
	v13 =	vadd.f32 v22, v34;
	v19 =	vld [tilespmem:s16+$0x410];
	[tilespmem:s13+$0x450] =	vst v11;
	s13 =	smov.u32 s16  }
0x89: {  	v31 =	vnsel vm0, $0x0, v36;
	v23 =	vnsel vm2, $0x0, v35;
	v11 =	vnsel vm2, $0x0, v20;
	v22 =	vld [tilespmem:s13+$0xF0];
	[tilespmem:s13+$0x430] =	vst v21  }
0x8a: {  	v20 =	vperm.xlane v27, v0;
	[tilespmem:s13+$0xD0] =	vst v11;
	vm1 =	vge.f32 v13, $0.0e+00;
	v21 =	vadd.f32 v9, v5;
	v11 =	vld [tilespmem:s13+$0x450]  }
0x8b: {  	s14 =	sadd.s32 $0x200, s14;
	s17 =	smov.u32 s15;
	v29 =	vadd.f32 v7, v2;
	[tilespmem:s13+$0x40] =	vst v31;
	v31 =	vnsel vm1, $0x0, v25;
	v25 =	vnsel vm1, $0x0, v33;
	v13 =	vld [tilespmem:s13+$0x4D0]  }
0x8c: {  	[tilespmem:s13+$0x60] =	vst v31  }
0x8d: {  	[tilespmem:s13+$0x50] =	vst v23  }
0x8e: {  	[tilespmem:s13+$0x4B0] =	vst v26  }
0x8f: {  	v28 =	vadd.f32 v30, v28;
	v14 =	vnsel vm0, $0x0, v14;
	vm9 =	vge.f32 v24, $0.0e+00;
	[tilespmem:s13+$0xE0] =	vst v25  }
0x90: {  	v40 =	vadd.f32 v20, v27;
	v48 =	vadd.f32 v4, v3;
	[tilespmem:s13+$0xC0] =	vst v14;
	v47 =	vnsel vm9, $0x0, v10  }
0x91: {  	v54 =	vperm.xlane v21, v0;
	v6 =	vnsel vm9, $0x0, v6;
	vm8 =	vge.f32 v28, $0.0e+00;
	[tilespmem:s13+$0x400] =	vst v47  }
0x92: {  	v43 =	vadd.f32 v17, v19;
	v49 =	vperm.xlane v29, v0;
	[tilespmem:s13+$0x480] =	vst v6;
	v16 =	vnsel vm8, $0x0, v16  }
0x93: {  	v41 =	vld [tilespmem:s13+$0x4A0];
	vm1 =	vge.f32 v40, $0.0e+00;
	v57 =	vadd.f32 v54, v21;
	v12 =	vnsel vm8, $0x0, v12;
	[tilespmem:s13+$0x90] =	vst v16  }
0x94: {  	v45 =	vld [tilespmem:s13+$0x420];
	v51 =	vperm.xlane v48, v0;
	v15 =	vnsel vm1, $0x0, v15;
	v52 =	vadd.f32 v49, v29;
	[tilespmem:s13+$0x10] =	vst v12  }
0x95: {  	v42 =	vadd.f32 v22, v18;
	v8 =	vnsel vm1, $0x0, v8;
	[tilespmem:s13+$0x0] =	vst v15;
	vm2 =	vge.f32 v57, $0.0e+00  }
0x96: {  	[tilespmem:s13+$0x80] =	vst v8;
	v6 =	vadd.f32 v51, v48;
	vm12 =	vge.f32 v52, $0.0e+00;
	v5 =	vnsel vm2, $0x0, v5  }
0x97: {  	v46 =	vperm.xlane v43, v0;
	v7 =	vnsel vm12, $0x0, v7;
	[tilespmem:s13+$0x440] =	vst v5  }
0x98: {  	v44 =	vperm.xlane v42, v0;
	vm13 =	vge.f32 v6, $0.0e+00;
	v2 =	vnsel vm12, $0x0, v2;
	[tilespmem:s13+$0xB0] =	vst v7  }
0x99: {  	v50 =	vadd.f32 v46, v43;
	v56 =	vadd.f32 v41, v45;
	v3 =	vnsel vm13, $0x0, v3;
	[tilespmem:s13+$0x30] =	vst v2  }
0x9a: {  	v58 =	vadd.f32 v13, v11;
	v16 =	vadd.f32 v44, v42;
	v62 =	vnsel vm13, $0x0, v4;
	[tilespmem:s13+$0x20] =	vst v3  }
0x9b: {  	vm11 =	vge.f32 v50, $0.0e+00;
	v60 =	vperm.xlane v56, v0;
	v2 =	vnsel vm2, $0x0, v9;
	[tilespmem:s13+$0xA0] =	vst v62  }
0x9c: {  	v61 =	vperm.xlane v58, v0;
	v8 =	vnsel vm11, $0x0, v19;
	[tilespmem:s13+$0x4C0] =	vst v2  }
0x9d: {  	vm10 =	vge.f32 v16, $0.0e+00;
	v59 =	vnsel vm11, $0x0, v17;
	[tilespmem:s13+$0x410] =	vst v8;
	v3 =	vadd.f32 v60, v56  }
0x9e: {  	v53 =	vnsel vm10, $0x0, v22;
	[tilespmem:s13+$0x490] =	vst v59  }
0x9f: {  	v55 =	vnsel vm10, $0x0, v18;
	[tilespmem:s13+$0xF0] =	vst v53;
	vm14 =	vge.f32 v3, $0.0e+00;
	v3 =	vadd.f32 v61, v58  }
.Ltmp10:
0xa0: {  	[tilespmem:s13+$0x70] =	vst v55;
	v63 =	vnsel vm14, $0x0, v41;
	(pc) =	sbr.rel .LBB2_14-.Ltmp10, $4  }
0xa1: {  	v2 =	vnsel vm14, $0x0, v45;
	vm15 =	vge.f32 v3, $0.0e+00;
	[tilespmem:s13+$0x4A0] =	vst v63  }
0xa2: {  	[tilespmem:s13+$0x420] =	vst v2;
	v3 =	vnsel vm15, $0x0, v13  }
0xa3: {  	v2 =	vnsel vm15, $0x0, v11;
	[tilespmem:s13+$0x4D0] =	vst v3  }
0xa4: {  	[tilespmem:s13+$0x450] =	vst v2  }
.LBB2_6:
0xa5: {  	s14 =	simm.s32 $0x0  }
.LBB2_7:
0xa6: {  	s15 =	sand.u32 $0xF800, s13;
	s16 =	sand.u32 $0x200, s14  }
0xa7: {  	s15 =	sor.u32 s16, s15  }
0xa8: {  	v2 =	vld [tilespmem:s15+$0x0]  }
0xa9: {  	v3 =	vld [tilespmem:s15+$0x80]  }
0xaa: {  	v4 =	vld [tilespmem:s15+$0x100]  }
0xab: {  	v5 =	vld [tilespmem:s15+$0x180]  }
0xac: {  	v6 =	vld [tilespmem:s15+$0x10]  }
0xad: {  	v7 =	vld [tilespmem:s15+$0x90]  }
0xae: {  	v8 =	vld [tilespmem:s15+$0x110]  }
0xaf: {  	v9 =	vld [tilespmem:s15+$0x190];
	_ =	sdelay $0x1  }
0xb0: {  	v12 =	vld [tilespmem:s15+$0x20]  }
0xb1: {  	v13 =	vld [tilespmem:s15+$0xA0];
	v10 =	vadd.f32 v3, v2;
	v11 =	vadd.f32 v5, v4  }
0xb2: {  	v33 =	vld [tilespmem:s15+$0x120];
	v17 =	vadd.f32 v7, v6  }
0xb3: {  	v14 =	vld [tilespmem:s15+$0x1A0];
	v18 =	vadd.f32 v9, v8;
	v10 =	vadd.f32 v11, v10  }
0xb4: {  	v16 =	vld [tilespmem:s15+$0x30]  }
0xb5: {  	v19 =	vld [tilespmem:s15+$0xB0];
	v17 =	vadd.f32 v18, v17;
	v15 =	vperm.xlane v10, v0  }
0xb6: {  	v34 =	vld [tilespmem:s15+$0x130]  }
0xb7: {  	v35 =	vld [tilespmem:s15+$0x1B0];
	v22 =	vperm.xlane v17, v0;
	v10 =	vadd.f32 v10, v15  }
0xb8: {  	v21 =	vld [tilespmem:s15+$0x50];
	v23 =	vadd.f32 v13, v12  }
0xb9: {  	v25 =	vld [tilespmem:s15+$0xD0];
	v24 =	vadd.f32 v14, v33;
	v17 =	vadd.f32 v17, v22;
	v20 =	vperm.xlane v10, v1  }
0xba: {  	v36 =	vld [tilespmem:s15+$0x150]  }
0xbb: {  	v38 =	vld [tilespmem:s15+$0x1D0];
	v37 =	vadd.f32 v24, v23;
	v40 =	vperm.xlane v17, v1;
	v10 =	vadd.f32 v10, v20  }
0xbc: {  	v39 =	vadd.f32 v19, v16;
	v26 =	vadd.f32 v35, v34  }
0xbd: {  	v28 =	vld [tilespmem:s15+$0x60];
	v27 =	vperm.xlane v37, v0;
	v42 =	vadd.f32 v17, v40;
	vm0 =	vge.f32 v10, $0.0e+00  }
0xbe: {  	v41 =	vld [tilespmem:s15+$0xE0];
	v45 =	vadd.f32 v25, v21;
	v24 =	vadd.f32 v26, v39;
	v2 =	vnsel vm0, $0x0, v2  }
0xbf: {  	v44 =	vld [tilespmem:s15+$0x160];
	v43 =	vadd.f32 v37, v27;
	vm15 =	vge.f32 v42, $0.0e+00;
	v3 =	vnsel vm0, $0x0, v3;
	[tilespmem:s15+$0x0] =	vst v2  }
0xc0: {  	v29 =	vld [tilespmem:s15+$0x1E0];
	v46 =	vadd.f32 v38, v36;
	v51 =	vnsel vm15, $0x0, v8;
	[tilespmem:s15+$0x80] =	vst v3;
	v3 =	vperm.xlane v24, v0  }
0xc1: {  	v48 =	vld [tilespmem:s15+$0x70];
	v47 =	vperm.xlane v43, v1;
	v2 =	vnsel vm0, $0x0, v4;
	[tilespmem:s15+$0x110] =	vst v51  }
0xc2: {  	v50 =	vld [tilespmem:s15+$0xF0];
	v49 =	vadd.f32 v46, v45;
	[tilespmem:s15+$0x100] =	vst v2;
	v2 =	vnsel vm0, $0x0, v5;
	v3 =	vadd.f32 v24, v3  }
0xc3: {  	v52 =	vld [tilespmem:s15+$0x170];
	v56 =	vadd.f32 v41, v28;
	v4 =	vadd.f32 v43, v47;
	[tilespmem:s15+$0x180] =	vst v2;
	v2 =	vnsel vm15, $0x0, v6  }
0xc4: {  	v55 =	vld [tilespmem:s15+$0x1F0];
	v54 =	vperm.xlane v49, v0;
	[tilespmem:s15+$0x10] =	vst v2;
	v2 =	vnsel vm15, $0x0, v7;
	v53 =	vperm.xlane v3, v1  }
0xc5: {  	v57 =	vadd.f32 v29, v44;
	vm4 =	vge.f32 v4, $0.0e+00;
	[tilespmem:s15+$0x90] =	vst v2;
	v2 =	vnsel vm15, $0x0, v9  }
0xc6: {  	v58 =	vnsel vm4, $0x0, v12;
	[tilespmem:s15+$0x190] =	vst v2;
	v2 =	vadd.f32 v3, v53;
	v3 =	vadd.f32 v49, v54  }
0xc7: {  	v62 =	vadd.f32 v50, v48;
	v4 =	vadd.f32 v57, v56;
	v59 =	vnsel vm4, $0x0, v13;
	[tilespmem:s15+$0x20] =	vst v58  }
0xc8: {  	v60 =	vnsel vm4, $0x0, v33;
	[tilespmem:s15+$0xA0] =	vst v59;
	vm5 =	vge.f32 v2, $0.0e+00;
	v2 =	vperm.xlane v3, v1  }
0xc9: {  	v63 =	vadd.f32 v55, v52;
	v61 =	vnsel vm4, $0x0, v14;
	[tilespmem:s15+$0x120] =	vst v60;
	v7 =	vperm.xlane v4, v0  }
0xca: {  	[tilespmem:s15+$0x1A0] =	vst v61;
	v2 =	vadd.f32 v3, v2;
	v3 =	vnsel vm5, $0x0, v16  }
0xcb: {  	v12 =	vadd.f32 v63, v62;
	v13 =	vnsel vm5, $0x0, v19;
	[tilespmem:s15+$0x30] =	vst v3;
	v3 =	vadd.f32 v4, v7  }
0xcc: {  	v14 =	vnsel vm5, $0x0, v34;
	v15 =	vnsel vm5, $0x0, v35;
	[tilespmem:s15+$0xB0] =	vst v13  }
0xcd: {  	[tilespmem:s15+$0x130] =	vst v14;
	v16 =	vperm.xlane v12, v0;
	vm6 =	vge.f32 v2, $0.0e+00;
	v2 =	vperm.xlane v3, v1  }
0xce: {  	[tilespmem:s15+$0x1B0] =	vst v15;
	v18 =	vnsel vm6, $0x0, v21  }
0xcf: {  	v19 =	vnsel vm6, $0x0, v25;
	[tilespmem:s15+$0x50] =	vst v18;
	v2 =	vadd.f32 v3, v2;
	v3 =	vadd.f32 v12, v16  }
0xd0: {  	v21 =	vnsel vm6, $0x0, v36;
	[tilespmem:s15+$0xD0] =	vst v19  }
0xd1: {  	v25 =	vnsel vm6, $0x0, v38;
	[tilespmem:s15+$0x150] =	vst v21;
	vm7 =	vge.f32 v2, $0.0e+00;
	v2 =	vperm.xlane v3, v1  }
0xd2: {  	[tilespmem:s15+$0x1D0] =	vst v25;
	v27 =	vnsel vm7, $0x0, v28  }
0xd3: {  	v28 =	vnsel vm7, $0x0, v41;
	[tilespmem:s15+$0x60] =	vst v27;
	v2 =	vadd.f32 v3, v2  }
0xd4: {  	[tilespmem:s15+$0xE0] =	vst v28;
	v3 =	vnsel vm7, $0x0, v44  }
0xd5: {  	s16 =	simm.s32 $0x1;
	[tilespmem:s15+$0x160] =	vst v3;
	v3 =	vnsel vm7, $0x0, v29;
	vm8 =	vge.f32 v2, $0.0e+00  }
0xd6: {  	s16 =	simm.s32 @!p0 $0x0;
	v30 =	vld [tilespmem:s15+$0xC0];
	[tilespmem:s15+$0x1E0] =	vst v3;
	v3 =	vnsel vm8, $0x0, v48  }
0xd7: {  	v31 =	vld [tilespmem:s15+$0x140];
	s16 =	sshll.u32 s16, $0x9;
	[tilespmem:s15+$0x70] =	vst v3;
	v3 =	vnsel vm8, $0x0, v50  }
0xd8: {  	v32 =	vld [tilespmem:s15+$0x1C0];
	s16 =	sadd.s32 s16, s13;
	[tilespmem:s15+$0xF0] =	vst v3;
	v3 =	vnsel vm8, $0x0, v55  }
0xd9: {  	s20 =	sor.u32 $0x400, s16;
	s17 =	sadd.s32 $0x80, s16;
	v2 =	vld [tilespmem:s15+$0x40];
	v33 =	vnsel vm8, $0x0, v52;
	[tilespmem:s15+$0x1F0] =	vst v3  }
0xda: {  	s18 =	sadd.s32 $0x100, s16;
	s21 =	sor.u32 $0x400, s17;
	[tilespmem:s15+$0x170] =	vst v33;
	v3 =	vld [tilespmem:s20+$0x0]  }
0xdb: {  	s19 =	sadd.s32 $0x180, s16;
	s22 =	sor.u32 $0x400, s18;
	v7 =	vld [tilespmem:s21+$0x0]  }
0xdc: {  	s23 =	sor.u32 $0x400, s19;
	v34 =	vld [tilespmem:s22+$0x0]  }
0xdd: {  	v35 =	vld [tilespmem:s23+$0x0]  }
0xde: {  	v37 =	vadd.f32 v32, v31;
	v36 =	vadd.f32 v30, v2;
	_ =	sdelay $0x1  }
0xdf: {  	v10 =	vadd.f32 v37, v36;
	_ =	sdelay $0x1  }
0xe0: {  	v11 =	vperm.xlane v10, v0;
	v38 =	vadd.f32 v7, v3;
	v39 =	vadd.f32 v35, v34;
	_ =	sdelay $0x1  }
0xe1: {  	v10 =	vadd.f32 v10, v11;
	v40 =	vadd.f32 v39, v38;
	_ =	sdelay $0x1  }
0xe2: {  	v41 =	vperm.xlane v10, v1;
	v13 =	vperm.xlane v40, v0;
	_ =	sdelay $0x1  }
0xe3: {  	v10 =	vadd.f32 v10, v41;
	v11 =	vadd.f32 v40, v13;
	_ =	sdelay $0x1  }
0xe4: {  	vm9 =	vge.f32 v10, $0.0e+00;
	v42 =	vperm.xlane v11, v1  }
0xe5: {  	v2 =	vnsel vm9, $0x0, v2  }
0xe6: {  	v4 =	vnsel vm9, $0x0, v30;
	[tilespmem:s15+$0x40] =	vst v2;
	v2 =	vadd.f32 v11, v42  }
0xe7: {  	v43 =	vnsel vm9, $0x0, v31;
	[tilespmem:s15+$0xC0] =	vst v4  }
0xe8: {  	v44 =	vnsel vm9, $0x0, v32;
	[tilespmem:s15+$0x140] =	vst v43;
	vm10 =	vge.f32 v2, $0.0e+00  }
0xe9: {  	[tilespmem:s15+$0x1C0] =	vst v44;
	v2 =	vnsel vm10, $0x0, v3  }
0xea: {  	[tilespmem:s20+$0x0] =	vst v2;
	v2 =	vnsel vm10, $0x0, v7  }
0xeb: {  	[tilespmem:s21+$0x0] =	vst v2;
	v2 =	vnsel vm10, $0x0, v34  }
0xec: {  	[tilespmem:s22+$0x0] =	vst v2;
	v2 =	vnsel vm10, $0x0, v35  }
0xed: {  	s28 =	sor.u32 $0x410, s16;
	[tilespmem:s23+$0x0] =	vst v2  }
0xee: {  	s29 =	sor.u32 $0x410, s17;
	v2 =	vld [tilespmem:s28+$0x0]  }
0xef: {  	s30 =	sor.u32 $0x410, s18;
	v3 =	vld [tilespmem:s29+$0x0]  }
0xf0: {  	s31 =	sor.u32 $0x410, s19;
	v4 =	vld [tilespmem:s30+$0x0]  }
0xf1: {  	v45 =	vld [tilespmem:s31+$0x0];
	_ =	sdelay $0x4  }
0xf2: {  	v46 =	vadd.f32 v3, v2;
	v47 =	vadd.f32 v45, v4;
	_ =	sdelay $0x1  }
0xf3: {  	v6 =	vadd.f32 v47, v46;
	_ =	sdelay $0x1  }
0xf4: {  	v7 =	vperm.xlane v6, v0;
	_ =	sdelay $0x1  }
0xf5: {  	v6 =	vadd.f32 v6, v7;
	_ =	sdelay $0x1  }
0xf6: {  	v7 =	vperm.xlane v6, v1;
	_ =	sdelay $0x1  }
0xf7: {  	v6 =	vadd.f32 v6, v7;
	_ =	sdelay $0x1  }
0xf8: {  	vm11 =	vge.f32 v6, $0.0e+00  }
0xf9: {  	v2 =	vnsel vm11, $0x0, v2  }
0xfa: {  	[tilespmem:s28+$0x0] =	vst v2;
	v2 =	vnsel vm11, $0x0, v3  }
0xfb: {  	[tilespmem:s29+$0x0] =	vst v2;
	v2 =	vnsel vm11, $0x0, v4  }
0xfc: {  	[tilespmem:s30+$0x0] =	vst v2;
	v2 =	vnsel vm11, $0x0, v45  }
0xfd: {  	s23 =	sor.u32 $0x420, s16;
	[tilespmem:s31+$0x0] =	vst v2  }
0xfe: {  	s24 =	sor.u32 $0x420, s17;
	v2 =	vld [tilespmem:s23+$0x0]  }
0xff: {  	s25 =	sor.u32 $0x420, s18;
	v3 =	vld [tilespmem:s24+$0x0]  }
0x100: {  	s26 =	sor.u32 $0x420, s19;
	v48 =	vld [tilespmem:s25+$0x0]  }
0x101: {  	v49 =	vld [tilespmem:s26+$0x0];
	_ =	sdelay $0x4  }
0x102: {  	v50 =	vadd.f32 v3, v2;
	v51 =	vadd.f32 v49, v48;
	_ =	sdelay $0x1  }
0x103: {  	v6 =	vadd.f32 v51, v50;
	_ =	sdelay $0x1  }
0x104: {  	v7 =	vperm.xlane v6, v0;
	_ =	sdelay $0x1  }
0x105: {  	v6 =	vadd.f32 v6, v7;
	_ =	sdelay $0x1  }
0x106: {  	v7 =	vperm.xlane v6, v1;
	_ =	sdelay $0x1  }
0x107: {  	v6 =	vadd.f32 v6, v7;
	_ =	sdelay $0x1  }
0x108: {  	vm12 =	vge.f32 v6, $0.0e+00  }
0x109: {  	v2 =	vnsel vm12, $0x0, v2  }
0x10a: {  	[tilespmem:s23+$0x0] =	vst v2;
	v2 =	vnsel vm12, $0x0, v3  }
0x10b: {  	[tilespmem:s24+$0x0] =	vst v2;
	v2 =	vnsel vm12, $0x0, v48  }
0x10c: {  	[tilespmem:s25+$0x0] =	vst v2;
	v2 =	vnsel vm12, $0x0, v49  }
0x10d: {  	s28 =	sor.u32 $0x430, s16;
	[tilespmem:s26+$0x0] =	vst v2  }
0x10e: {  	s29 =	sor.u32 $0x430, s17;
	v2 =	vld [tilespmem:s28+$0x0]  }
0x10f: {  	s30 =	sor.u32 $0x430, s18;
	v3 =	vld [tilespmem:s29+$0x0]  }
0x110: {  	s31 =	sor.u32 $0x430, s19;
	v52 =	vld [tilespmem:s30+$0x0]  }
0x111: {  	v53 =	vld [tilespmem:s31+$0x0];
	_ =	sdelay $0x4  }
0x112: {  	v54 =	vadd.f32 v3, v2;
	v55 =	vadd.f32 v53, v52;
	_ =	sdelay $0x1  }
0x113: {  	v6 =	vadd.f32 v55, v54;
	_ =	sdelay $0x1  }
0x114: {  	v7 =	vperm.xlane v6, v0;
	_ =	sdelay $0x1  }
0x115: {  	v6 =	vadd.f32 v6, v7;
	_ =	sdelay $0x1  }
0x116: {  	v7 =	vperm.xlane v6, v1;
	_ =	sdelay $0x1  }
0x117: {  	v6 =	vadd.f32 v6, v7;
	_ =	sdelay $0x1  }
0x118: {  	vm13 =	vge.f32 v6, $0.0e+00  }
0x119: {  	v2 =	vnsel vm13, $0x0, v2  }
0x11a: {  	[tilespmem:s28+$0x0] =	vst v2;
	v2 =	vnsel vm13, $0x0, v3  }
0x11b: {  	[tilespmem:s29+$0x0] =	vst v2;
	v2 =	vnsel vm13, $0x0, v52  }
0x11c: {  	[tilespmem:s30+$0x0] =	vst v2;
	v2 =	vnsel vm13, $0x0, v53  }
0x11d: {  	s23 =	sor.u32 $0x440, s16;
	[tilespmem:s31+$0x0] =	vst v2  }
0x11e: {  	s24 =	sor.u32 $0x440, s17;
	v2 =	vld [tilespmem:s23+$0x0]  }
0x11f: {  	s25 =	sor.u32 $0x440, s18;
	v3 =	vld [tilespmem:s24+$0x0]  }
0x120: {  	s26 =	sor.u32 $0x440, s19;
	v56 =	vld [tilespmem:s25+$0x0]  }
0x121: {  	v57 =	vld [tilespmem:s26+$0x0];
	_ =	sdelay $0x4  }
0x122: {  	v58 =	vadd.f32 v3, v2;
	v59 =	vadd.f32 v57, v56;
	_ =	sdelay $0x1  }
0x123: {  	v6 =	vadd.f32 v59, v58;
	_ =	sdelay $0x1  }
0x124: {  	v7 =	vperm.xlane v6, v0;
	_ =	sdelay $0x1  }
0x125: {  	v6 =	vadd.f32 v6, v7;
	_ =	sdelay $0x1  }
0x126: {  	v7 =	vperm.xlane v6, v1;
	_ =	sdelay $0x1  }
0x127: {  	v6 =	vadd.f32 v6, v7;
	_ =	sdelay $0x1  }
0x128: {  	vm14 =	vge.f32 v6, $0.0e+00  }
0x129: {  	v2 =	vnsel vm14, $0x0, v2  }
0x12a: {  	[tilespmem:s23+$0x0] =	vst v2;
	v2 =	vnsel vm14, $0x0, v3  }
0x12b: {  	[tilespmem:s24+$0x0] =	vst v2;
	v2 =	vnsel vm14, $0x0, v56  }
0x12c: {  	[tilespmem:s25+$0x0] =	vst v2;
	v2 =	vnsel vm14, $0x0, v57  }
0x12d: {  	s28 =	sor.u32 $0x450, s16;
	[tilespmem:s26+$0x0] =	vst v2  }
0x12e: {  	s29 =	sor.u32 $0x450, s17;
	v2 =	vld [tilespmem:s28+$0x0]  }
0x12f: {  	s30 =	sor.u32 $0x450, s18;
	v3 =	vld [tilespmem:s29+$0x0]  }
0x130: {  	s31 =	sor.u32 $0x450, s19;
	v60 =	vld [tilespmem:s30+$0x0]  }
0x131: {  	v61 =	vld [tilespmem:s31+$0x0];
	_ =	sdelay $0x4  }
0x132: {  	v62 =	vadd.f32 v3, v2;
	v63 =	vadd.f32 v61, v60;
	_ =	sdelay $0x1  }
0x133: {  	v6 =	vadd.f32 v63, v62;
	_ =	sdelay $0x1  }
0x134: {  	v7 =	vperm.xlane v6, v0;
	_ =	sdelay $0x1  }
0x135: {  	v6 =	vadd.f32 v6, v7;
	_ =	sdelay $0x1  }
0x136: {  	v7 =	vperm.xlane v6, v1;
	_ =	sdelay $0x1  }
0x137: {  	v6 =	vadd.f32 v6, v7;
	_ =	sdelay $0x1  }
0x138: {  	p1 =	seq.s32 s14, $0x6E00;
	vm15 =	vge.f32 v6, $0.0e+00  }
.Ltmp11:
0x139: {  	v2 =	vnsel vm15, $0x0, v2;
	(pc) =	sbr.rel @!p1 .LBB2_7-.Ltmp11, $4  }
0x13a: {  	[tilespmem:s28+$0x0] =	vst v2;
	v2 =	vnsel vm15, $0x0, v3  }
0x13b: {  	[tilespmem:s29+$0x0] =	vst v2;
	v2 =	vnsel vm15, $0x0, v60  }
0x13c: {  	[tilespmem:s30+$0x0] =	vst v2;
	v2 =	vnsel vm15, $0x0, v61  }
0x13d: {  	s14 =	sadd.s32 $0x200, s14;
	p0 =	por !p0, !p0;
	s13 =	sadd.s32 $0x400, s13;
	[tilespmem:s31+$0x0] =	vst v2  }
.LBB2_14:
.Ltmp12:
0x13e: {  	s12 =	sadd.s32 s2, s12;
	(pc) =	sbr.rel .LBB2_15-.Ltmp12, $4  }
0x13f: {  	[hbm4b:s12+s4] =	stream.linear.scatter [tilespmem:s4], [sflag:$0x1], $0xE000, $0x38;
	[tilespmem:$0xE000] =	vst v63  }
0x140: {  	_ =	swait.ge [sflag:s9], $0xE000  }
0x141: {  	[sflag:s9] =	ssyncset.done $0x0  }
0x142: {  	[sflag:s9] =	ssyncadd.s32 $0xFFFF2000  }
.LBB2_17:
0x143: {  	_ =	sfence.sel $0x180000  }
0x144: {  	[bflag:$0x0] =	sbarrier.arrive $0xFFFF  }
0x145: {  	p0 =	sne.s32 s3, $0x0;
	_ =	strace $0x90000047  }
0x146: {  	s0 =	sadd.s32 @!p0 $0x100000, s1;
	[bflag:$0x2] =	sbarrier.arrive $0xFFFF  }
0x147: {  	[sflag:s0] =	ssyncadd.tile.s32 @!p0 $0x1;
	_ =	shalt  }
.Lfunc_end2:
_tile_overlayer_lowered:
.L_overlay_start_2:
0x148: {  	(tag) =	ssettag $0x2  }
0x149: {  	s0 =	rddreg [dreg:$0x0];
	s2 =	stileid.u32  }
0x14a: {  	s1 =	rddreg [dreg:$0x1];
	p0 =	sne.s32 s2, $0x0  }
0x14b: {  	s3 =	rddreg [dreg:$0x2];
	[bflag:$0x3] =	sbarrier.arrive $0xFFFF;
	s2 =	simm.s32 @!p0 $0x1C01  }
0x14c: {  	[timem:s3], [sflag:s2] =	dma.local @!p0 [hbm:s0], s1  }
0x14d: {  	s0 =	simm.s32 @!p0 $0x1  }
0x14e: {  	_ =	swait.ge @!p0 [sflag:s0], s1  }
0x14f: {  	s1 =	ssub.s32 @!p0 $0x0, s1;
	[sflag:s0] =	ssyncset.done @!p0 $0x0  }
0x150: {  	[sflag:s0] =	ssyncadd.s32 @!p0 s1  }
0x151: {  	[bflag:$0x3] =	sbarrier.arrive $0xFFFF  }
0x152: {  	_ =	shalt  }

</sc_bundles>
